<compile_context>
chip_gen: v7x
topology: tpu7x:2x2x1
jax: 0.10.2.dev20260603
libtpu: 0.0.44.dev20260713+nightly
codegen_flags: <defaults>
</compile_context>

<pallas_src>
import jax
import jax.numpy as jnp
from jax import lax
from jax.experimental import pallas as pl
from jax.experimental.pallas import tpu as pltpu
from jax.experimental.pallas import tpu_sc as plsc

B = 4
H = 512
WIDTH = 512
C = 64
HW = H * WIDTH
NPIX = B * HW
N = NPIX // 2
NCH = 3

NW = 32
PW = NPIX // NW
ROWS = PW // WIDTH
L = 16
UNR = 8

PBLK = 16384
NBT = N // PBLK
BLK = 2048
NBLK = N // BLK


def _proj_body(ft_ref, w_ref, proj_ref):
    p = lax.dot_general(w_ref[...], ft_ref[...], (((0,), (0,)), ((), ())),
                        preferred_element_type=jnp.float32)
    p8 = jnp.concatenate([p, jnp.zeros((8 - NCH, PBLK), jnp.float32)], axis=0)
    proj_ref[...] = p8


def _project(ft, w):
    return pl.pallas_call(
        _proj_body,
        grid=(NBT,),
        in_specs=[
            pl.BlockSpec((C, PBLK), lambda i: (0, i)),
            pl.BlockSpec((C, NCH), lambda i: (0, 0)),
        ],
        out_specs=pl.BlockSpec((8, PBLK), lambda i: (0, i)),
        out_shape=jax.ShapeDtypeStruct((8, N), jnp.float32),
    )(ft, w)


def _sc_body(proj_hbm, idx_hbm, wb_hbm, out_hbm,
             bounds_v, idx_v, val_v, plane_v, sem):
    cid = lax.axis_index("c")
    sid = lax.axis_index("s")
    wid = sid * 2 + cid

    pltpu.sync_copy(wb_hbm.at[pl.ds(wid * L, L)], bounds_v)
    bvec = bounds_v[...]
    kstart = bvec[0]
    kcnt = bvec[1]

    lo = wid * PW
    b = wid // (NW // B)
    h0 = pl.multiple_of((wid % (NW // B)) * ROWS, ROWS)

    z16 = jnp.zeros((L,), jnp.float32)

    def _zbody(rr, _):
        for ch in range(NCH):
            for u in range(WIDTH // L):
                plane_v[ch, rr, pl.ds(u * L, L)] = z16
        return 0
    lax.fori_loop(0, ROWS, _zbody, 0)

    def _blk_body(i, _):
        k = kstart + i
        cp1 = pltpu.async_copy(idx_hbm.at[pl.ds(k * BLK, BLK)],
                               idx_v.at[pl.ds(0, BLK)], sem)
        t_off = jnp.minimum((k + 1) * BLK, N - L)
        cp2 = pltpu.async_copy(idx_hbm.at[pl.ds(t_off, L)],
                               idx_v.at[pl.ds(BLK, L)], sem)
        q0 = pl.multiple_of(k * BLK, BLK)
        cp3 = pltpu.async_copy(proj_hbm.at[:, pl.ds(q0, BLK)], val_v, sem)
        cp1.wait()
        cp2.wait()
        cp3.wait()

        @pl.when(k == NBLK - 1)
        def _():
            idx_v[pl.ds(BLK, L)] = jnp.full((L,), -1, jnp.int32)

        def _grp_body(jo, _):
            for ji in range(UNR):
                j = jo * UNR + ji
                a = idx_v[pl.ds(j * L, L)]
                nxt = idx_v[pl.ds(j * L + 1, L)]
                lid = a - lo
                m = (a != nxt) & (lid >= 0) & (lid < PW)
                lidc = jnp.clip(lid, 0, PW - 1)
                dh = lidc >> 9
                w = lidc & (WIDTH - 1)
                for ch in range(NCH):
                    v = val_v[ch, pl.ds(j * L, L)]
                    plsc.store_scatter(
                        plane_v, [jnp.full((L,), ch, jnp.int32), dh, w],
                        v, mask=m)
            return 0
        lax.fori_loop(0, BLK // L // UNR, _grp_body, 0)
        return 0

    lax.fori_loop(0, kcnt, _blk_body, 0)

    for ch in range(NCH):
        pltpu.sync_copy(plane_v.at[ch],
                        out_hbm.at[b, ch, pl.ds(h0, ROWS)])


_sc_scatter = pl.kernel(
    _sc_body,
    out_type=jax.ShapeDtypeStruct((B, NCH, H, WIDTH), jnp.float32),
    mesh=plsc.VectorSubcoreMesh(core_axis_name="c", subcore_axis_name="s"),
    compiler_params=pltpu.CompilerParams(needs_layout_passes=False),
    scratch_types=[
        pltpu.VMEM((L,), jnp.int32),
        pltpu.VMEM((BLK + L,), jnp.int32),
        pltpu.VMEM((8, BLK), jnp.float32),
        pltpu.VMEM((NCH, ROWS, WIDTH), jnp.float32),
        pltpu.SemaphoreType.DMA,
    ],
)


def kernel(features, flat_idx, W):
    proj = _project(features.T, W)

    starts = jnp.searchsorted(flat_idx, jnp.arange(NW + 1, dtype=jnp.int32) * PW)
    st, en = starts[:-1], starts[1:]
    kstart = (st // BLK).astype(jnp.int32)
    kcnt = jnp.where(en > st, ((en - 1) // BLK).astype(jnp.int32) - kstart + 1, 0)
    wb = jnp.pad(jnp.stack([kstart, kcnt], axis=1), ((0, 0), (0, L - 2)))

    return _sc_scatter(proj, flat_idx, wb.reshape(NW * L))

# --- scband reference (transcript-rebuilt; emitter-appended) ---
"""Pipeline reference for scband-color-fusion-pipeline-81054622810140 (READ-ONLY COPY).

The authoritative reference and input builder live on the scoring server;
editing this copy changes nothing except your own understanding.
"""

import jax, jax.numpy as jnp
import numpy as np

# ColorFusionPipeline core: _features2image_format is a masked scatter-overwrite of
# per-point fused features into a dense (B, C, H, W) image buffer, followed by a
# lightweight per-pixel render head (DeterministicRenderer modeled as a 1x1 conv
# projecting C feature channels to 3 RGB channels).

B, H, W_, C = 4, 512, 512, 64
N = (B * H * W_) // 2  # number of True entries in points_mask
N_CHANNELS = 3


def setup_inputs(seed: int = 0) -> dict:
    key = jax.random.key(seed)
    k1, k2, k3 = jax.random.split(key, 3)
    features = jax.random.normal(k1, (N, C), dtype=jnp.float32)
    # flat pixel indices of masked points (equivalent to mask.view(B,H,W) True positions)
    flat_idx = jnp.sort(jax.random.randint(k2, (N,), 0, B * H * W_, dtype=jnp.int32))
    # render head weight (DeterministicRenderer 1x1 projection)
    W = jax.random.normal(k3, (C, N_CHANNELS), dtype=jnp.float32) * 0.05
    return {"features": features, "flat_idx": flat_idx, "W": W}


def reference(features, flat_idx, W):
    # _features2image_format: read_features = zeros(B,H,W,C); read_features[mask] = features
    buf = jnp.zeros((B * H * W_, C), dtype=features.dtype)
    buf = buf.at[flat_idx].set(features)  # scatter-overwrite into dense image buffer
    # .permute(0, 3, 1, 2).contiguous()
    img = buf.reshape(B, H, W_, C).transpose(0, 3, 1, 2)
    # render_net(features, frame): per-pixel linear projection to RGB
    rendered = jnp.einsum('bchw,cd->bdhw', img, W)
    return rendered

if __name__ == "__main__":
    import jax
    _d = setup_inputs()
    print(jax.jit(kernel)(*tuple(_d.values())))

</pallas_src>

<mosaic_0001>
#map = affine_map<(d0, d1) -> (0, 0)>
#map1 = affine_map<(d0, d1) -> (0)>
#map2 = affine_map<(d0, d1) -> (0, 0, 0, 0)>
module attributes {stable_mosaic.version = 14 : i64} {
  func.func @_sc_body(%arg0: i32, %arg1: i32, %arg2: memref<8x524288xf32, #tpu.memory_space<hbm>>, %arg3: memref<524288xi32, #tpu.memory_space<hbm>>, %arg4: memref<512xi32, #tpu.memory_space<hbm>>, %arg5: memref<4x3x512x512xf32, #tpu.memory_space<hbm>>, %arg6: memref<16xi32, #tpu.memory_space<vmem>>, %arg7: memref<2064xi32, #tpu.memory_space<vmem>>, %arg8: memref<8x2048xf32, #tpu.memory_space<vmem>>, %arg9: memref<3x64x512xf32, #tpu.memory_space<vmem>>, %arg10: memref<!tpu.dma_semaphore, #tpu.memory_space<semaphore_mem>>) attributes {dimension_semantics = [#tpu.dimension_semantics<core_parallel>, #tpu.dimension_semantics<subcore_parallel>], iteration_bounds = array<i64: 2, 16>, scalar_prefetch = 0 : i64, scratch_operands = 5 : i64, tpu.core_type = #tpu.core_type<sc_vector_subcore>, window_params = [{transform_indices = #map}, {transform_indices = #map1}, {transform_indices = #map1}, {transform_indices = #map2}]} {
    %mul3A = arith.constant 2 : i32
    %mul3A_0 = arith.muli %arg1, %mul3A : i32
    %add3A = arith.addi %mul3A_0, %arg0 : i32
    %mul3A_1 = arith.constant 16 : i32
    %mul3A_2 = arith.muli %add3A, %mul3A_1 : i32
    "tpu.region"() ({
      %run_scoped3A_63 = tpu.sem_alloc : memref<!tpu.dma_semaphore, #tpu.memory_space<semaphore_mem>>
      %dma_start3A = tpu.memref_slice %arg4[%mul3A_2] : memref<512xi32, #tpu.memory_space<hbm>> -> memref<16xi32, #tpu.memory_space<hbm>>
      %dma_start3A_64 = tpu.memref_slice %arg4[%mul3A_2] : memref<512xi32, #tpu.memory_space<hbm>> -> memref<16xi32, #tpu.memory_space<hbm>>
      tpu.enqueue_dma source(%dma_start3A_64 : memref<16xi32, #tpu.memory_space<hbm>>) target(%arg6 : memref<16xi32, #tpu.memory_space<vmem>>) target_semaphore(%run_scoped3A_63 : memref<!tpu.dma_semaphore, #tpu.memory_space<semaphore_mem>>)
      %dma_wait3A = tpu.memref_slice %arg4[%mul3A_2] : memref<512xi32, #tpu.memory_space<hbm>> -> memref<16xi32, #tpu.memory_space<hbm>>
      %dma_wait3A_65 = tpu.memref_slice %arg4[%mul3A_2] : memref<512xi32, #tpu.memory_space<hbm>> -> memref<16xi32, #tpu.memory_space<hbm>>
      tpu.wait_dma2 semaphore(%run_scoped3A_63 : memref<!tpu.dma_semaphore, #tpu.memory_space<semaphore_mem>>) src(%dma_wait3A_65 : memref<16xi32, #tpu.memory_space<hbm>>) dst(%arg6 : memref<16xi32, #tpu.memory_space<vmem>>)
      tpu.yield
    }) : () -> ()
    %get3A = arith.constant 0 : index
    %get3A_3 = tpu.vector_load %arg6[%get3A] {strides = array<i32>} : memref<16xi32, #tpu.memory_space<vmem>>, vector<16xi32>,
    %slice3A = vector.extract_strided_slice %get3A_3 {offsets = [0], sizes = [1], strides = [1]} : vector<16xi32> to vector<1xi32>
    %squeeze3A = vector.extract %slice3A[0] : i32 from vector<1xi32>
    %slice3A_4 = vector.extract_strided_slice %get3A_3 {offsets = [1], sizes = [1], strides = [1]} : vector<16xi32> to vector<1xi32>
    %squeeze3A_5 = vector.extract %slice3A_4[0] : i32 from vector<1xi32>
    %mul3A_6 = arith.constant 32768 : i32
    %mul3A_7 = arith.muli %add3A, %mul3A_6 : i32
    %jit3A = arith.constant 8 : i32
    %div3A = arith.divsi %add3A, %jit3A : i32
    %sign3A = arith.constant 0 : i32
    %sign3A_8 = arith.cmpi sgt, %add3A, %sign3A : i32
    %sign3A_9 = arith.extui %sign3A_8 : i1 to i32
    %sign3A_10 = arith.constant 0 : i32
    %sign3A_11 = arith.cmpi slt, %add3A, %sign3A_10 : i32
    %sign3A_12 = arith.extui %sign3A_11 : i1 to i32
    %sign3A_13 = arith.subi %sign3A_9, %sign3A_12 : i32
    %sign3A_14 = arith.constant 0 : i32
    %sign3A_15 = arith.cmpi sgt, %jit3A, %sign3A_14 : i32
    %sign3A_16 = arith.extui %sign3A_15 : i1 to i32
    %sign3A_17 = arith.constant 0 : i32
    %sign3A_18 = arith.cmpi slt, %jit3A, %sign3A_17 : i32
    %sign3A_19 = arith.extui %sign3A_18 : i1 to i32
    %sign3A_20 = arith.subi %sign3A_16, %sign3A_19 : i32
    %ne3A = arith.cmpi ne, %sign3A_13, %sign3A_20 : i32
    %rem3A = arith.remsi %add3A, %jit3A : i32
    %ne3A_21 = arith.constant 0 : i32
    %ne3A_22 = arith.cmpi ne, %rem3A, %ne3A_21 : i32
    %and3A = arith.andi %ne3A, %ne3A_22 : i1
    %sub3A = arith.constant 1 : i32
    %sub3A_23 = arith.subi %div3A, %sub3A : i32
    %select_n3A = arith.select %and3A, %sub3A_23, %div3A : i32
    %jit3A_24 = arith.constant 8 : i32
    %eq3A = arith.constant 0 : i32
    %eq3A_25 = arith.cmpi eq, %jit3A_24, %eq3A : i32
    %jit3A_26 = arith.constant 1 : i32
    %select_n3A_27 = arith.select %eq3A_25, %jit3A_26, %jit3A_24 : i32
    %rem3A_28 = arith.remsi %add3A, %select_n3A_27 : i32
    %ne3A_29 = arith.constant 0 : i32
    %ne3A_30 = arith.cmpi ne, %rem3A_28, %ne3A_29 : i32
    %lt3A = arith.constant 0 : i32
    %lt3A_31 = arith.cmpi slt, %rem3A_28, %lt3A : i32
    %lt3A_32 = arith.constant 0 : i32
    %lt3A_33 = arith.cmpi slt, %select_n3A_27, %lt3A_32 : i32
    %ne3A_34 = arith.xori %lt3A_31, %lt3A_33 : i1
    %and3A_35 = arith.andi %ne3A_34, %ne3A_30 : i1
    %add3A_36 = arith.addi %rem3A_28, %select_n3A_27 : i32
    %select_n3A_37 = arith.select %and3A_35, %add3A_36, %rem3A_28 : i32
    %mul3A_38 = arith.constant 64 : i32
    %mul3A_39 = arith.muli %select_n3A_37, %mul3A_38 : i32
    %multiple_of3A = tpu.assume_multiple %mul3A_39, 64 : i32
    %broadcast_in_dim3A = arith.constant 0.000000e+00 : f32
    %broadcast_in_dim3A_40 = vector.broadcast %broadcast_in_dim3A : f32 to vector<16xf32>
    %scan3A = arith.constant 0 : i32
    %scan3A_41 = arith.constant 0 : i32
    %scan3A_42 = arith.constant 64 : i32
    %scan3A_43 = arith.addi %scan3A_41, %scan3A_42 : i32
    %scan3A_44 = arith.constant 1 : i32
    %scan3A_45 = scf.for %scan3A_63 = %scan3A_41 to %scan3A_43 step %scan3A_44 iter_args(%scan3A_64 = %scan3A) -> (i32)  : i32 {
      %swap3A = arith.constant 0 : i32
      %swap3A_65 = arith.index_cast %swap3A : i32 to index
      %swap3A_66 = arith.index_cast %scan3A_63 : i32 to index
      %swap3A_67 = arith.constant 0 : index
      %swap3A_68 = tpu.vector_load %arg9[%swap3A_65, %swap3A_66, %swap3A_67] {strides = array<i32>} : memref<3x64x512xf32, #tpu.memory_space<vmem>>, vector<16xf32>,
      tpu.vector_store %arg9[%swap3A_65, %swap3A_66, %swap3A_67], %broadcast_in_dim3A_40 {strides = array<i32>} : memref<3x64x512xf32, #tpu.memory_space<vmem>>, vector<16xf32>,
      %swap3A_69 = arith.constant 0 : i32
      %swap3A_70 = arith.index_cast %swap3A_69 : i32 to index
      %swap3A_71 = arith.index_cast %scan3A_63 : i32 to index
      %swap3A_72 = arith.constant 16 : index
      %swap3A_73 = tpu.vector_load %arg9[%swap3A_70, %swap3A_71, %swap3A_72] {strides = array<i32>} : memref<3x64x512xf32, #tpu.memory_space<vmem>>, vector<16xf32>,
      tpu.vector_store %arg9[%swap3A_70, %swap3A_71, %swap3A_72], %broadcast_in_dim3A_40 {strides = array<i32>} : memref<3x64x512xf32, #tpu.memory_space<vmem>>, vector<16xf32>,
      %swap3A_74 = arith.constant 0 : i32
      %swap3A_75 = arith.index_cast %swap3A_74 : i32 to index
      %swap3A_76 = arith.index_cast %scan3A_63 : i32 to index
      %swap3A_77 = arith.constant 32 : index
      %swap3A_78 = tpu.vector_load %arg9[%swap3A_75, %swap3A_76, %swap3A_77] {strides = array<i32>} : memref<3x64x512xf32, #tpu.memory_space<vmem>>, vector<16xf32>,
      tpu.vector_store %arg9[%swap3A_75, %swap3A_76, %swap3A_77], %broadcast_in_dim3A_40 {strides = array<i32>} : memref<3x64x512xf32, #tpu.memory_space<vmem>>, vector<16xf32>,
      %swap3A_79 = arith.constant 0 : i32
      %swap3A_80 = arith.index_cast %swap3A_79 : i32 to index
      %swap3A_81 = arith.index_cast %scan3A_63 : i32 to index
      %swap3A_82 = arith.constant 48 : index
      %swap3A_83 = tpu.vector_load %arg9[%swap3A_80, %swap3A_81, %swap3A_82] {strides = array<i32>} : memref<3x64x512xf32, #tpu.memory_space<vmem>>, vector<16xf32>,
      tpu.vector_store %arg9[%swap3A_80, %swap3A_81, %swap3A_82], %broadcast_in_dim3A_40 {strides = array<i32>} : memref<3x64x512xf32, #tpu.memory_space<vmem>>, vector<16xf32>,
      %swap3A_84 = arith.constant 0 : i32
      %swap3A_85 = arith.index_cast %swap3A_84 : i32 to index
      %swap3A_86 = arith.index_cast %scan3A_63 : i32 to index
      %swap3A_87 = arith.constant 64 : index
      %swap3A_88 = tpu.vector_load %arg9[%swap3A_85, %swap3A_86, %swap3A_87] {strides = array<i32>} : memref<3x64x512xf32, #tpu.memory_space<vmem>>, vector<16xf32>,
      tpu.vector_store %arg9[%swap3A_85, %swap3A_86, %swap3A_87], %broadcast_in_dim3A_40 {strides = array<i32>} : memref<3x64x512xf32, #tpu.memory_space<vmem>>, vector<16xf32>,
      %swap3A_89 = arith.constant 0 : i32
      %swap3A_90 = arith.index_cast %swap3A_89 : i32 to index
      %swap3A_91 = arith.index_cast %scan3A_63 : i32 to index
      %swap3A_92 = arith.constant 80 : index
      %swap3A_93 = tpu.vector_load %arg9[%swap3A_90, %swap3A_91, %swap3A_92] {strides = array<i32>} : memref<3x64x512xf32, #tpu.memory_space<vmem>>, vector<16xf32>,
      tpu.vector_store %arg9[%swap3A_90, %swap3A_91, %swap3A_92], %broadcast_in_dim3A_40 {strides = array<i32>} : memref<3x64x512xf32, #tpu.memory_space<vmem>>, vector<16xf32>,
      %swap3A_94 = arith.constant 0 : i32
      %swap3A_95 = arith.index_cast %swap3A_94 : i32 to index
      %swap3A_96 = arith.index_cast %scan3A_63 : i32 to index
      %swap3A_97 = arith.constant 96 : index
      %swap3A_98 = tpu.vector_load %arg9[%swap3A_95, %swap3A_96, %swap3A_97] {strides = array<i32>} : memref<3x64x512xf32, #tpu.memory_space<vmem>>, vector<16xf32>,
      tpu.vector_store %arg9[%swap3A_95, %swap3A_96, %swap3A_97], %broadcast_in_dim3A_40 {strides = array<i32>} : memref<3x64x512xf32, #tpu.memory_space<vmem>>, vector<16xf32>,
      %swap3A_99 = arith.constant 0 : i32
      %swap3A_100 = arith.index_cast %swap3A_99 : i32 to index
      %swap3A_101 = arith.index_cast %scan3A_63 : i32 to index
      %swap3A_102 = arith.constant 112 : index
      %swap3A_103 = tpu.vector_load %arg9[%swap3A_100, %swap3A_101, %swap3A_102] {strides = array<i32>} : memref<3x64x512xf32, #tpu.memory_space<vmem>>, vector<16xf32>,
      tpu.vector_store %arg9[%swap3A_100, %swap3A_101, %swap3A_102], %broadcast_in_dim3A_40 {strides = array<i32>} : memref<3x64x512xf32, #tpu.memory_space<vmem>>, vector<16xf32>,
      %swap3A_104 = arith.constant 0 : i32
      %swap3A_105 = arith.index_cast %swap3A_104 : i32 to index
      %swap3A_106 = arith.index_cast %scan3A_63 : i32 to index
      %swap3A_107 = arith.constant 128 : index
      %swap3A_108 = tpu.vector_load %arg9[%swap3A_105, %swap3A_106, %swap3A_107] {strides = array<i32>} : memref<3x64x512xf32, #tpu.memory_space<vmem>>, vector<16xf32>,
      tpu.vector_store %arg9[%swap3A_105, %swap3A_106, %swap3A_107], %broadcast_in_dim3A_40 {strides = array<i32>} : memref<3x64x512xf32, #tpu.memory_space<vmem>>, vector<16xf32>,
      %swap3A_109 = arith.constant 0 : i32
      %swap3A_110 = arith.index_cast %swap3A_109 : i32 to index
      %swap3A_111 = arith.index_cast %scan3A_63 : i32 to index
      %swap3A_112 = arith.constant 144 : index
      %swap3A_113 = tpu.vector_load %arg9[%swap3A_110, %swap3A_111, %swap3A_112] {strides = array<i32>} : memref<3x64x512xf32, #tpu.memory_space<vmem>>, vector<16xf32>,
      tpu.vector_store %arg9[%swap3A_110, %swap3A_111, %swap3A_112], %broadcast_in_dim3A_40 {strides = array<i32>} : memref<3x64x512xf32, #tpu.memory_space<vmem>>, vector<16xf32>,
      %swap3A_114 = arith.constant 0 : i32
      %swap3A_115 = arith.index_cast %swap3A_114 : i32 to index
      %swap3A_116 = arith.index_cast %scan3A_63 : i32 to index
      %swap3A_117 = arith.constant 160 : index
      %swap3A_118 = tpu.vector_load %arg9[%swap3A_115, %swap3A_116, %swap3A_117] {strides = array<i32>} : memref<3x64x512xf32, #tpu.memory_space<vmem>>, vector<16xf32>,
      tpu.vector_store %arg9[%swap3A_115, %swap3A_116, %swap3A_117], %broadcast_in_dim3A_40 {strides = array<i32>} : memref<3x64x512xf32, #tpu.memory_space<vmem>>, vector<16xf32>,
      %swap3A_119 = arith.constant 0 : i32
      %swap3A_120 = arith.index_cast %swap3A_119 : i32 to index
      %swap3A_121 = arith.index_cast %scan3A_63 : i32 to index
      %swap3A_122 = arith.constant 176 : index
      %swap3A_123 = tpu.vector_load %arg9[%swap3A_120, %swap3A_121, %swap3A_122] {strides = array<i32>} : memref<3x64x512xf32, #tpu.memory_space<vmem>>, vector<16xf32>,
      tpu.vector_store %arg9[%swap3A_120, %swap3A_121, %swap3A_122], %broadcast_in_dim3A_40 {strides = array<i32>} : memref<3x64x512xf32, #tpu.memory_space<vmem>>, vector<16xf32>,
      %swap3A_124 = arith.constant 0 : i32
      %swap3A_125 = arith.index_cast %swap3A_124 : i32 to index
      %swap3A_126 = arith.index_cast %scan3A_63 : i32 to index
      %swap3A_127 = arith.constant 192 : index
      %swap3A_128 = tpu.vector_load %arg9[%swap3A_125, %swap3A_126, %swap3A_127] {strides = array<i32>} : memref<3x64x512xf32, #tpu.memory_space<vmem>>, vector<16xf32>,
      tpu.vector_store %arg9[%swap3A_125, %swap3A_126, %swap3A_127], %broadcast_in_dim3A_40 {strides = array<i32>} : memref<3x64x512xf32, #tpu.memory_space<vmem>>, vector<16xf32>,
      %swap3A_129 = arith.constant 0 : i32
      %swap3A_130 = arith.index_cast %swap3A_129 : i32 to index
      %swap3A_131 = arith.index_cast %scan3A_63 : i32 to index
      %swap3A_132 = arith.constant 208 : index
      %swap3A_133 = tpu.vector_load %arg9[%swap3A_130, %swap3A_131, %swap3A_132] {strides = array<i32>} : memref<3x64x512xf32, #tpu.memory_space<vmem>>, vector<16xf32>,
      tpu.vector_store %arg9[%swap3A_130, %swap3A_131, %swap3A_132], %broadcast_in_dim3A_40 {strides = array<i32>} : memref<3x64x512xf32, #tpu.memory_space<vmem>>, vector<16xf32>,
      %swap3A_134 = arith.constant 0 : i32
      %swap3A_135 = arith.index_cast %swap3A_134 : i32 to index
      %swap3A_136 = arith.index_cast %scan3A_63 : i32 to index
      %swap3A_137 = arith.constant 224 : index
      %swap3A_138 = tpu.vector_load %arg9[%swap3A_135, %swap3A_136, %swap3A_137] {strides = array<i32>} : memref<3x64x512xf32, #tpu.memory_space<vmem>>, vector<16xf32>,
      tpu.vector_store %arg9[%swap3A_135, %swap3A_136, %swap3A_137], %broadcast_in_dim3A_40 {strides = array<i32>} : memref<3x64x512xf32, #tpu.memory_space<vmem>>, vector<16xf32>,
      %swap3A_139 = arith.constant 0 : i32
      %swap3A_140 = arith.index_cast %swap3A_139 : i32 to index
      %swap3A_141 = arith.index_cast %scan3A_63 : i32 to index
      %swap3A_142 = arith.constant 240 : index
      %swap3A_143 = tpu.vector_load %arg9[%swap3A_140, %swap3A_141, %swap3A_142] {strides = array<i32>} : memref<3x64x512xf32, #tpu.memory_space<vmem>>, vector<16xf32>,
      tpu.vector_store %arg9[%swap3A_140, %swap3A_141, %swap3A_142], %broadcast_in_dim3A_40 {strides = array<i32>} : memref<3x64x512xf32, #tpu.memory_space<vmem>>, vector<16xf32>,
      %swap3A_144 = arith.constant 0 : i32
      %swap3A_145 = arith.index_cast %swap3A_144 : i32 to index
      %swap3A_146 = arith.index_cast %scan3A_63 : i32 to index
      %swap3A_147 = arith.constant 256 : index
      %swap3A_148 = tpu.vector_load %arg9[%swap3A_145, %swap3A_146, %swap3A_147] {strides = array<i32>} : memref<3x64x512xf32, #tpu.memory_space<vmem>>, vector<16xf32>,
      tpu.vector_store %arg9[%swap3A_145, %swap3A_146, %swap3A_147], %broadcast_in_dim3A_40 {strides = array<i32>} : memref<3x64x512xf32, #tpu.memory_space<vmem>>, vector<16xf32>,
      %swap3A_149 = arith.constant 0 : i32
      %swap3A_150 = arith.index_cast %swap3A_149 : i32 to index
      %swap3A_151 = arith.index_cast %scan3A_63 : i32 to index
      %swap3A_152 = arith.constant 272 : index
      %swap3A_153 = tpu.vector_load %arg9[%swap3A_150, %swap3A_151, %swap3A_152] {strides = array<i32>} : memref<3x64x512xf32, #tpu.memory_space<vmem>>, vector<16xf32>,
      tpu.vector_store %arg9[%swap3A_150, %swap3A_151, %swap3A_152], %broadcast_in_dim3A_40 {strides = array<i32>} : memref<3x64x512xf32, #tpu.memory_space<vmem>>, vector<16xf32>,
      %swap3A_154 = arith.constant 0 : i32
      %swap3A_155 = arith.index_cast %swap3A_154 : i32 to index
      %swap3A_156 = arith.index_cast %scan3A_63 : i32 to index
      %swap3A_157 = arith.constant 288 : index
      %swap3A_158 = tpu.vector_load %arg9[%swap3A_155, %swap3A_156, %swap3A_157] {strides = array<i32>} : memref<3x64x512xf32, #tpu.memory_space<vmem>>, vector<16xf32>,
      tpu.vector_store %arg9[%swap3A_155, %swap3A_156, %swap3A_157], %broadcast_in_dim3A_40 {strides = array<i32>} : memref<3x64x512xf32, #tpu.memory_space<vmem>>, vector<16xf32>,
      %swap3A_159 = arith.constant 0 : i32
      %swap3A_160 = arith.index_cast %swap3A_159 : i32 to index
      %swap3A_161 = arith.index_cast %scan3A_63 : i32 to index
      %swap3A_162 = arith.constant 304 : index
      %swap3A_163 = tpu.vector_load %arg9[%swap3A_160, %swap3A_161, %swap3A_162] {strides = array<i32>} : memref<3x64x512xf32, #tpu.memory_space<vmem>>, vector<16xf32>,
      tpu.vector_store %arg9[%swap3A_160, %swap3A_161, %swap3A_162], %broadcast_in_dim3A_40 {strides = array<i32>} : memref<3x64x512xf32, #tpu.memory_space<vmem>>, vector<16xf32>,
      %swap3A_164 = arith.constant 0 : i32
      %swap3A_165 = arith.index_cast %swap3A_164 : i32 to index
      %swap3A_166 = arith.index_cast %scan3A_63 : i32 to index
      %swap3A_167 = arith.constant 320 : index
      %swap3A_168 = tpu.vector_load %arg9[%swap3A_165, %swap3A_166, %swap3A_167] {strides = array<i32>} : memref<3x64x512xf32, #tpu.memory_space<vmem>>, vector<16xf32>,
      tpu.vector_store %arg9[%swap3A_165, %swap3A_166, %swap3A_167], %broadcast_in_dim3A_40 {strides = array<i32>} : memref<3x64x512xf32, #tpu.memory_space<vmem>>, vector<16xf32>,
      %swap3A_169 = arith.constant 0 : i32
      %swap3A_170 = arith.index_cast %swap3A_169 : i32 to index
      %swap3A_171 = arith.index_cast %scan3A_63 : i32 to index
      %swap3A_172 = arith.constant 336 : index
      %swap3A_173 = tpu.vector_load %arg9[%swap3A_170, %swap3A_171, %swap3A_172] {strides = array<i32>} : memref<3x64x512xf32, #tpu.memory_space<vmem>>, vector<16xf32>,
      tpu.vector_store %arg9[%swap3A_170, %swap3A_171, %swap3A_172], %broadcast_in_dim3A_40 {strides = array<i32>} : memref<3x64x512xf32, #tpu.memory_space<vmem>>, vector<16xf32>,
      %swap3A_174 = arith.constant 0 : i32
      %swap3A_175 = arith.index_cast %swap3A_174 : i32 to index
      %swap3A_176 = arith.index_cast %scan3A_63 : i32 to index
      %swap3A_177 = arith.constant 352 : index
      %swap3A_178 = tpu.vector_load %arg9[%swap3A_175, %swap3A_176, %swap3A_177] {strides = array<i32>} : memref<3x64x512xf32, #tpu.memory_space<vmem>>, vector<16xf32>,
      tpu.vector_store %arg9[%swap3A_175, %swap3A_176, %swap3A_177], %broadcast_in_dim3A_40 {strides = array<i32>} : memref<3x64x512xf32, #tpu.memory_space<vmem>>, vector<16xf32>,
      %swap3A_179 = arith.constant 0 : i32
      %swap3A_180 = arith.index_cast %swap3A_179 : i32 to index
      %swap3A_181 = arith.index_cast %scan3A_63 : i32 to index
      %swap3A_182 = arith.constant 368 : index
      %swap3A_183 = tpu.vector_load %arg9[%swap3A_180, %swap3A_181, %swap3A_182] {strides = array<i32>} : memref<3x64x512xf32, #tpu.memory_space<vmem>>, vector<16xf32>,
      tpu.vector_store %arg9[%swap3A_180, %swap3A_181, %swap3A_182], %broadcast_in_dim3A_40 {strides = array<i32>} : memref<3x64x512xf32, #tpu.memory_space<vmem>>, vector<16xf32>,
      %swap3A_184 = arith.constant 0 : i32
      %swap3A_185 = arith.index_cast %swap3A_184 : i32 to index
      %swap3A_186 = arith.index_cast %scan3A_63 : i32 to index
      %swap3A_187 = arith.constant 384 : index
      %swap3A_188 = tpu.vector_load %arg9[%swap3A_185, %swap3A_186, %swap3A_187] {strides = array<i32>} : memref<3x64x512xf32, #tpu.memory_space<vmem>>, vector<16xf32>,
      tpu.vector_store %arg9[%swap3A_185, %swap3A_186, %swap3A_187], %broadcast_in_dim3A_40 {strides = array<i32>} : memref<3x64x512xf32, #tpu.memory_space<vmem>>, vector<16xf32>,
      %swap3A_189 = arith.constant 0 : i32
      %swap3A_190 = arith.index_cast %swap3A_189 : i32 to index
      %swap3A_191 = arith.index_cast %scan3A_63 : i32 to index
      %swap3A_192 = arith.constant 400 : index
      %swap3A_193 = tpu.vector_load %arg9[%swap3A_190, %swap3A_191, %swap3A_192] {strides = array<i32>} : memref<3x64x512xf32, #tpu.memory_space<vmem>>, vector<16xf32>,
      tpu.vector_store %arg9[%swap3A_190, %swap3A_191, %swap3A_192], %broadcast_in_dim3A_40 {strides = array<i32>} : memref<3x64x512xf32, #tpu.memory_space<vmem>>, vector<16xf32>,
      %swap3A_194 = arith.constant 0 : i32
      %swap3A_195 = arith.index_cast %swap3A_194 : i32 to index
      %swap3A_196 = arith.index_cast %scan3A_63 : i32 to index
      %swap3A_197 = arith.constant 416 : index
      %swap3A_198 = tpu.vector_load %arg9[%swap3A_195, %swap3A_196, %swap3A_197] {strides = array<i32>} : memref<3x64x512xf32, #tpu.memory_space<vmem>>, vector<16xf32>,
      tpu.vector_store %arg9[%swap3A_195, %swap3A_196, %swap3A_197], %broadcast_in_dim3A_40 {strides = array<i32>} : memref<3x64x512xf32, #tpu.memory_space<vmem>>, vector<16xf32>,
      %swap3A_199 = arith.constant 0 : i32
      %swap3A_200 = arith.index_cast %swap3A_199 : i32 to index
      %swap3A_201 = arith.index_cast %scan3A_63 : i32 to index
      %swap3A_202 = arith.constant 432 : index
      %swap3A_203 = tpu.vector_load %arg9[%swap3A_200, %swap3A_201, %swap3A_202] {strides = array<i32>} : memref<3x64x512xf32, #tpu.memory_space<vmem>>, vector<16xf32>,
      tpu.vector_store %arg9[%swap3A_200, %swap3A_201, %swap3A_202], %broadcast_in_dim3A_40 {strides = array<i32>} : memref<3x64x512xf32, #tpu.memory_space<vmem>>, vector<16xf32>,
      %swap3A_204 = arith.constant 0 : i32
      %swap3A_205 = arith.index_cast %swap3A_204 : i32 to index
      %swap3A_206 = arith.index_cast %scan3A_63 : i32 to index
      %swap3A_207 = arith.constant 448 : index
      %swap3A_208 = tpu.vector_load %arg9[%swap3A_205, %swap3A_206, %swap3A_207] {strides = array<i32>} : memref<3x64x512xf32, #tpu.memory_space<vmem>>, vector<16xf32>,
      tpu.vector_store %arg9[%swap3A_205, %swap3A_206, %swap3A_207], %broadcast_in_dim3A_40 {strides = array<i32>} : memref<3x64x512xf32, #tpu.memory_space<vmem>>, vector<16xf32>,
      %swap3A_209 = arith.constant 0 : i32
      %swap3A_210 = arith.index_cast %swap3A_209 : i32 to index
      %swap3A_211 = arith.index_cast %scan3A_63 : i32 to index
      %swap3A_212 = arith.constant 464 : index
      %swap3A_213 = tpu.vector_load %arg9[%swap3A_210, %swap3A_211, %swap3A_212] {strides = array<i32>} : memref<3x64x512xf32, #tpu.memory_space<vmem>>, vector<16xf32>,
      tpu.vector_store %arg9[%swap3A_210, %swap3A_211, %swap3A_212], %broadcast_in_dim3A_40 {strides = array<i32>} : memref<3x64x512xf32, #tpu.memory_space<vmem>>, vector<16xf32>,
      %swap3A_214 = arith.constant 0 : i32
      %swap3A_215 = arith.index_cast %swap3A_214 : i32 to index
      %swap3A_216 = arith.index_cast %scan3A_63 : i32 to index
      %swap3A_217 = arith.constant 480 : index
      %swap3A_218 = tpu.vector_load %arg9[%swap3A_215, %swap3A_216, %swap3A_217] {strides = array<i32>} : memref<3x64x512xf32, #tpu.memory_space<vmem>>, vector<16xf32>,
      tpu.vector_store %arg9[%swap3A_215, %swap3A_216, %swap3A_217], %broadcast_in_dim3A_40 {strides = array<i32>} : memref<3x64x512xf32, #tpu.memory_space<vmem>>, vector<16xf32>,
      %swap3A_219 = arith.constant 0 : i32
      %swap3A_220 = arith.index_cast %swap3A_219 : i32 to index
      %swap3A_221 = arith.index_cast %scan3A_63 : i32 to index
      %swap3A_222 = arith.constant 496 : index
      %swap3A_223 = tpu.vector_load %arg9[%swap3A_220, %swap3A_221, %swap3A_222] {strides = array<i32>} : memref<3x64x512xf32, #tpu.memory_space<vmem>>, vector<16xf32>,
      tpu.vector_store %arg9[%swap3A_220, %swap3A_221, %swap3A_222], %broadcast_in_dim3A_40 {strides = array<i32>} : memref<3x64x512xf32, #tpu.memory_space<vmem>>, vector<16xf32>,
      %swap3A_224 = arith.constant 1 : i32
      %swap3A_225 = arith.index_cast %swap3A_224 : i32 to index
      %swap3A_226 = arith.index_cast %scan3A_63 : i32 to index
      %swap3A_227 = arith.constant 0 : index
      %swap3A_228 = tpu.vector_load %arg9[%swap3A_225, %swap3A_226, %swap3A_227] {strides = array<i32>} : memref<3x64x512xf32, #tpu.memory_space<vmem>>, vector<16xf32>,
      tpu.vector_store %arg9[%swap3A_225, %swap3A_226, %swap3A_227], %broadcast_in_dim3A_40 {strides = array<i32>} : memref<3x64x512xf32, #tpu.memory_space<vmem>>, vector<16xf32>,
      %swap3A_229 = arith.constant 1 : i32
      %swap3A_230 = arith.index_cast %swap3A_229 : i32 to index
      %swap3A_231 = arith.index_cast %scan3A_63 : i32 to index
      %swap3A_232 = arith.constant 16 : index
      %swap3A_233 = tpu.vector_load %arg9[%swap3A_230, %swap3A_231, %swap3A_232] {strides = array<i32>} : memref<3x64x512xf32, #tpu.memory_space<vmem>>, vector<16xf32>,
      tpu.vector_store %arg9[%swap3A_230, %swap3A_231, %swap3A_232], %broadcast_in_dim3A_40 {strides = array<i32>} : memref<3x64x512xf32, #tpu.memory_space<vmem>>, vector<16xf32>,
      %swap3A_234 = arith.constant 1 : i32
      %swap3A_235 = arith.index_cast %swap3A_234 : i32 to index
      %swap3A_236 = arith.index_cast %scan3A_63 : i32 to index
      %swap3A_237 = arith.constant 32 : index
      %swap3A_238 = tpu.vector_load %arg9[%swap3A_235, %swap3A_236, %swap3A_237] {strides = array<i32>} : memref<3x64x512xf32, #tpu.memory_space<vmem>>, vector<16xf32>,
      tpu.vector_store %arg9[%swap3A_235, %swap3A_236, %swap3A_237], %broadcast_in_dim3A_40 {strides = array<i32>} : memref<3x64x512xf32, #tpu.memory_space<vmem>>, vector<16xf32>,
      %swap3A_239 = arith.constant 1 : i32
      %swap3A_240 = arith.index_cast %swap3A_239 : i32 to index
      %swap3A_241 = arith.index_cast %scan3A_63 : i32 to index
      %swap3A_242 = arith.constant 48 : index
      %swap3A_243 = tpu.vector_load %arg9[%swap3A_240, %swap3A_241, %swap3A_242] {strides = array<i32>} : memref<3x64x512xf32, #tpu.memory_space<vmem>>, vector<16xf32>,
      tpu.vector_store %arg9[%swap3A_240, %swap3A_241, %swap3A_242], %broadcast_in_dim3A_40 {strides = array<i32>} : memref<3x64x512xf32, #tpu.memory_space<vmem>>, vector<16xf32>,
      %swap3A_244 = arith.constant 1 : i32
      %swap3A_245 = arith.index_cast %swap3A_244 : i32 to index
      %swap3A_246 = arith.index_cast %scan3A_63 : i32 to index
      %swap3A_247 = arith.constant 64 : index
      %swap3A_248 = tpu.vector_load %arg9[%swap3A_245, %swap3A_246, %swap3A_247] {strides = array<i32>} : memref<3x64x512xf32, #tpu.memory_space<vmem>>, vector<16xf32>,
      tpu.vector_store %arg9[%swap3A_245, %swap3A_246, %swap3A_247], %broadcast_in_dim3A_40 {strides = array<i32>} : memref<3x64x512xf32, #tpu.memory_space<vmem>>, vector<16xf32>,
      %swap3A_249 = arith.constant 1 : i32
      %swap3A_250 = arith.index_cast %swap3A_249 : i32 to index
      %swap3A_251 = arith.index_cast %scan3A_63 : i32 to index
      %swap3A_252 = arith.constant 80 : index
      %swap3A_253 = tpu.vector_load %arg9[%swap3A_250, %swap3A_251, %swap3A_252] {strides = array<i32>} : memref<3x64x512xf32, #tpu.memory_space<vmem>>, vector<16xf32>,
      tpu.vector_store %arg9[%swap3A_250, %swap3A_251, %swap3A_252], %broadcast_in_dim3A_40 {strides = array<i32>} : memref<3x64x512xf32, #tpu.memory_space<vmem>>, vector<16xf32>,
      %swap3A_254 = arith.constant 1 : i32
      %swap3A_255 = arith.index_cast %swap3A_254 : i32 to index
      %swap3A_256 = arith.index_cast %scan3A_63 : i32 to index
      %swap3A_257 = arith.constant 96 : index
      %swap3A_258 = tpu.vector_load %arg9[%swap3A_255, %swap3A_256, %swap3A_257] {strides = array<i32>} : memref<3x64x512xf32, #tpu.memory_space<vmem>>, vector<16xf32>,
      tpu.vector_store %arg9[%swap3A_255, %swap3A_256, %swap3A_257], %broadcast_in_dim3A_40 {strides = array<i32>} : memref<3x64x512xf32, #tpu.memory_space<vmem>>, vector<16xf32>,
      %swap3A_259 = arith.constant 1 : i32
      %swap3A_260 = arith.index_cast %swap3A_259 : i32 to index
      %swap3A_261 = arith.index_cast %scan3A_63 : i32 to index
      %swap3A_262 = arith.constant 112 : index
      %swap3A_263 = tpu.vector_load %arg9[%swap3A_260, %swap3A_261, %swap3A_262] {strides = array<i32>} : memref<3x64x512xf32, #tpu.memory_space<vmem>>, vector<16xf32>,
      tpu.vector_store %arg9[%swap3A_260, %swap3A_261, %swap3A_262], %broadcast_in_dim3A_40 {strides = array<i32>} : memref<3x64x512xf32, #tpu.memory_space<vmem>>, vector<16xf32>,
      %swap3A_264 = arith.constant 1 : i32
      %swap3A_265 = arith.index_cast %swap3A_264 : i32 to index
      %swap3A_266 = arith.index_cast %scan3A_63 : i32 to index
      %swap3A_267 = arith.constant 128 : index
      %swap3A_268 = tpu.vector_load %arg9[%swap3A_265, %swap3A_266, %swap3A_267] {strides = array<i32>} : memref<3x64x512xf32, #tpu.memory_space<vmem>>, vector<16xf32>,
      tpu.vector_store %arg9[%swap3A_265, %swap3A_266, %swap3A_267], %broadcast_in_dim3A_40 {strides = array<i32>} : memref<3x64x512xf32, #tpu.memory_space<vmem>>, vector<16xf32>,
      %swap3A_269 = arith.constant 1 : i32
      %swap3A_270 = arith.index_cast %swap3A_269 : i32 to index
      %swap3A_271 = arith.index_cast %scan3A_63 : i32 to index
      %swap3A_272 = arith.constant 144 : index
      %swap3A_273 = tpu.vector_load %arg9[%swap3A_270, %swap3A_271, %swap3A_272] {strides = array<i32>} : memref<3x64x512xf32, #tpu.memory_space<vmem>>, vector<16xf32>,
      tpu.vector_store %arg9[%swap3A_270, %swap3A_271, %swap3A_272], %broadcast_in_dim3A_40 {strides = array<i32>} : memref<3x64x512xf32, #tpu.memory_space<vmem>>, vector<16xf32>,
      %swap3A_274 = arith.constant 1 : i32
      %swap3A_275 = arith.index_cast %swap3A_274 : i32 to index
      %swap3A_276 = arith.index_cast %scan3A_63 : i32 to index
      %swap3A_277 = arith.constant 160 : index
      %swap3A_278 = tpu.vector_load %arg9[%swap3A_275, %swap3A_276, %swap3A_277] {strides = array<i32>} : memref<3x64x512xf32, #tpu.memory_space<vmem>>, vector<16xf32>,
      tpu.vector_store %arg9[%swap3A_275, %swap3A_276, %swap3A_277], %broadcast_in_dim3A_40 {strides = array<i32>} : memref<3x64x512xf32, #tpu.memory_space<vmem>>, vector<16xf32>,
      %swap3A_279 = arith.constant 1 : i32
      %swap3A_280 = arith.index_cast %swap3A_279 : i32 to index
      %swap3A_281 = arith.index_cast %scan3A_63 : i32 to index
      %swap3A_282 = arith.constant 176 : index
      %swap3A_283 = tpu.vector_load %arg9[%swap3A_280, %swap3A_281, %swap3A_282] {strides = array<i32>} : memref<3x64x512xf32, #tpu.memory_space<vmem>>, vector<16xf32>,
      tpu.vector_store %arg9[%swap3A_280, %swap3A_281, %swap3A_282], %broadcast_in_dim3A_40 {strides = array<i32>} : memref<3x64x512xf32, #tpu.memory_space<vmem>>, vector<16xf32>,
      %swap3A_284 = arith.constant 1 : i32
      %swap3A_285 = arith.index_cast %swap3A_284 : i32 to index
      %swap3A_286 = arith.index_cast %scan3A_63 : i32 to index
      %swap3A_287 = arith.constant 192 : index
      %swap3A_288 = tpu.vector_load %arg9[%swap3A_285, %swap3A_286, %swap3A_287] {strides = array<i32>} : memref<3x64x512xf32, #tpu.memory_space<vmem>>, vector<16xf32>,
      tpu.vector_store %arg9[%swap3A_285, %swap3A_286, %swap3A_287], %broadcast_in_dim3A_40 {strides = array<i32>} : memref<3x64x512xf32, #tpu.memory_space<vmem>>, vector<16xf32>,
      %swap3A_289 = arith.constant 1 : i32
      %swap3A_290 = arith.index_cast %swap3A_289 : i32 to index
      %swap3A_291 = arith.index_cast %scan3A_63 : i32 to index
      %swap3A_292 = arith.constant 208 : index
      %swap3A_293 = tpu.vector_load %arg9[%swap3A_290, %swap3A_291, %swap3A_292] {strides = array<i32>} : memref<3x64x512xf32, #tpu.memory_space<vmem>>, vector<16xf32>,
      tpu.vector_store %arg9[%swap3A_290, %swap3A_291, %swap3A_292], %broadcast_in_dim3A_40 {strides = array<i32>} : memref<3x64x512xf32, #tpu.memory_space<vmem>>, vector<16xf32>,
      %swap3A_294 = arith.constant 1 : i32
      %swap3A_295 = arith.index_cast %swap3A_294 : i32 to index
      %swap3A_296 = arith.index_cast %scan3A_63 : i32 to index
      %swap3A_297 = arith.constant 224 : index
      %swap3A_298 = tpu.vector_load %arg9[%swap3A_295, %swap3A_296, %swap3A_297] {strides = array<i32>} : memref<3x64x512xf32, #tpu.memory_space<vmem>>, vector<16xf32>,
      tpu.vector_store %arg9[%swap3A_295, %swap3A_296, %swap3A_297], %broadcast_in_dim3A_40 {strides = array<i32>} : memref<3x64x512xf32, #tpu.memory_space<vmem>>, vector<16xf32>,
      %swap3A_299 = arith.constant 1 : i32
      %swap3A_300 = arith.index_cast %swap3A_299 : i32 to index
      %swap3A_301 = arith.index_cast %scan3A_63 : i32 to index
      %swap3A_302 = arith.constant 240 : index
      %swap3A_303 = tpu.vector_load %arg9[%swap3A_300, %swap3A_301, %swap3A_302] {strides = array<i32>} : memref<3x64x512xf32, #tpu.memory_space<vmem>>, vector<16xf32>,
      tpu.vector_store %arg9[%swap3A_300, %swap3A_301, %swap3A_302], %broadcast_in_dim3A_40 {strides = array<i32>} : memref<3x64x512xf32, #tpu.memory_space<vmem>>, vector<16xf32>,
      %swap3A_304 = arith.constant 1 : i32
      %swap3A_305 = arith.index_cast %swap3A_304 : i32 to index
      %swap3A_306 = arith.index_cast %scan3A_63 : i32 to index
      %swap3A_307 = arith.constant 256 : index
      %swap3A_308 = tpu.vector_load %arg9[%swap3A_305, %swap3A_306, %swap3A_307] {strides = array<i32>} : memref<3x64x512xf32, #tpu.memory_space<vmem>>, vector<16xf32>,
      tpu.vector_store %arg9[%swap3A_305, %swap3A_306, %swap3A_307], %broadcast_in_dim3A_40 {strides = array<i32>} : memref<3x64x512xf32, #tpu.memory_space<vmem>>, vector<16xf32>,
      %swap3A_309 = arith.constant 1 : i32
      %swap3A_310 = arith.index_cast %swap3A_309 : i32 to index
      %swap3A_311 = arith.index_cast %scan3A_63 : i32 to index
      %swap3A_312 = arith.constant 272 : index
      %swap3A_313 = tpu.vector_load %arg9[%swap3A_310, %swap3A_311, %swap3A_312] {strides = array<i32>} : memref<3x64x512xf32, #tpu.memory_space<vmem>>, vector<16xf32>,
      tpu.vector_store %arg9[%swap3A_310, %swap3A_311, %swap3A_312], %broadcast_in_dim3A_40 {strides = array<i32>} : memref<3x64x512xf32, #tpu.memory_space<vmem>>, vector<16xf32>,
      %swap3A_314 = arith.constant 1 : i32
      %swap3A_315 = arith.index_cast %swap3A_314 : i32 to index
      %swap3A_316 = arith.index_cast %scan3A_63 : i32 to index
      %swap3A_317 = arith.constant 288 : index
      %swap3A_318 = tpu.vector_load %arg9[%swap3A_315, %swap3A_316, %swap3A_317] {strides = array<i32>} : memref<3x64x512xf32, #tpu.memory_space<vmem>>, vector<16xf32>,
      tpu.vector_store %arg9[%swap3A_315, %swap3A_316, %swap3A_317], %broadcast_in_dim3A_40 {strides = array<i32>} : memref<3x64x512xf32, #tpu.memory_space<vmem>>, vector<16xf32>,
      %swap3A_319 = arith.constant 1 : i32
      %swap3A_320 = arith.index_cast %swap3A_319 : i32 to index
      %swap3A_321 = arith.index_cast %scan3A_63 : i32 to index
      %swap3A_322 = arith.constant 304 : index
      %swap3A_323 = tpu.vector_load %arg9[%swap3A_320, %swap3A_321, %swap3A_322] {strides = array<i32>} : memref<3x64x512xf32, #tpu.memory_space<vmem>>, vector<16xf32>,
      tpu.vector_store %arg9[%swap3A_320, %swap3A_321, %swap3A_322], %broadcast_in_dim3A_40 {strides = array<i32>} : memref<3x64x512xf32, #tpu.memory_space<vmem>>, vector<16xf32>,
      %swap3A_324 = arith.constant 1 : i32
      %swap3A_325 = arith.index_cast %swap3A_324 : i32 to index
      %swap3A_326 = arith.index_cast %scan3A_63 : i32 to index
      %swap3A_327 = arith.constant 320 : index
      %swap3A_328 = tpu.vector_load %arg9[%swap3A_325, %swap3A_326, %swap3A_327] {strides = array<i32>} : memref<3x64x512xf32, #tpu.memory_space<vmem>>, vector<16xf32>,
      tpu.vector_store %arg9[%swap3A_325, %swap3A_326, %swap3A_327], %broadcast_in_dim3A_40 {strides = array<i32>} : memref<3x64x512xf32, #tpu.memory_space<vmem>>, vector<16xf32>,
      %swap3A_329 = arith.constant 1 : i32
      %swap3A_330 = arith.index_cast %swap3A_329 : i32 to index
      %swap3A_331 = arith.index_cast %scan3A_63 : i32 to index
      %swap3A_332 = arith.constant 336 : index
      %swap3A_333 = tpu.vector_load %arg9[%swap3A_330, %swap3A_331, %swap3A_332] {strides = array<i32>} : memref<3x64x512xf32, #tpu.memory_space<vmem>>, vector<16xf32>,
      tpu.vector_store %arg9[%swap3A_330, %swap3A_331, %swap3A_332], %broadcast_in_dim3A_40 {strides = array<i32>} : memref<3x64x512xf32, #tpu.memory_space<vmem>>, vector<16xf32>,
      %swap3A_334 = arith.constant 1 : i32
      %swap3A_335 = arith.index_cast %swap3A_334 : i32 to index
      %swap3A_336 = arith.index_cast %scan3A_63 : i32 to index
      %swap3A_337 = arith.constant 352 : index
      %swap3A_338 = tpu.vector_load %arg9[%swap3A_335, %swap3A_336, %swap3A_337] {strides = array<i32>} : memref<3x64x512xf32, #tpu.memory_space<vmem>>, vector<16xf32>,
      tpu.vector_store %arg9[%swap3A_335, %swap3A_336, %swap3A_337], %broadcast_in_dim3A_40 {strides = array<i32>} : memref<3x64x512xf32, #tpu.memory_space<vmem>>, vector<16xf32>,
      %swap3A_339 = arith.constant 1 : i32
      %swap3A_340 = arith.index_cast %swap3A_339 : i32 to index
      %swap3A_341 = arith.index_cast %scan3A_63 : i32 to index
      %swap3A_342 = arith.constant 368 : index
      %swap3A_343 = tpu.vector_load %arg9[%swap3A_340, %swap3A_341, %swap3A_342] {strides = array<i32>} : memref<3x64x512xf32, #tpu.memory_space<vmem>>, vector<16xf32>,
      tpu.vector_store %arg9[%swap3A_340, %swap3A_341, %swap3A_342], %broadcast_in_dim3A_40 {strides = array<i32>} : memref<3x64x512xf32, #tpu.memory_space<vmem>>, vector<16xf32>,
      %swap3A_344 = arith.constant 1 : i32
      %swap3A_345 = arith.index_cast %swap3A_344 : i32 to index
      %swap3A_346 = arith.index_cast %scan3A_63 : i32 to index
      %swap3A_347 = arith.constant 384 : index
      %swap3A_348 = tpu.vector_load %arg9[%swap3A_345, %swap3A_346, %swap3A_347] {strides = array<i32>} : memref<3x64x512xf32, #tpu.memory_space<vmem>>, vector<16xf32>,
      tpu.vector_store %arg9[%swap3A_345, %swap3A_346, %swap3A_347], %broadcast_in_dim3A_40 {strides = array<i32>} : memref<3x64x512xf32, #tpu.memory_space<vmem>>, vector<16xf32>,
      %swap3A_349 = arith.constant 1 : i32
      %swap3A_350 = arith.index_cast %swap3A_349 : i32 to index
      %swap3A_351 = arith.index_cast %scan3A_63 : i32 to index
      %swap3A_352 = arith.constant 400 : index
      %swap3A_353 = tpu.vector_load %arg9[%swap3A_350, %swap3A_351, %swap3A_352] {strides = array<i32>} : memref<3x64x512xf32, #tpu.memory_space<vmem>>, vector<16xf32>,
      tpu.vector_store %arg9[%swap3A_350, %swap3A_351, %swap3A_352], %broadcast_in_dim3A_40 {strides = array<i32>} : memref<3x64x512xf32, #tpu.memory_space<vmem>>, vector<16xf32>,
      %swap3A_354 = arith.constant 1 : i32
      %swap3A_355 = arith.index_cast %swap3A_354 : i32 to index
      %swap3A_356 = arith.index_cast %scan3A_63 : i32 to index
      %swap3A_357 = arith.constant 416 : index
      %swap3A_358 = tpu.vector_load %arg9[%swap3A_355, %swap3A_356, %swap3A_357] {strides = array<i32>} : memref<3x64x512xf32, #tpu.memory_space<vmem>>, vector<16xf32>,
      tpu.vector_store %arg9[%swap3A_355, %swap3A_356, %swap3A_357], %broadcast_in_dim3A_40 {strides = array<i32>} : memref<3x64x512xf32, #tpu.memory_space<vmem>>, vector<16xf32>,
      %swap3A_359 = arith.constant 1 : i32
      %swap3A_360 = arith.index_cast %swap3A_359 : i32 to index
      %swap3A_361 = arith.index_cast %scan3A_63 : i32 to index
      %swap3A_362 = arith.constant 432 : index
      %swap3A_363 = tpu.vector_load %arg9[%swap3A_360, %swap3A_361, %swap3A_362] {strides = array<i32>} : memref<3x64x512xf32, #tpu.memory_space<vmem>>, vector<16xf32>,
      tpu.vector_store %arg9[%swap3A_360, %swap3A_361, %swap3A_362], %broadcast_in_dim3A_40 {strides = array<i32>} : memref<3x64x512xf32, #tpu.memory_space<vmem>>, vector<16xf32>,
      %swap3A_364 = arith.constant 1 : i32
      %swap3A_365 = arith.index_cast %swap3A_364 : i32 to index
      %swap3A_366 = arith.index_cast %scan3A_63 : i32 to index
      %swap3A_367 = arith.constant 448 : index
      %swap3A_368 = tpu.vector_load %arg9[%swap3A_365, %swap3A_366, %swap3A_367] {strides = array<i32>} : memref<3x64x512xf32, #tpu.memory_space<vmem>>, vector<16xf32>,
      tpu.vector_store %arg9[%swap3A_365, %swap3A_366, %swap3A_367], %broadcast_in_dim3A_40 {strides = array<i32>} : memref<3x64x512xf32, #tpu.memory_space<vmem>>, vector<16xf32>,
      %swap3A_369 = arith.constant 1 : i32
      %swap3A_370 = arith.index_cast %swap3A_369 : i32 to index
      %swap3A_371 = arith.index_cast %scan3A_63 : i32 to index
      %swap3A_372 = arith.constant 464 : index
      %swap3A_373 = tpu.vector_load %arg9[%swap3A_370, %swap3A_371, %swap3A_372] {strides = array<i32>} : memref<3x64x512xf32, #tpu.memory_space<vmem>>, vector<16xf32>,
      tpu.vector_store %arg9[%swap3A_370, %swap3A_371, %swap3A_372], %broadcast_in_dim3A_40 {strides = array<i32>} : memref<3x64x512xf32, #tpu.memory_space<vmem>>, vector<16xf32>,
      %swap3A_374 = arith.constant 1 : i32
      %swap3A_375 = arith.index_cast %swap3A_374 : i32 to index
      %swap3A_376 = arith.index_cast %scan3A_63 : i32 to index
      %swap3A_377 = arith.constant 480 : index
      %swap3A_378 = tpu.vector_load %arg9[%swap3A_375, %swap3A_376, %swap3A_377] {strides = array<i32>} : memref<3x64x512xf32, #tpu.memory_space<vmem>>, vector<16xf32>,
      tpu.vector_store %arg9[%swap3A_375, %swap3A_376, %swap3A_377], %broadcast_in_dim3A_40 {strides = array<i32>} : memref<3x64x512xf32, #tpu.memory_space<vmem>>, vector<16xf32>,
      %swap3A_379 = arith.constant 1 : i32
      %swap3A_380 = arith.index_cast %swap3A_379 : i32 to index
      %swap3A_381 = arith.index_cast %scan3A_63 : i32 to index
      %swap3A_382 = arith.constant 496 : index
      %swap3A_383 = tpu.vector_load %arg9[%swap3A_380, %swap3A_381, %swap3A_382] {strides = array<i32>} : memref<3x64x512xf32, #tpu.memory_space<vmem>>, vector<16xf32>,
      tpu.vector_store %arg9[%swap3A_380, %swap3A_381, %swap3A_382], %broadcast_in_dim3A_40 {strides = array<i32>} : memref<3x64x512xf32, #tpu.memory_space<vmem>>, vector<16xf32>,
      %swap3A_384 = arith.constant 2 : i32
      %swap3A_385 = arith.index_cast %swap3A_384 : i32 to index
      %swap3A_386 = arith.index_cast %scan3A_63 : i32 to index
      %swap3A_387 = arith.constant 0 : index
      %swap3A_388 = tpu.vector_load %arg9[%swap3A_385, %swap3A_386, %swap3A_387] {strides = array<i32>} : memref<3x64x512xf32, #tpu.memory_space<vmem>>, vector<16xf32>,
      tpu.vector_store %arg9[%swap3A_385, %swap3A_386, %swap3A_387], %broadcast_in_dim3A_40 {strides = array<i32>} : memref<3x64x512xf32, #tpu.memory_space<vmem>>, vector<16xf32>,
      %swap3A_389 = arith.constant 2 : i32
      %swap3A_390 = arith.index_cast %swap3A_389 : i32 to index
      %swap3A_391 = arith.index_cast %scan3A_63 : i32 to index
      %swap3A_392 = arith.constant 16 : index
      %swap3A_393 = tpu.vector_load %arg9[%swap3A_390, %swap3A_391, %swap3A_392] {strides = array<i32>} : memref<3x64x512xf32, #tpu.memory_space<vmem>>, vector<16xf32>,
      tpu.vector_store %arg9[%swap3A_390, %swap3A_391, %swap3A_392], %broadcast_in_dim3A_40 {strides = array<i32>} : memref<3x64x512xf32, #tpu.memory_space<vmem>>, vector<16xf32>,
      %swap3A_394 = arith.constant 2 : i32
      %swap3A_395 = arith.index_cast %swap3A_394 : i32 to index
      %swap3A_396 = arith.index_cast %scan3A_63 : i32 to index
      %swap3A_397 = arith.constant 32 : index
      %swap3A_398 = tpu.vector_load %arg9[%swap3A_395, %swap3A_396, %swap3A_397] {strides = array<i32>} : memref<3x64x512xf32, #tpu.memory_space<vmem>>, vector<16xf32>,
      tpu.vector_store %arg9[%swap3A_395, %swap3A_396, %swap3A_397], %broadcast_in_dim3A_40 {strides = array<i32>} : memref<3x64x512xf32, #tpu.memory_space<vmem>>, vector<16xf32>,
      %swap3A_399 = arith.constant 2 : i32
      %swap3A_400 = arith.index_cast %swap3A_399 : i32 to index
      %swap3A_401 = arith.index_cast %scan3A_63 : i32 to index
      %swap3A_402 = arith.constant 48 : index
      %swap3A_403 = tpu.vector_load %arg9[%swap3A_400, %swap3A_401, %swap3A_402] {strides = array<i32>} : memref<3x64x512xf32, #tpu.memory_space<vmem>>, vector<16xf32>,
      tpu.vector_store %arg9[%swap3A_400, %swap3A_401, %swap3A_402], %broadcast_in_dim3A_40 {strides = array<i32>} : memref<3x64x512xf32, #tpu.memory_space<vmem>>, vector<16xf32>,
      %swap3A_404 = arith.constant 2 : i32
      %swap3A_405 = arith.index_cast %swap3A_404 : i32 to index
      %swap3A_406 = arith.index_cast %scan3A_63 : i32 to index
      %swap3A_407 = arith.constant 64 : index
      %swap3A_408 = tpu.vector_load %arg9[%swap3A_405, %swap3A_406, %swap3A_407] {strides = array<i32>} : memref<3x64x512xf32, #tpu.memory_space<vmem>>, vector<16xf32>,
      tpu.vector_store %arg9[%swap3A_405, %swap3A_406, %swap3A_407], %broadcast_in_dim3A_40 {strides = array<i32>} : memref<3x64x512xf32, #tpu.memory_space<vmem>>, vector<16xf32>,
      %swap3A_409 = arith.constant 2 : i32
      %swap3A_410 = arith.index_cast %swap3A_409 : i32 to index
      %swap3A_411 = arith.index_cast %scan3A_63 : i32 to index
      %swap3A_412 = arith.constant 80 : index
      %swap3A_413 = tpu.vector_load %arg9[%swap3A_410, %swap3A_411, %swap3A_412] {strides = array<i32>} : memref<3x64x512xf32, #tpu.memory_space<vmem>>, vector<16xf32>,
      tpu.vector_store %arg9[%swap3A_410, %swap3A_411, %swap3A_412], %broadcast_in_dim3A_40 {strides = array<i32>} : memref<3x64x512xf32, #tpu.memory_space<vmem>>, vector<16xf32>,
      %swap3A_414 = arith.constant 2 : i32
      %swap3A_415 = arith.index_cast %swap3A_414 : i32 to index
      %swap3A_416 = arith.index_cast %scan3A_63 : i32 to index
      %swap3A_417 = arith.constant 96 : index
      %swap3A_418 = tpu.vector_load %arg9[%swap3A_415, %swap3A_416, %swap3A_417] {strides = array<i32>} : memref<3x64x512xf32, #tpu.memory_space<vmem>>, vector<16xf32>,
      tpu.vector_store %arg9[%swap3A_415, %swap3A_416, %swap3A_417], %broadcast_in_dim3A_40 {strides = array<i32>} : memref<3x64x512xf32, #tpu.memory_space<vmem>>, vector<16xf32>,
      %swap3A_419 = arith.constant 2 : i32
      %swap3A_420 = arith.index_cast %swap3A_419 : i32 to index
      %swap3A_421 = arith.index_cast %scan3A_63 : i32 to index
      %swap3A_422 = arith.constant 112 : index
      %swap3A_423 = tpu.vector_load %arg9[%swap3A_420, %swap3A_421, %swap3A_422] {strides = array<i32>} : memref<3x64x512xf32, #tpu.memory_space<vmem>>, vector<16xf32>,
      tpu.vector_store %arg9[%swap3A_420, %swap3A_421, %swap3A_422], %broadcast_in_dim3A_40 {strides = array<i32>} : memref<3x64x512xf32, #tpu.memory_space<vmem>>, vector<16xf32>,
      %swap3A_424 = arith.constant 2 : i32
      %swap3A_425 = arith.index_cast %swap3A_424 : i32 to index
      %swap3A_426 = arith.index_cast %scan3A_63 : i32 to index
      %swap3A_427 = arith.constant 128 : index
      %swap3A_428 = tpu.vector_load %arg9[%swap3A_425, %swap3A_426, %swap3A_427] {strides = array<i32>} : memref<3x64x512xf32, #tpu.memory_space<vmem>>, vector<16xf32>,
      tpu.vector_store %arg9[%swap3A_425, %swap3A_426, %swap3A_427], %broadcast_in_dim3A_40 {strides = array<i32>} : memref<3x64x512xf32, #tpu.memory_space<vmem>>, vector<16xf32>,
      %swap3A_429 = arith.constant 2 : i32
      %swap3A_430 = arith.index_cast %swap3A_429 : i32 to index
      %swap3A_431 = arith.index_cast %scan3A_63 : i32 to index
      %swap3A_432 = arith.constant 144 : index
      %swap3A_433 = tpu.vector_load %arg9[%swap3A_430, %swap3A_431, %swap3A_432] {strides = array<i32>} : memref<3x64x512xf32, #tpu.memory_space<vmem>>, vector<16xf32>,
      tpu.vector_store %arg9[%swap3A_430, %swap3A_431, %swap3A_432], %broadcast_in_dim3A_40 {strides = array<i32>} : memref<3x64x512xf32, #tpu.memory_space<vmem>>, vector<16xf32>,
      %swap3A_434 = arith.constant 2 : i32
      %swap3A_435 = arith.index_cast %swap3A_434 : i32 to index
      %swap3A_436 = arith.index_cast %scan3A_63 : i32 to index
      %swap3A_437 = arith.constant 160 : index
      %swap3A_438 = tpu.vector_load %arg9[%swap3A_435, %swap3A_436, %swap3A_437] {strides = array<i32>} : memref<3x64x512xf32, #tpu.memory_space<vmem>>, vector<16xf32>,
      tpu.vector_store %arg9[%swap3A_435, %swap3A_436, %swap3A_437], %broadcast_in_dim3A_40 {strides = array<i32>} : memref<3x64x512xf32, #tpu.memory_space<vmem>>, vector<16xf32>,
      %swap3A_439 = arith.constant 2 : i32
      %swap3A_440 = arith.index_cast %swap3A_439 : i32 to index
      %swap3A_441 = arith.index_cast %scan3A_63 : i32 to index
      %swap3A_442 = arith.constant 176 : index
      %swap3A_443 = tpu.vector_load %arg9[%swap3A_440, %swap3A_441, %swap3A_442] {strides = array<i32>} : memref<3x64x512xf32, #tpu.memory_space<vmem>>, vector<16xf32>,
      tpu.vector_store %arg9[%swap3A_440, %swap3A_441, %swap3A_442], %broadcast_in_dim3A_40 {strides = array<i32>} : memref<3x64x512xf32, #tpu.memory_space<vmem>>, vector<16xf32>,
      %swap3A_444 = arith.constant 2 : i32
      %swap3A_445 = arith.index_cast %swap3A_444 : i32 to index
      %swap3A_446 = arith.index_cast %scan3A_63 : i32 to index
      %swap3A_447 = arith.constant 192 : index
      %swap3A_448 = tpu.vector_load %arg9[%swap3A_445, %swap3A_446, %swap3A_447] {strides = array<i32>} : memref<3x64x512xf32, #tpu.memory_space<vmem>>, vector<16xf32>,
      tpu.vector_store %arg9[%swap3A_445, %swap3A_446, %swap3A_447], %broadcast_in_dim3A_40 {strides = array<i32>} : memref<3x64x512xf32, #tpu.memory_space<vmem>>, vector<16xf32>,
      %swap3A_449 = arith.constant 2 : i32
      %swap3A_450 = arith.index_cast %swap3A_449 : i32 to index
      %swap3A_451 = arith.index_cast %scan3A_63 : i32 to index
      %swap3A_452 = arith.constant 208 : index
      %swap3A_453 = tpu.vector_load %arg9[%swap3A_450, %swap3A_451, %swap3A_452] {strides = array<i32>} : memref<3x64x512xf32, #tpu.memory_space<vmem>>, vector<16xf32>,
      tpu.vector_store %arg9[%swap3A_450, %swap3A_451, %swap3A_452], %broadcast_in_dim3A_40 {strides = array<i32>} : memref<3x64x512xf32, #tpu.memory_space<vmem>>, vector<16xf32>,
      %swap3A_454 = arith.constant 2 : i32
      %swap3A_455 = arith.index_cast %swap3A_454 : i32 to index
      %swap3A_456 = arith.index_cast %scan3A_63 : i32 to index
      %swap3A_457 = arith.constant 224 : index
      %swap3A_458 = tpu.vector_load %arg9[%swap3A_455, %swap3A_456, %swap3A_457] {strides = array<i32>} : memref<3x64x512xf32, #tpu.memory_space<vmem>>, vector<16xf32>,
      tpu.vector_store %arg9[%swap3A_455, %swap3A_456, %swap3A_457], %broadcast_in_dim3A_40 {strides = array<i32>} : memref<3x64x512xf32, #tpu.memory_space<vmem>>, vector<16xf32>,
      %swap3A_459 = arith.constant 2 : i32
      %swap3A_460 = arith.index_cast %swap3A_459 : i32 to index
      %swap3A_461 = arith.index_cast %scan3A_63 : i32 to index
      %swap3A_462 = arith.constant 240 : index
      %swap3A_463 = tpu.vector_load %arg9[%swap3A_460, %swap3A_461, %swap3A_462] {strides = array<i32>} : memref<3x64x512xf32, #tpu.memory_space<vmem>>, vector<16xf32>,
      tpu.vector_store %arg9[%swap3A_460, %swap3A_461, %swap3A_462], %broadcast_in_dim3A_40 {strides = array<i32>} : memref<3x64x512xf32, #tpu.memory_space<vmem>>, vector<16xf32>,
      %swap3A_464 = arith.constant 2 : i32
      %swap3A_465 = arith.index_cast %swap3A_464 : i32 to index
      %swap3A_466 = arith.index_cast %scan3A_63 : i32 to index
      %swap3A_467 = arith.constant 256 : index
      %swap3A_468 = tpu.vector_load %arg9[%swap3A_465, %swap3A_466, %swap3A_467] {strides = array<i32>} : memref<3x64x512xf32, #tpu.memory_space<vmem>>, vector<16xf32>,
      tpu.vector_store %arg9[%swap3A_465, %swap3A_466, %swap3A_467], %broadcast_in_dim3A_40 {strides = array<i32>} : memref<3x64x512xf32, #tpu.memory_space<vmem>>, vector<16xf32>,
      %swap3A_469 = arith.constant 2 : i32
      %swap3A_470 = arith.index_cast %swap3A_469 : i32 to index
      %swap3A_471 = arith.index_cast %scan3A_63 : i32 to index
      %swap3A_472 = arith.constant 272 : index
      %swap3A_473 = tpu.vector_load %arg9[%swap3A_470, %swap3A_471, %swap3A_472] {strides = array<i32>} : memref<3x64x512xf32, #tpu.memory_space<vmem>>, vector<16xf32>,
      tpu.vector_store %arg9[%swap3A_470, %swap3A_471, %swap3A_472], %broadcast_in_dim3A_40 {strides = array<i32>} : memref<3x64x512xf32, #tpu.memory_space<vmem>>, vector<16xf32>,
      %swap3A_474 = arith.constant 2 : i32
      %swap3A_475 = arith.index_cast %swap3A_474 : i32 to index
      %swap3A_476 = arith.index_cast %scan3A_63 : i32 to index
      %swap3A_477 = arith.constant 288 : index
      %swap3A_478 = tpu.vector_load %arg9[%swap3A_475, %swap3A_476, %swap3A_477] {strides = array<i32>} : memref<3x64x512xf32, #tpu.memory_space<vmem>>, vector<16xf32>,
      tpu.vector_store %arg9[%swap3A_475, %swap3A_476, %swap3A_477], %broadcast_in_dim3A_40 {strides = array<i32>} : memref<3x64x512xf32, #tpu.memory_space<vmem>>, vector<16xf32>,
      %swap3A_479 = arith.constant 2 : i32
      %swap3A_480 = arith.index_cast %swap3A_479 : i32 to index
      %swap3A_481 = arith.index_cast %scan3A_63 : i32 to index
      %swap3A_482 = arith.constant 304 : index
      %swap3A_483 = tpu.vector_load %arg9[%swap3A_480, %swap3A_481, %swap3A_482] {strides = array<i32>} : memref<3x64x512xf32, #tpu.memory_space<vmem>>, vector<16xf32>,
      tpu.vector_store %arg9[%swap3A_480, %swap3A_481, %swap3A_482], %broadcast_in_dim3A_40 {strides = array<i32>} : memref<3x64x512xf32, #tpu.memory_space<vmem>>, vector<16xf32>,
      %swap3A_484 = arith.constant 2 : i32
      %swap3A_485 = arith.index_cast %swap3A_484 : i32 to index
      %swap3A_486 = arith.index_cast %scan3A_63 : i32 to index
      %swap3A_487 = arith.constant 320 : index
      %swap3A_488 = tpu.vector_load %arg9[%swap3A_485, %swap3A_486, %swap3A_487] {strides = array<i32>} : memref<3x64x512xf32, #tpu.memory_space<vmem>>, vector<16xf32>,
      tpu.vector_store %arg9[%swap3A_485, %swap3A_486, %swap3A_487], %broadcast_in_dim3A_40 {strides = array<i32>} : memref<3x64x512xf32, #tpu.memory_space<vmem>>, vector<16xf32>,
      %swap3A_489 = arith.constant 2 : i32
      %swap3A_490 = arith.index_cast %swap3A_489 : i32 to index
      %swap3A_491 = arith.index_cast %scan3A_63 : i32 to index
      %swap3A_492 = arith.constant 336 : index
      %swap3A_493 = tpu.vector_load %arg9[%swap3A_490, %swap3A_491, %swap3A_492] {strides = array<i32>} : memref<3x64x512xf32, #tpu.memory_space<vmem>>, vector<16xf32>,
      tpu.vector_store %arg9[%swap3A_490, %swap3A_491, %swap3A_492], %broadcast_in_dim3A_40 {strides = array<i32>} : memref<3x64x512xf32, #tpu.memory_space<vmem>>, vector<16xf32>,
      %swap3A_494 = arith.constant 2 : i32
      %swap3A_495 = arith.index_cast %swap3A_494 : i32 to index
      %swap3A_496 = arith.index_cast %scan3A_63 : i32 to index
      %swap3A_497 = arith.constant 352 : index
      %swap3A_498 = tpu.vector_load %arg9[%swap3A_495, %swap3A_496, %swap3A_497] {strides = array<i32>} : memref<3x64x512xf32, #tpu.memory_space<vmem>>, vector<16xf32>,
      tpu.vector_store %arg9[%swap3A_495, %swap3A_496, %swap3A_497], %broadcast_in_dim3A_40 {strides = array<i32>} : memref<3x64x512xf32, #tpu.memory_space<vmem>>, vector<16xf32>,
      %swap3A_499 = arith.constant 2 : i32
      %swap3A_500 = arith.index_cast %swap3A_499 : i32 to index
      %swap3A_501 = arith.index_cast %scan3A_63 : i32 to index
      %swap3A_502 = arith.constant 368 : index
      %swap3A_503 = tpu.vector_load %arg9[%swap3A_500, %swap3A_501, %swap3A_502] {strides = array<i32>} : memref<3x64x512xf32, #tpu.memory_space<vmem>>, vector<16xf32>,
      tpu.vector_store %arg9[%swap3A_500, %swap3A_501, %swap3A_502], %broadcast_in_dim3A_40 {strides = array<i32>} : memref<3x64x512xf32, #tpu.memory_space<vmem>>, vector<16xf32>,
      %swap3A_504 = arith.constant 2 : i32
      %swap3A_505 = arith.index_cast %swap3A_504 : i32 to index
      %swap3A_506 = arith.index_cast %scan3A_63 : i32 to index
      %swap3A_507 = arith.constant 384 : index
      %swap3A_508 = tpu.vector_load %arg9[%swap3A_505, %swap3A_506, %swap3A_507] {strides = array<i32>} : memref<3x64x512xf32, #tpu.memory_space<vmem>>, vector<16xf32>,
      tpu.vector_store %arg9[%swap3A_505, %swap3A_506, %swap3A_507], %broadcast_in_dim3A_40 {strides = array<i32>} : memref<3x64x512xf32, #tpu.memory_space<vmem>>, vector<16xf32>,
      %swap3A_509 = arith.constant 2 : i32
      %swap3A_510 = arith.index_cast %swap3A_509 : i32 to index
      %swap3A_511 = arith.index_cast %scan3A_63 : i32 to index
      %swap3A_512 = arith.constant 400 : index
      %swap3A_513 = tpu.vector_load %arg9[%swap3A_510, %swap3A_511, %swap3A_512] {strides = array<i32>} : memref<3x64x512xf32, #tpu.memory_space<vmem>>, vector<16xf32>,
      tpu.vector_store %arg9[%swap3A_510, %swap3A_511, %swap3A_512], %broadcast_in_dim3A_40 {strides = array<i32>} : memref<3x64x512xf32, #tpu.memory_space<vmem>>, vector<16xf32>,
      %swap3A_514 = arith.constant 2 : i32
      %swap3A_515 = arith.index_cast %swap3A_514 : i32 to index
      %swap3A_516 = arith.index_cast %scan3A_63 : i32 to index
      %swap3A_517 = arith.constant 416 : index
      %swap3A_518 = tpu.vector_load %arg9[%swap3A_515, %swap3A_516, %swap3A_517] {strides = array<i32>} : memref<3x64x512xf32, #tpu.memory_space<vmem>>, vector<16xf32>,
      tpu.vector_store %arg9[%swap3A_515, %swap3A_516, %swap3A_517], %broadcast_in_dim3A_40 {strides = array<i32>} : memref<3x64x512xf32, #tpu.memory_space<vmem>>, vector<16xf32>,
      %swap3A_519 = arith.constant 2 : i32
      %swap3A_520 = arith.index_cast %swap3A_519 : i32 to index
      %swap3A_521 = arith.index_cast %scan3A_63 : i32 to index
      %swap3A_522 = arith.constant 432 : index
      %swap3A_523 = tpu.vector_load %arg9[%swap3A_520, %swap3A_521, %swap3A_522] {strides = array<i32>} : memref<3x64x512xf32, #tpu.memory_space<vmem>>, vector<16xf32>,
      tpu.vector_store %arg9[%swap3A_520, %swap3A_521, %swap3A_522], %broadcast_in_dim3A_40 {strides = array<i32>} : memref<3x64x512xf32, #tpu.memory_space<vmem>>, vector<16xf32>,
      %swap3A_524 = arith.constant 2 : i32
      %swap3A_525 = arith.index_cast %swap3A_524 : i32 to index
      %swap3A_526 = arith.index_cast %scan3A_63 : i32 to index
      %swap3A_527 = arith.constant 448 : index
      %swap3A_528 = tpu.vector_load %arg9[%swap3A_525, %swap3A_526, %swap3A_527] {strides = array<i32>} : memref<3x64x512xf32, #tpu.memory_space<vmem>>, vector<16xf32>,
      tpu.vector_store %arg9[%swap3A_525, %swap3A_526, %swap3A_527], %broadcast_in_dim3A_40 {strides = array<i32>} : memref<3x64x512xf32, #tpu.memory_space<vmem>>, vector<16xf32>,
      %swap3A_529 = arith.constant 2 : i32
      %swap3A_530 = arith.index_cast %swap3A_529 : i32 to index
      %swap3A_531 = arith.index_cast %scan3A_63 : i32 to index
      %swap3A_532 = arith.constant 464 : index
      %swap3A_533 = tpu.vector_load %arg9[%swap3A_530, %swap3A_531, %swap3A_532] {strides = array<i32>} : memref<3x64x512xf32, #tpu.memory_space<vmem>>, vector<16xf32>,
      tpu.vector_store %arg9[%swap3A_530, %swap3A_531, %swap3A_532], %broadcast_in_dim3A_40 {strides = array<i32>} : memref<3x64x512xf32, #tpu.memory_space<vmem>>, vector<16xf32>,
      %swap3A_534 = arith.constant 2 : i32
      %swap3A_535 = arith.index_cast %swap3A_534 : i32 to index
      %swap3A_536 = arith.index_cast %scan3A_63 : i32 to index
      %swap3A_537 = arith.constant 480 : index
      %swap3A_538 = tpu.vector_load %arg9[%swap3A_535, %swap3A_536, %swap3A_537] {strides = array<i32>} : memref<3x64x512xf32, #tpu.memory_space<vmem>>, vector<16xf32>,
      tpu.vector_store %arg9[%swap3A_535, %swap3A_536, %swap3A_537], %broadcast_in_dim3A_40 {strides = array<i32>} : memref<3x64x512xf32, #tpu.memory_space<vmem>>, vector<16xf32>,
      %swap3A_539 = arith.constant 2 : i32
      %swap3A_540 = arith.index_cast %swap3A_539 : i32 to index
      %swap3A_541 = arith.index_cast %scan3A_63 : i32 to index
      %swap3A_542 = arith.constant 496 : index
      %swap3A_543 = tpu.vector_load %arg9[%swap3A_540, %swap3A_541, %swap3A_542] {strides = array<i32>} : memref<3x64x512xf32, #tpu.memory_space<vmem>>, vector<16xf32>,
      tpu.vector_store %arg9[%swap3A_540, %swap3A_541, %swap3A_542], %broadcast_in_dim3A_40 {strides = array<i32>} : memref<3x64x512xf32, #tpu.memory_space<vmem>>, vector<16xf32>,
      %scan3A_544 = arith.constant 0 : i32
      scf.yield %scan3A_544 : i32
    }
    %scan3A_46 = arith.constant 64 : i32
    %while3A = arith.constant 0 : i32
    %while3A_47 = arith.constant 0 : i32
    %while3A_48 = arith.subi %squeeze3A_5, %while3A : i32
    %while3A_49 = arith.addi %while3A, %while3A_48 : i32
    %while3A_50 = arith.constant 1 : i32
    %while3A_51 = arith.divsi %while3A_48, %while3A_50 : i32
    %while3A_52 = arith.muli %while3A_51, %while3A_50 : i32
    %while3A_53 = arith.addi %while3A, %while3A_52 : i32
    %while3A_54 = arith.constant 1 : i32
    %while3A_55 = scf.for %while3A_63 = %while3A to %while3A_53 step %while3A_54 iter_args(%while3A_64 = %while3A_47) -> (i32)  : i32 {
      %add3A_65 = arith.addi %squeeze3A, %while3A_63 : i32
      %mul3A_66 = arith.constant 2048 : i32
      %mul3A_67 = arith.muli %add3A_65, %mul3A_66 : i32
      %dma_start3A = arith.constant 0 : i32
      %dma_start3A_68 = tpu.memref_slice %arg7[%dma_start3A] : memref<2064xi32, #tpu.memory_space<vmem>> -> memref<2048xi32, #tpu.memory_space<vmem>>
      %dma_start3A_69 = tpu.memref_slice %arg3[%mul3A_67] : memref<524288xi32, #tpu.memory_space<hbm>> -> memref<2048xi32, #tpu.memory_space<hbm>>
      %dma_start3A_70 = arith.constant 0 : i32
      %dma_start3A_71 = tpu.memref_slice %arg7[%dma_start3A_70] : memref<2064xi32, #tpu.memory_space<vmem>> -> memref<2048xi32, #tpu.memory_space<vmem>>
      %dma_start3A_72 = tpu.memref_slice %arg3[%mul3A_67] : memref<524288xi32, #tpu.memory_space<hbm>> -> memref<2048xi32, #tpu.memory_space<hbm>>
      tpu.enqueue_dma source(%dma_start3A_72 : memref<2048xi32, #tpu.memory_space<hbm>>) target(%dma_start3A_71 : memref<2048xi32, #tpu.memory_space<vmem>>) target_semaphore(%arg10 : memref<!tpu.dma_semaphore, #tpu.memory_space<semaphore_mem>>)
      %add3A_73 = arith.constant 1 : i32
      %add3A_74 = arith.addi %add3A_65, %add3A_73 : i32
      %mul3A_75 = arith.constant 2048 : i32
      %mul3A_76 = arith.muli %add3A_74, %mul3A_75 : i32
      %min3A = arith.constant 524272 : i32
      %min3A_77 = arith.minsi %mul3A_76, %min3A : i32
      %dma_start3A_78 = arith.constant 2048 : i32
      %dma_start3A_79 = tpu.memref_slice %arg7[%dma_start3A_78] : memref<2064xi32, #tpu.memory_space<vmem>> -> memref<16xi32, #tpu.memory_space<vmem>>
      %dma_start3A_80 = tpu.memref_slice %arg3[%min3A_77] : memref<524288xi32, #tpu.memory_space<hbm>> -> memref<16xi32, #tpu.memory_space<hbm>>
      %dma_start3A_81 = arith.constant 2048 : i32
      %dma_start3A_82 = tpu.memref_slice %arg7[%dma_start3A_81] : memref<2064xi32, #tpu.memory_space<vmem>> -> memref<16xi32, #tpu.memory_space<vmem>>
      %dma_start3A_83 = tpu.memref_slice %arg3[%min3A_77] : memref<524288xi32, #tpu.memory_space<hbm>> -> memref<16xi32, #tpu.memory_space<hbm>>
      tpu.enqueue_dma source(%dma_start3A_83 : memref<16xi32, #tpu.memory_space<hbm>>) target(%dma_start3A_82 : memref<16xi32, #tpu.memory_space<vmem>>) target_semaphore(%arg10 : memref<!tpu.dma_semaphore, #tpu.memory_space<semaphore_mem>>)
      %mul3A_84 = arith.constant 2048 : i32
      %mul3A_85 = arith.muli %add3A_65, %mul3A_84 : i32
      %multiple_of3A_86 = tpu.assume_multiple %mul3A_85, 2048 : i32
      %dma_start3A_87 = arith.constant 0 : i32
      %dma_start3A_88 = tpu.memref_slice %arg2[%dma_start3A_87, %multiple_of3A_86] : memref<8x524288xf32, #tpu.memory_space<hbm>> -> memref<8x2048xf32, #tpu.memory_space<hbm>>
      %dma_start3A_89 = arith.constant 0 : i32
      %dma_start3A_90 = tpu.memref_slice %arg2[%dma_start3A_89, %multiple_of3A_86] : memref<8x524288xf32, #tpu.memory_space<hbm>> -> memref<8x2048xf32, #tpu.memory_space<hbm>>
      tpu.enqueue_dma source(%dma_start3A_90 : memref<8x2048xf32, #tpu.memory_space<hbm>>) target(%arg8 : memref<8x2048xf32, #tpu.memory_space<vmem>>) target_semaphore(%arg10 : memref<!tpu.dma_semaphore, #tpu.memory_space<semaphore_mem>>)
      %dma_wait3A = arith.constant 0 : i32
      %dma_wait3A_91 = tpu.memref_slice %arg7[%dma_wait3A] : memref<2064xi32, #tpu.memory_space<vmem>> -> memref<2048xi32, #tpu.memory_space<vmem>>
      %dma_wait3A_92 = tpu.memref_slice %arg3[%mul3A_67] : memref<524288xi32, #tpu.memory_space<hbm>> -> memref<2048xi32, #tpu.memory_space<hbm>>
      %dma_wait3A_93 = arith.constant 0 : i32
      %dma_wait3A_94 = tpu.memref_slice %arg7[%dma_wait3A_93] : memref<2064xi32, #tpu.memory_space<vmem>> -> memref<2048xi32, #tpu.memory_space<vmem>>
      %dma_wait3A_95 = tpu.memref_slice %arg3[%mul3A_67] : memref<524288xi32, #tpu.memory_space<hbm>> -> memref<2048xi32, #tpu.memory_space<hbm>>
      tpu.wait_dma2 semaphore(%arg10 : memref<!tpu.dma_semaphore, #tpu.memory_space<semaphore_mem>>) src(%dma_wait3A_95 : memref<2048xi32, #tpu.memory_space<hbm>>) dst(%dma_wait3A_94 : memref<2048xi32, #tpu.memory_space<vmem>>)
      %dma_wait3A_96 = arith.constant 2048 : i32
      %dma_wait3A_97 = tpu.memref_slice %arg7[%dma_wait3A_96] : memref<2064xi32, #tpu.memory_space<vmem>> -> memref<16xi32, #tpu.memory_space<vmem>>
      %dma_wait3A_98 = tpu.memref_slice %arg3[%min3A_77] : memref<524288xi32, #tpu.memory_space<hbm>> -> memref<16xi32, #tpu.memory_space<hbm>>
      %dma_wait3A_99 = arith.constant 2048 : i32
      %dma_wait3A_100 = tpu.memref_slice %arg7[%dma_wait3A_99] : memref<2064xi32, #tpu.memory_space<vmem>> -> memref<16xi32, #tpu.memory_space<vmem>>
      %dma_wait3A_101 = tpu.memref_slice %arg3[%min3A_77] : memref<524288xi32, #tpu.memory_space<hbm>> -> memref<16xi32, #tpu.memory_space<hbm>>
      tpu.wait_dma2 semaphore(%arg10 : memref<!tpu.dma_semaphore, #tpu.memory_space<semaphore_mem>>) src(%dma_wait3A_101 : memref<16xi32, #tpu.memory_space<hbm>>) dst(%dma_wait3A_100 : memref<16xi32, #tpu.memory_space<vmem>>)
      %dma_wait3A_102 = arith.constant 0 : i32
      %dma_wait3A_103 = tpu.memref_slice %arg2[%dma_wait3A_102, %multiple_of3A_86] : memref<8x524288xf32, #tpu.memory_space<hbm>> -> memref<8x2048xf32, #tpu.memory_space<hbm>>
      %dma_wait3A_104 = arith.constant 0 : i32
      %dma_wait3A_105 = tpu.memref_slice %arg2[%dma_wait3A_104, %multiple_of3A_86] : memref<8x524288xf32, #tpu.memory_space<hbm>> -> memref<8x2048xf32, #tpu.memory_space<hbm>>
      tpu.wait_dma2 semaphore(%arg10 : memref<!tpu.dma_semaphore, #tpu.memory_space<semaphore_mem>>) src(%dma_wait3A_105 : memref<8x2048xf32, #tpu.memory_space<hbm>>) dst(%arg8 : memref<8x2048xf32, #tpu.memory_space<vmem>>)
      %eq3A_106 = arith.constant 255 : i32
      %eq3A_107 = arith.cmpi eq, %add3A_65, %eq3A_106 : i32
      %convert_element_type3A = arith.extui %eq3A_107 : i1 to i32
      %cond3A = arith.constant 0 : i32
      %cond3A_108 = arith.cmpi ne, %convert_element_type3A, %cond3A : i32
      scf.if %cond3A_108 {
        %broadcast_in_dim3A_117 = arith.constant -1 : i32
        %broadcast_in_dim3A_118 = vector.broadcast %broadcast_in_dim3A_117 : i32 to vector<16xi32>
        %swap3A = arith.constant 2048 : index
        %swap3A_119 = tpu.vector_load %arg7[%swap3A] {strides = array<i32>} : memref<2064xi32, #tpu.memory_space<vmem>>, vector<16xi32>,
        tpu.vector_store %arg7[%swap3A], %broadcast_in_dim3A_118 {strides = array<i32>} : memref<2064xi32, #tpu.memory_space<vmem>>, vector<16xi32>,
      } else {
      }
      %scan3A_109 = arith.constant 0 : i32
      %scan3A_110 = arith.constant 0 : i32
      %scan3A_111 = arith.constant 16 : i32
      %scan3A_112 = arith.addi %scan3A_110, %scan3A_111 : i32
      %scan3A_113 = arith.constant 1 : i32
      %scan3A_114 = scf.for %scan3A_117 = %scan3A_110 to %scan3A_112 step %scan3A_113 iter_args(%scan3A_118 = %scan3A_109) -> (i32)  : i32 {
        %mul3A_119 = arith.constant 8 : i32
        %mul3A_120 = arith.muli %scan3A_117, %mul3A_119 : i32
        %add3A_121 = arith.constant 0 : i32
        %add3A_122 = arith.addi %mul3A_120, %add3A_121 : i32
        %mul3A_123 = arith.constant 16 : i32
        %mul3A_124 = arith.muli %add3A_122, %mul3A_123 : i32
        %get3A_125 = arith.index_cast %mul3A_124 : i32 to index
        %get3A_126 = tpu.vector_load %arg7[%get3A_125] {strides = array<i32>} : memref<2064xi32, #tpu.memory_space<vmem>>, vector<16xi32>,
        %mul3A_127 = arith.constant 16 : i32
        %mul3A_128 = arith.muli %add3A_122, %mul3A_127 : i32
        %add3A_129 = arith.constant 1 : i32
        %add3A_130 = arith.addi %mul3A_128, %add3A_129 : i32
        %get3A_131 = arith.index_cast %add3A_130 : i32 to index
        %get3A_132 = tpu.vector_load %arg7[%get3A_131] {strides = array<i32>} : memref<2064xi32, #tpu.memory_space<vmem>>, vector<16xi32>,
        %sub3A_133 = vector.broadcast %mul3A_7 : i32 to vector<16xi32>
        %sub3A_134 = arith.subi %get3A_126, %sub3A_133 : vector<16xi32>
        %ne3A_135 = arith.cmpi ne, %get3A_126, %get3A_132 : vector<16xi32>
        %ge3A = arith.constant 0 : i32
        %ge3A_136 = vector.broadcast %ge3A : i32 to vector<16xi32>
        %ge3A_137 = arith.cmpi sge, %sub3A_134, %ge3A_136 : vector<16xi32>
        %and3A_138 = arith.andi %ne3A_135, %ge3A_137 : vector<16xi1>
        %lt3A_139 = arith.constant 32768 : i32
        %lt3A_140 = vector.broadcast %lt3A_139 : i32 to vector<16xi32>
        %lt3A_141 = arith.cmpi slt, %sub3A_134, %lt3A_140 : vector<16xi32>
        %and3A_142 = arith.andi %and3A_138, %lt3A_141 : vector<16xi1>
        %jit3A_143 = arith.constant 0 : i32
        %jit3A_144 = arith.constant 32767 : i32
        %max3A = vector.broadcast %jit3A_143 : i32 to vector<16xi32>
        %max3A_145 = arith.maxsi %max3A, %sub3A_134 : vector<16xi32>
        %min3A_146 = vector.broadcast %jit3A_144 : i32 to vector<16xi32>
        %min3A_147 = arith.minsi %min3A_146, %max3A_145 : vector<16xi32>
        %shift_right_arithmetic3A = arith.constant 9 : i32
        %shift_right_arithmetic3A_148 = vector.broadcast %shift_right_arithmetic3A : i32 to vector<16xi32>
        %shift_right_arithmetic3A_149 = arith.shrsi %min3A_147, %shift_right_arithmetic3A_148 : vector<16xi32>
        %and3A_150 = arith.constant 511 : i32
        %and3A_151 = vector.broadcast %and3A_150 : i32 to vector<16xi32>
        %and3A_152 = arith.andi %min3A_147, %and3A_151 : vector<16xi32>
        %mul3A_153 = arith.constant 16 : i32
        %mul3A_154 = arith.muli %add3A_122, %mul3A_153 : i32
        %get3A_155 = arith.constant 0 : i32
        %get3A_156 = arith.index_cast %get3A_155 : i32 to index
        %get3A_157 = arith.index_cast %mul3A_154 : i32 to index
        %get3A_158 = tpu.vector_load %arg8[%get3A_156, %get3A_157] {strides = array<i32>} : memref<8x2048xf32, #tpu.memory_space<vmem>>, vector<16xf32>,
        %broadcast_in_dim3A_159 = arith.constant 0 : i32
        %broadcast_in_dim3A_160 = vector.broadcast %broadcast_in_dim3A_159 : i32 to vector<16xi32>
        tpu.vector_store_idx %arg9[%broadcast_in_dim3A_160, %shift_right_arithmetic3A_149, %and3A_152], %get3A_158 masked %and3A_142 : memref<3x64x512xf32, #tpu.memory_space<vmem>>[vector<16xi32>, vector<16xi32>, vector<16xi32>], vector<16xf32>, vector<16xi1>
        %mul3A_161 = arith.constant 16 : i32
        %mul3A_162 = arith.muli %add3A_122, %mul3A_161 : i32
        %get3A_163 = arith.constant 1 : i32
        %get3A_164 = arith.index_cast %get3A_163 : i32 to index
        %get3A_165 = arith.index_cast %mul3A_162 : i32 to index
        %get3A_166 = tpu.vector_load %arg8[%get3A_164, %get3A_165] {strides = array<i32>} : memref<8x2048xf32, #tpu.memory_space<vmem>>, vector<16xf32>,
        %broadcast_in_dim3A_167 = arith.constant 1 : i32
        %broadcast_in_dim3A_168 = vector.broadcast %broadcast_in_dim3A_167 : i32 to vector<16xi32>
        tpu.vector_store_idx %arg9[%broadcast_in_dim3A_168, %shift_right_arithmetic3A_149, %and3A_152], %get3A_166 masked %and3A_142 : memref<3x64x512xf32, #tpu.memory_space<vmem>>[vector<16xi32>, vector<16xi32>, vector<16xi32>], vector<16xf32>, vector<16xi1>
        %mul3A_169 = arith.constant 16 : i32
        %mul3A_170 = arith.muli %add3A_122, %mul3A_169 : i32
        %get3A_171 = arith.constant 2 : i32
        %get3A_172 = arith.index_cast %get3A_171 : i32 to index
        %get3A_173 = arith.index_cast %mul3A_170 : i32 to index
        %get3A_174 = tpu.vector_load %arg8[%get3A_172, %get3A_173] {strides = array<i32>} : memref<8x2048xf32, #tpu.memory_space<vmem>>, vector<16xf32>,
        %broadcast_in_dim3A_175 = arith.constant 2 : i32
        %broadcast_in_dim3A_176 = vector.broadcast %broadcast_in_dim3A_175 : i32 to vector<16xi32>
        tpu.vector_store_idx %arg9[%broadcast_in_dim3A_176, %shift_right_arithmetic3A_149, %and3A_152], %get3A_174 masked %and3A_142 : memref<3x64x512xf32, #tpu.memory_space<vmem>>[vector<16xi32>, vector<16xi32>, vector<16xi32>], vector<16xf32>, vector<16xi1>
        %mul3A_177 = arith.constant 8 : i32
        %mul3A_178 = arith.muli %scan3A_117, %mul3A_177 : i32
        %add3A_179 = arith.constant 1 : i32
        %add3A_180 = arith.addi %mul3A_178, %add3A_179 : i32
        %mul3A_181 = arith.constant 16 : i32
        %mul3A_182 = arith.muli %add3A_180, %mul3A_181 : i32
        %get3A_183 = arith.index_cast %mul3A_182 : i32 to index
        %get3A_184 = tpu.vector_load %arg7[%get3A_183] {strides = array<i32>} : memref<2064xi32, #tpu.memory_space<vmem>>, vector<16xi32>,
        %mul3A_185 = arith.constant 16 : i32
        %mul3A_186 = arith.muli %add3A_180, %mul3A_185 : i32
        %add3A_187 = arith.constant 1 : i32
        %add3A_188 = arith.addi %mul3A_186, %add3A_187 : i32
        %get3A_189 = arith.index_cast %add3A_188 : i32 to index
        %get3A_190 = tpu.vector_load %arg7[%get3A_189] {strides = array<i32>} : memref<2064xi32, #tpu.memory_space<vmem>>, vector<16xi32>,
        %sub3A_191 = vector.broadcast %mul3A_7 : i32 to vector<16xi32>
        %sub3A_192 = arith.subi %get3A_184, %sub3A_191 : vector<16xi32>
        %ne3A_193 = arith.cmpi ne, %get3A_184, %get3A_190 : vector<16xi32>
        %ge3A_194 = arith.constant 0 : i32
        %ge3A_195 = vector.broadcast %ge3A_194 : i32 to vector<16xi32>
        %ge3A_196 = arith.cmpi sge, %sub3A_192, %ge3A_195 : vector<16xi32>
        %and3A_197 = arith.andi %ne3A_193, %ge3A_196 : vector<16xi1>
        %lt3A_198 = arith.constant 32768 : i32
        %lt3A_199 = vector.broadcast %lt3A_198 : i32 to vector<16xi32>
        %lt3A_200 = arith.cmpi slt, %sub3A_192, %lt3A_199 : vector<16xi32>
        %and3A_201 = arith.andi %and3A_197, %lt3A_200 : vector<16xi1>
        %jit3A_202 = arith.constant 0 : i32
        %jit3A_203 = arith.constant 32767 : i32
        %max3A_204 = vector.broadcast %jit3A_202 : i32 to vector<16xi32>
        %max3A_205 = arith.maxsi %max3A_204, %sub3A_192 : vector<16xi32>
        %min3A_206 = vector.broadcast %jit3A_203 : i32 to vector<16xi32>
        %min3A_207 = arith.minsi %min3A_206, %max3A_205 : vector<16xi32>
        %shift_right_arithmetic3A_208 = arith.constant 9 : i32
        %shift_right_arithmetic3A_209 = vector.broadcast %shift_right_arithmetic3A_208 : i32 to vector<16xi32>
        %shift_right_arithmetic3A_210 = arith.shrsi %min3A_207, %shift_right_arithmetic3A_209 : vector<16xi32>
        %and3A_211 = arith.constant 511 : i32
        %and3A_212 = vector.broadcast %and3A_211 : i32 to vector<16xi32>
        %and3A_213 = arith.andi %min3A_207, %and3A_212 : vector<16xi32>
        %mul3A_214 = arith.constant 16 : i32
        %mul3A_215 = arith.muli %add3A_180, %mul3A_214 : i32
        %get3A_216 = arith.constant 0 : i32
        %get3A_217 = arith.index_cast %get3A_216 : i32 to index
        %get3A_218 = arith.index_cast %mul3A_215 : i32 to index
        %get3A_219 = tpu.vector_load %arg8[%get3A_217, %get3A_218] {strides = array<i32>} : memref<8x2048xf32, #tpu.memory_space<vmem>>, vector<16xf32>,
        %broadcast_in_dim3A_220 = arith.constant 0 : i32
        %broadcast_in_dim3A_221 = vector.broadcast %broadcast_in_dim3A_220 : i32 to vector<16xi32>
        tpu.vector_store_idx %arg9[%broadcast_in_dim3A_221, %shift_right_arithmetic3A_210, %and3A_213], %get3A_219 masked %and3A_201 : memref<3x64x512xf32, #tpu.memory_space<vmem>>[vector<16xi32>, vector<16xi32>, vector<16xi32>], vector<16xf32>, vector<16xi1>
        %mul3A_222 = arith.constant 16 : i32
        %mul3A_223 = arith.muli %add3A_180, %mul3A_222 : i32
        %get3A_224 = arith.constant 1 : i32
        %get3A_225 = arith.index_cast %get3A_224 : i32 to index
        %get3A_226 = arith.index_cast %mul3A_223 : i32 to index
        %get3A_227 = tpu.vector_load %arg8[%get3A_225, %get3A_226] {strides = array<i32>} : memref<8x2048xf32, #tpu.memory_space<vmem>>, vector<16xf32>,
        %broadcast_in_dim3A_228 = arith.constant 1 : i32
        %broadcast_in_dim3A_229 = vector.broadcast %broadcast_in_dim3A_228 : i32 to vector<16xi32>
        tpu.vector_store_idx %arg9[%broadcast_in_dim3A_229, %shift_right_arithmetic3A_210, %and3A_213], %get3A_227 masked %and3A_201 : memref<3x64x512xf32, #tpu.memory_space<vmem>>[vector<16xi32>, vector<16xi32>, vector<16xi32>], vector<16xf32>, vector<16xi1>
        %mul3A_230 = arith.constant 16 : i32
        %mul3A_231 = arith.muli %add3A_180, %mul3A_230 : i32
        %get3A_232 = arith.constant 2 : i32
        %get3A_233 = arith.index_cast %get3A_232 : i32 to index
        %get3A_234 = arith.index_cast %mul3A_231 : i32 to index
        %get3A_235 = tpu.vector_load %arg8[%get3A_233, %get3A_234] {strides = array<i32>} : memref<8x2048xf32, #tpu.memory_space<vmem>>, vector<16xf32>,
        %broadcast_in_dim3A_236 = arith.constant 2 : i32
        %broadcast_in_dim3A_237 = vector.broadcast %broadcast_in_dim3A_236 : i32 to vector<16xi32>
        tpu.vector_store_idx %arg9[%broadcast_in_dim3A_237, %shift_right_arithmetic3A_210, %and3A_213], %get3A_235 masked %and3A_201 : memref<3x64x512xf32, #tpu.memory_space<vmem>>[vector<16xi32>, vector<16xi32>, vector<16xi32>], vector<16xf32>, vector<16xi1>
        %mul3A_238 = arith.constant 8 : i32
        %mul3A_239 = arith.muli %scan3A_117, %mul3A_238 : i32
        %add3A_240 = arith.constant 2 : i32
        %add3A_241 = arith.addi %mul3A_239, %add3A_240 : i32
        %mul3A_242 = arith.constant 16 : i32
        %mul3A_243 = arith.muli %add3A_241, %mul3A_242 : i32
        %get3A_244 = arith.index_cast %mul3A_243 : i32 to index
        %get3A_245 = tpu.vector_load %arg7[%get3A_244] {strides = array<i32>} : memref<2064xi32, #tpu.memory_space<vmem>>, vector<16xi32>,
        %mul3A_246 = arith.constant 16 : i32
        %mul3A_247 = arith.muli %add3A_241, %mul3A_246 : i32
        %add3A_248 = arith.constant 1 : i32
        %add3A_249 = arith.addi %mul3A_247, %add3A_248 : i32
        %get3A_250 = arith.index_cast %add3A_249 : i32 to index
        %get3A_251 = tpu.vector_load %arg7[%get3A_250] {strides = array<i32>} : memref<2064xi32, #tpu.memory_space<vmem>>, vector<16xi32>,
        %sub3A_252 = vector.broadcast %mul3A_7 : i32 to vector<16xi32>
        %sub3A_253 = arith.subi %get3A_245, %sub3A_252 : vector<16xi32>
        %ne3A_254 = arith.cmpi ne, %get3A_245, %get3A_251 : vector<16xi32>
        %ge3A_255 = arith.constant 0 : i32
        %ge3A_256 = vector.broadcast %ge3A_255 : i32 to vector<16xi32>
        %ge3A_257 = arith.cmpi sge, %sub3A_253, %ge3A_256 : vector<16xi32>
        %and3A_258 = arith.andi %ne3A_254, %ge3A_257 : vector<16xi1>
        %lt3A_259 = arith.constant 32768 : i32
        %lt3A_260 = vector.broadcast %lt3A_259 : i32 to vector<16xi32>
        %lt3A_261 = arith.cmpi slt, %sub3A_253, %lt3A_260 : vector<16xi32>
        %and3A_262 = arith.andi %and3A_258, %lt3A_261 : vector<16xi1>
        %jit3A_263 = arith.constant 0 : i32
        %jit3A_264 = arith.constant 32767 : i32
        %max3A_265 = vector.broadcast %jit3A_263 : i32 to vector<16xi32>
        %max3A_266 = arith.maxsi %max3A_265, %sub3A_253 : vector<16xi32>
        %min3A_267 = vector.broadcast %jit3A_264 : i32 to vector<16xi32>
        %min3A_268 = arith.minsi %min3A_267, %max3A_266 : vector<16xi32>
        %shift_right_arithmetic3A_269 = arith.constant 9 : i32
        %shift_right_arithmetic3A_270 = vector.broadcast %shift_right_arithmetic3A_269 : i32 to vector<16xi32>
        %shift_right_arithmetic3A_271 = arith.shrsi %min3A_268, %shift_right_arithmetic3A_270 : vector<16xi32>
        %and3A_272 = arith.constant 511 : i32
        %and3A_273 = vector.broadcast %and3A_272 : i32 to vector<16xi32>
        %and3A_274 = arith.andi %min3A_268, %and3A_273 : vector<16xi32>
        %mul3A_275 = arith.constant 16 : i32
        %mul3A_276 = arith.muli %add3A_241, %mul3A_275 : i32
        %get3A_277 = arith.constant 0 : i32
        %get3A_278 = arith.index_cast %get3A_277 : i32 to index
        %get3A_279 = arith.index_cast %mul3A_276 : i32 to index
        %get3A_280 = tpu.vector_load %arg8[%get3A_278, %get3A_279] {strides = array<i32>} : memref<8x2048xf32, #tpu.memory_space<vmem>>, vector<16xf32>,
        %broadcast_in_dim3A_281 = arith.constant 0 : i32
        %broadcast_in_dim3A_282 = vector.broadcast %broadcast_in_dim3A_281 : i32 to vector<16xi32>
        tpu.vector_store_idx %arg9[%broadcast_in_dim3A_282, %shift_right_arithmetic3A_271, %and3A_274], %get3A_280 masked %and3A_262 : memref<3x64x512xf32, #tpu.memory_space<vmem>>[vector<16xi32>, vector<16xi32>, vector<16xi32>], vector<16xf32>, vector<16xi1>
        %mul3A_283 = arith.constant 16 : i32
        %mul3A_284 = arith.muli %add3A_241, %mul3A_283 : i32
        %get3A_285 = arith.constant 1 : i32
        %get3A_286 = arith.index_cast %get3A_285 : i32 to index
        %get3A_287 = arith.index_cast %mul3A_284 : i32 to index
        %get3A_288 = tpu.vector_load %arg8[%get3A_286, %get3A_287] {strides = array<i32>} : memref<8x2048xf32, #tpu.memory_space<vmem>>, vector<16xf32>,
        %broadcast_in_dim3A_289 = arith.constant 1 : i32
        %broadcast_in_dim3A_290 = vector.broadcast %broadcast_in_dim3A_289 : i32 to vector<16xi32>
        tpu.vector_store_idx %arg9[%broadcast_in_dim3A_290, %shift_right_arithmetic3A_271, %and3A_274], %get3A_288 masked %and3A_262 : memref<3x64x512xf32, #tpu.memory_space<vmem>>[vector<16xi32>, vector<16xi32>, vector<16xi32>], vector<16xf32>, vector<16xi1>
        %mul3A_291 = arith.constant 16 : i32
        %mul3A_292 = arith.muli %add3A_241, %mul3A_291 : i32
        %get3A_293 = arith.constant 2 : i32
        %get3A_294 = arith.index_cast %get3A_293 : i32 to index
        %get3A_295 = arith.index_cast %mul3A_292 : i32 to index
        %get3A_296 = tpu.vector_load %arg8[%get3A_294, %get3A_295] {strides = array<i32>} : memref<8x2048xf32, #tpu.memory_space<vmem>>, vector<16xf32>,
        %broadcast_in_dim3A_297 = arith.constant 2 : i32
        %broadcast_in_dim3A_298 = vector.broadcast %broadcast_in_dim3A_297 : i32 to vector<16xi32>
        tpu.vector_store_idx %arg9[%broadcast_in_dim3A_298, %shift_right_arithmetic3A_271, %and3A_274], %get3A_296 masked %and3A_262 : memref<3x64x512xf32, #tpu.memory_space<vmem>>[vector<16xi32>, vector<16xi32>, vector<16xi32>], vector<16xf32>, vector<16xi1>
        %mul3A_299 = arith.constant 8 : i32
        %mul3A_300 = arith.muli %scan3A_117, %mul3A_299 : i32
        %add3A_301 = arith.constant 3 : i32
        %add3A_302 = arith.addi %mul3A_300, %add3A_301 : i32
        %mul3A_303 = arith.constant 16 : i32
        %mul3A_304 = arith.muli %add3A_302, %mul3A_303 : i32
        %get3A_305 = arith.index_cast %mul3A_304 : i32 to index
        %get3A_306 = tpu.vector_load %arg7[%get3A_305] {strides = array<i32>} : memref<2064xi32, #tpu.memory_space<vmem>>, vector<16xi32>,
        %mul3A_307 = arith.constant 16 : i32
        %mul3A_308 = arith.muli %add3A_302, %mul3A_307 : i32
        %add3A_309 = arith.constant 1 : i32
        %add3A_310 = arith.addi %mul3A_308, %add3A_309 : i32
        %get3A_311 = arith.index_cast %add3A_310 : i32 to index
        %get3A_312 = tpu.vector_load %arg7[%get3A_311] {strides = array<i32>} : memref<2064xi32, #tpu.memory_space<vmem>>, vector<16xi32>,
        %sub3A_313 = vector.broadcast %mul3A_7 : i32 to vector<16xi32>
        %sub3A_314 = arith.subi %get3A_306, %sub3A_313 : vector<16xi32>
        %ne3A_315 = arith.cmpi ne, %get3A_306, %get3A_312 : vector<16xi32>
        %ge3A_316 = arith.constant 0 : i32
        %ge3A_317 = vector.broadcast %ge3A_316 : i32 to vector<16xi32>
        %ge3A_318 = arith.cmpi sge, %sub3A_314, %ge3A_317 : vector<16xi32>
        %and3A_319 = arith.andi %ne3A_315, %ge3A_318 : vector<16xi1>
        %lt3A_320 = arith.constant 32768 : i32
        %lt3A_321 = vector.broadcast %lt3A_320 : i32 to vector<16xi32>
        %lt3A_322 = arith.cmpi slt, %sub3A_314, %lt3A_321 : vector<16xi32>
        %and3A_323 = arith.andi %and3A_319, %lt3A_322 : vector<16xi1>
        %jit3A_324 = arith.constant 0 : i32
        %jit3A_325 = arith.constant 32767 : i32
        %max3A_326 = vector.broadcast %jit3A_324 : i32 to vector<16xi32>
        %max3A_327 = arith.maxsi %max3A_326, %sub3A_314 : vector<16xi32>
        %min3A_328 = vector.broadcast %jit3A_325 : i32 to vector<16xi32>
        %min3A_329 = arith.minsi %min3A_328, %max3A_327 : vector<16xi32>
        %shift_right_arithmetic3A_330 = arith.constant 9 : i32
        %shift_right_arithmetic3A_331 = vector.broadcast %shift_right_arithmetic3A_330 : i32 to vector<16xi32>
        %shift_right_arithmetic3A_332 = arith.shrsi %min3A_329, %shift_right_arithmetic3A_331 : vector<16xi32>
        %and3A_333 = arith.constant 511 : i32
        %and3A_334 = vector.broadcast %and3A_333 : i32 to vector<16xi32>
        %and3A_335 = arith.andi %min3A_329, %and3A_334 : vector<16xi32>
        %mul3A_336 = arith.constant 16 : i32
        %mul3A_337 = arith.muli %add3A_302, %mul3A_336 : i32
        %get3A_338 = arith.constant 0 : i32
        %get3A_339 = arith.index_cast %get3A_338 : i32 to index
        %get3A_340 = arith.index_cast %mul3A_337 : i32 to index
        %get3A_341 = tpu.vector_load %arg8[%get3A_339, %get3A_340] {strides = array<i32>} : memref<8x2048xf32, #tpu.memory_space<vmem>>, vector<16xf32>,
        %broadcast_in_dim3A_342 = arith.constant 0 : i32
        %broadcast_in_dim3A_343 = vector.broadcast %broadcast_in_dim3A_342 : i32 to vector<16xi32>
        tpu.vector_store_idx %arg9[%broadcast_in_dim3A_343, %shift_right_arithmetic3A_332, %and3A_335], %get3A_341 masked %and3A_323 : memref<3x64x512xf32, #tpu.memory_space<vmem>>[vector<16xi32>, vector<16xi32>, vector<16xi32>], vector<16xf32>, vector<16xi1>
        %mul3A_344 = arith.constant 16 : i32
        %mul3A_345 = arith.muli %add3A_302, %mul3A_344 : i32
        %get3A_346 = arith.constant 1 : i32
        %get3A_347 = arith.index_cast %get3A_346 : i32 to index
        %get3A_348 = arith.index_cast %mul3A_345 : i32 to index
        %get3A_349 = tpu.vector_load %arg8[%get3A_347, %get3A_348] {strides = array<i32>} : memref<8x2048xf32, #tpu.memory_space<vmem>>, vector<16xf32>,
        %broadcast_in_dim3A_350 = arith.constant 1 : i32
        %broadcast_in_dim3A_351 = vector.broadcast %broadcast_in_dim3A_350 : i32 to vector<16xi32>
        tpu.vector_store_idx %arg9[%broadcast_in_dim3A_351, %shift_right_arithmetic3A_332, %and3A_335], %get3A_349 masked %and3A_323 : memref<3x64x512xf32, #tpu.memory_space<vmem>>[vector<16xi32>, vector<16xi32>, vector<16xi32>], vector<16xf32>, vector<16xi1>
        %mul3A_352 = arith.constant 16 : i32
        %mul3A_353 = arith.muli %add3A_302, %mul3A_352 : i32
        %get3A_354 = arith.constant 2 : i32
        %get3A_355 = arith.index_cast %get3A_354 : i32 to index
        %get3A_356 = arith.index_cast %mul3A_353 : i32 to index
        %get3A_357 = tpu.vector_load %arg8[%get3A_355, %get3A_356] {strides = array<i32>} : memref<8x2048xf32, #tpu.memory_space<vmem>>, vector<16xf32>,
        %broadcast_in_dim3A_358 = arith.constant 2 : i32
        %broadcast_in_dim3A_359 = vector.broadcast %broadcast_in_dim3A_358 : i32 to vector<16xi32>
        tpu.vector_store_idx %arg9[%broadcast_in_dim3A_359, %shift_right_arithmetic3A_332, %and3A_335], %get3A_357 masked %and3A_323 : memref<3x64x512xf32, #tpu.memory_space<vmem>>[vector<16xi32>, vector<16xi32>, vector<16xi32>], vector<16xf32>, vector<16xi1>
        %mul3A_360 = arith.constant 8 : i32
        %mul3A_361 = arith.muli %scan3A_117, %mul3A_360 : i32
        %add3A_362 = arith.constant 4 : i32
        %add3A_363 = arith.addi %mul3A_361, %add3A_362 : i32
        %mul3A_364 = arith.constant 16 : i32
        %mul3A_365 = arith.muli %add3A_363, %mul3A_364 : i32
        %get3A_366 = arith.index_cast %mul3A_365 : i32 to index
        %get3A_367 = tpu.vector_load %arg7[%get3A_366] {strides = array<i32>} : memref<2064xi32, #tpu.memory_space<vmem>>, vector<16xi32>,
        %mul3A_368 = arith.constant 16 : i32
        %mul3A_369 = arith.muli %add3A_363, %mul3A_368 : i32
        %add3A_370 = arith.constant 1 : i32
        %add3A_371 = arith.addi %mul3A_369, %add3A_370 : i32
        %get3A_372 = arith.index_cast %add3A_371 : i32 to index
        %get3A_373 = tpu.vector_load %arg7[%get3A_372] {strides = array<i32>} : memref<2064xi32, #tpu.memory_space<vmem>>, vector<16xi32>,
        %sub3A_374 = vector.broadcast %mul3A_7 : i32 to vector<16xi32>
        %sub3A_375 = arith.subi %get3A_367, %sub3A_374 : vector<16xi32>
        %ne3A_376 = arith.cmpi ne, %get3A_367, %get3A_373 : vector<16xi32>
        %ge3A_377 = arith.constant 0 : i32
        %ge3A_378 = vector.broadcast %ge3A_377 : i32 to vector<16xi32>
        %ge3A_379 = arith.cmpi sge, %sub3A_375, %ge3A_378 : vector<16xi32>
        %and3A_380 = arith.andi %ne3A_376, %ge3A_379 : vector<16xi1>
        %lt3A_381 = arith.constant 32768 : i32
        %lt3A_382 = vector.broadcast %lt3A_381 : i32 to vector<16xi32>
        %lt3A_383 = arith.cmpi slt, %sub3A_375, %lt3A_382 : vector<16xi32>
        %and3A_384 = arith.andi %and3A_380, %lt3A_383 : vector<16xi1>
        %jit3A_385 = arith.constant 0 : i32
        %jit3A_386 = arith.constant 32767 : i32
        %max3A_387 = vector.broadcast %jit3A_385 : i32 to vector<16xi32>
        %max3A_388 = arith.maxsi %max3A_387, %sub3A_375 : vector<16xi32>
        %min3A_389 = vector.broadcast %jit3A_386 : i32 to vector<16xi32>
        %min3A_390 = arith.minsi %min3A_389, %max3A_388 : vector<16xi32>
        %shift_right_arithmetic3A_391 = arith.constant 9 : i32
        %shift_right_arithmetic3A_392 = vector.broadcast %shift_right_arithmetic3A_391 : i32 to vector<16xi32>
        %shift_right_arithmetic3A_393 = arith.shrsi %min3A_390, %shift_right_arithmetic3A_392 : vector<16xi32>
        %and3A_394 = arith.constant 511 : i32
        %and3A_395 = vector.broadcast %and3A_394 : i32 to vector<16xi32>
        %and3A_396 = arith.andi %min3A_390, %and3A_395 : vector<16xi32>
        %mul3A_397 = arith.constant 16 : i32
        %mul3A_398 = arith.muli %add3A_363, %mul3A_397 : i32
        %get3A_399 = arith.constant 0 : i32
        %get3A_400 = arith.index_cast %get3A_399 : i32 to index
        %get3A_401 = arith.index_cast %mul3A_398 : i32 to index
        %get3A_402 = tpu.vector_load %arg8[%get3A_400, %get3A_401] {strides = array<i32>} : memref<8x2048xf32, #tpu.memory_space<vmem>>, vector<16xf32>,
        %broadcast_in_dim3A_403 = arith.constant 0 : i32
        %broadcast_in_dim3A_404 = vector.broadcast %broadcast_in_dim3A_403 : i32 to vector<16xi32>
        tpu.vector_store_idx %arg9[%broadcast_in_dim3A_404, %shift_right_arithmetic3A_393, %and3A_396], %get3A_402 masked %and3A_384 : memref<3x64x512xf32, #tpu.memory_space<vmem>>[vector<16xi32>, vector<16xi32>, vector<16xi32>], vector<16xf32>, vector<16xi1>
        %mul3A_405 = arith.constant 16 : i32
        %mul3A_406 = arith.muli %add3A_363, %mul3A_405 : i32
        %get3A_407 = arith.constant 1 : i32
        %get3A_408 = arith.index_cast %get3A_407 : i32 to index
        %get3A_409 = arith.index_cast %mul3A_406 : i32 to index
        %get3A_410 = tpu.vector_load %arg8[%get3A_408, %get3A_409] {strides = array<i32>} : memref<8x2048xf32, #tpu.memory_space<vmem>>, vector<16xf32>,
        %broadcast_in_dim3A_411 = arith.constant 1 : i32
        %broadcast_in_dim3A_412 = vector.broadcast %broadcast_in_dim3A_411 : i32 to vector<16xi32>
        tpu.vector_store_idx %arg9[%broadcast_in_dim3A_412, %shift_right_arithmetic3A_393, %and3A_396], %get3A_410 masked %and3A_384 : memref<3x64x512xf32, #tpu.memory_space<vmem>>[vector<16xi32>, vector<16xi32>, vector<16xi32>], vector<16xf32>, vector<16xi1>
        %mul3A_413 = arith.constant 16 : i32
        %mul3A_414 = arith.muli %add3A_363, %mul3A_413 : i32
        %get3A_415 = arith.constant 2 : i32
        %get3A_416 = arith.index_cast %get3A_415 : i32 to index
        %get3A_417 = arith.index_cast %mul3A_414 : i32 to index
        %get3A_418 = tpu.vector_load %arg8[%get3A_416, %get3A_417] {strides = array<i32>} : memref<8x2048xf32, #tpu.memory_space<vmem>>, vector<16xf32>,
        %broadcast_in_dim3A_419 = arith.constant 2 : i32
        %broadcast_in_dim3A_420 = vector.broadcast %broadcast_in_dim3A_419 : i32 to vector<16xi32>
        tpu.vector_store_idx %arg9[%broadcast_in_dim3A_420, %shift_right_arithmetic3A_393, %and3A_396], %get3A_418 masked %and3A_384 : memref<3x64x512xf32, #tpu.memory_space<vmem>>[vector<16xi32>, vector<16xi32>, vector<16xi32>], vector<16xf32>, vector<16xi1>
        %mul3A_421 = arith.constant 8 : i32
        %mul3A_422 = arith.muli %scan3A_117, %mul3A_421 : i32
        %add3A_423 = arith.constant 5 : i32
        %add3A_424 = arith.addi %mul3A_422, %add3A_423 : i32
        %mul3A_425 = arith.constant 16 : i32
        %mul3A_426 = arith.muli %add3A_424, %mul3A_425 : i32
        %get3A_427 = arith.index_cast %mul3A_426 : i32 to index
        %get3A_428 = tpu.vector_load %arg7[%get3A_427] {strides = array<i32>} : memref<2064xi32, #tpu.memory_space<vmem>>, vector<16xi32>,
        %mul3A_429 = arith.constant 16 : i32
        %mul3A_430 = arith.muli %add3A_424, %mul3A_429 : i32
        %add3A_431 = arith.constant 1 : i32
        %add3A_432 = arith.addi %mul3A_430, %add3A_431 : i32
        %get3A_433 = arith.index_cast %add3A_432 : i32 to index
        %get3A_434 = tpu.vector_load %arg7[%get3A_433] {strides = array<i32>} : memref<2064xi32, #tpu.memory_space<vmem>>, vector<16xi32>,
        %sub3A_435 = vector.broadcast %mul3A_7 : i32 to vector<16xi32>
        %sub3A_436 = arith.subi %get3A_428, %sub3A_435 : vector<16xi32>
        %ne3A_437 = arith.cmpi ne, %get3A_428, %get3A_434 : vector<16xi32>
        %ge3A_438 = arith.constant 0 : i32
        %ge3A_439 = vector.broadcast %ge3A_438 : i32 to vector<16xi32>
        %ge3A_440 = arith.cmpi sge, %sub3A_436, %ge3A_439 : vector<16xi32>
        %and3A_441 = arith.andi %ne3A_437, %ge3A_440 : vector<16xi1>
        %lt3A_442 = arith.constant 32768 : i32
        %lt3A_443 = vector.broadcast %lt3A_442 : i32 to vector<16xi32>
        %lt3A_444 = arith.cmpi slt, %sub3A_436, %lt3A_443 : vector<16xi32>
        %and3A_445 = arith.andi %and3A_441, %lt3A_444 : vector<16xi1>
        %jit3A_446 = arith.constant 0 : i32
        %jit3A_447 = arith.constant 32767 : i32
        %max3A_448 = vector.broadcast %jit3A_446 : i32 to vector<16xi32>
        %max3A_449 = arith.maxsi %max3A_448, %sub3A_436 : vector<16xi32>
        %min3A_450 = vector.broadcast %jit3A_447 : i32 to vector<16xi32>
        %min3A_451 = arith.minsi %min3A_450, %max3A_449 : vector<16xi32>
        %shift_right_arithmetic3A_452 = arith.constant 9 : i32
        %shift_right_arithmetic3A_453 = vector.broadcast %shift_right_arithmetic3A_452 : i32 to vector<16xi32>
        %shift_right_arithmetic3A_454 = arith.shrsi %min3A_451, %shift_right_arithmetic3A_453 : vector<16xi32>
        %and3A_455 = arith.constant 511 : i32
        %and3A_456 = vector.broadcast %and3A_455 : i32 to vector<16xi32>
        %and3A_457 = arith.andi %min3A_451, %and3A_456 : vector<16xi32>
        %mul3A_458 = arith.constant 16 : i32
        %mul3A_459 = arith.muli %add3A_424, %mul3A_458 : i32
        %get3A_460 = arith.constant 0 : i32
        %get3A_461 = arith.index_cast %get3A_460 : i32 to index
        %get3A_462 = arith.index_cast %mul3A_459 : i32 to index
        %get3A_463 = tpu.vector_load %arg8[%get3A_461, %get3A_462] {strides = array<i32>} : memref<8x2048xf32, #tpu.memory_space<vmem>>, vector<16xf32>,
        %broadcast_in_dim3A_464 = arith.constant 0 : i32
        %broadcast_in_dim3A_465 = vector.broadcast %broadcast_in_dim3A_464 : i32 to vector<16xi32>
        tpu.vector_store_idx %arg9[%broadcast_in_dim3A_465, %shift_right_arithmetic3A_454, %and3A_457], %get3A_463 masked %and3A_445 : memref<3x64x512xf32, #tpu.memory_space<vmem>>[vector<16xi32>, vector<16xi32>, vector<16xi32>], vector<16xf32>, vector<16xi1>
        %mul3A_466 = arith.constant 16 : i32
        %mul3A_467 = arith.muli %add3A_424, %mul3A_466 : i32
        %get3A_468 = arith.constant 1 : i32
        %get3A_469 = arith.index_cast %get3A_468 : i32 to index
        %get3A_470 = arith.index_cast %mul3A_467 : i32 to index
        %get3A_471 = tpu.vector_load %arg8[%get3A_469, %get3A_470] {strides = array<i32>} : memref<8x2048xf32, #tpu.memory_space<vmem>>, vector<16xf32>,
        %broadcast_in_dim3A_472 = arith.constant 1 : i32
        %broadcast_in_dim3A_473 = vector.broadcast %broadcast_in_dim3A_472 : i32 to vector<16xi32>
        tpu.vector_store_idx %arg9[%broadcast_in_dim3A_473, %shift_right_arithmetic3A_454, %and3A_457], %get3A_471 masked %and3A_445 : memref<3x64x512xf32, #tpu.memory_space<vmem>>[vector<16xi32>, vector<16xi32>, vector<16xi32>], vector<16xf32>, vector<16xi1>
        %mul3A_474 = arith.constant 16 : i32
        %mul3A_475 = arith.muli %add3A_424, %mul3A_474 : i32
        %get3A_476 = arith.constant 2 : i32
        %get3A_477 = arith.index_cast %get3A_476 : i32 to index
        %get3A_478 = arith.index_cast %mul3A_475 : i32 to index
        %get3A_479 = tpu.vector_load %arg8[%get3A_477, %get3A_478] {strides = array<i32>} : memref<8x2048xf32, #tpu.memory_space<vmem>>, vector<16xf32>,
        %broadcast_in_dim3A_480 = arith.constant 2 : i32
        %broadcast_in_dim3A_481 = vector.broadcast %broadcast_in_dim3A_480 : i32 to vector<16xi32>
        tpu.vector_store_idx %arg9[%broadcast_in_dim3A_481, %shift_right_arithmetic3A_454, %and3A_457], %get3A_479 masked %and3A_445 : memref<3x64x512xf32, #tpu.memory_space<vmem>>[vector<16xi32>, vector<16xi32>, vector<16xi32>], vector<16xf32>, vector<16xi1>
        %mul3A_482 = arith.constant 8 : i32
        %mul3A_483 = arith.muli %scan3A_117, %mul3A_482 : i32
        %add3A_484 = arith.constant 6 : i32
        %add3A_485 = arith.addi %mul3A_483, %add3A_484 : i32
        %mul3A_486 = arith.constant 16 : i32
        %mul3A_487 = arith.muli %add3A_485, %mul3A_486 : i32
        %get3A_488 = arith.index_cast %mul3A_487 : i32 to index
        %get3A_489 = tpu.vector_load %arg7[%get3A_488] {strides = array<i32>} : memref<2064xi32, #tpu.memory_space<vmem>>, vector<16xi32>,
        %mul3A_490 = arith.constant 16 : i32
        %mul3A_491 = arith.muli %add3A_485, %mul3A_490 : i32
        %add3A_492 = arith.constant 1 : i32
        %add3A_493 = arith.addi %mul3A_491, %add3A_492 : i32
        %get3A_494 = arith.index_cast %add3A_493 : i32 to index
        %get3A_495 = tpu.vector_load %arg7[%get3A_494] {strides = array<i32>} : memref<2064xi32, #tpu.memory_space<vmem>>, vector<16xi32>,
        %sub3A_496 = vector.broadcast %mul3A_7 : i32 to vector<16xi32>
        %sub3A_497 = arith.subi %get3A_489, %sub3A_496 : vector<16xi32>
        %ne3A_498 = arith.cmpi ne, %get3A_489, %get3A_495 : vector<16xi32>
        %ge3A_499 = arith.constant 0 : i32
        %ge3A_500 = vector.broadcast %ge3A_499 : i32 to vector<16xi32>
        %ge3A_501 = arith.cmpi sge, %sub3A_497, %ge3A_500 : vector<16xi32>
        %and3A_502 = arith.andi %ne3A_498, %ge3A_501 : vector<16xi1>
        %lt3A_503 = arith.constant 32768 : i32
        %lt3A_504 = vector.broadcast %lt3A_503 : i32 to vector<16xi32>
        %lt3A_505 = arith.cmpi slt, %sub3A_497, %lt3A_504 : vector<16xi32>
        %and3A_506 = arith.andi %and3A_502, %lt3A_505 : vector<16xi1>
        %jit3A_507 = arith.constant 0 : i32
        %jit3A_508 = arith.constant 32767 : i32
        %max3A_509 = vector.broadcast %jit3A_507 : i32 to vector<16xi32>
        %max3A_510 = arith.maxsi %max3A_509, %sub3A_497 : vector<16xi32>
        %min3A_511 = vector.broadcast %jit3A_508 : i32 to vector<16xi32>
        %min3A_512 = arith.minsi %min3A_511, %max3A_510 : vector<16xi32>
        %shift_right_arithmetic3A_513 = arith.constant 9 : i32
        %shift_right_arithmetic3A_514 = vector.broadcast %shift_right_arithmetic3A_513 : i32 to vector<16xi32>
        %shift_right_arithmetic3A_515 = arith.shrsi %min3A_512, %shift_right_arithmetic3A_514 : vector<16xi32>
        %and3A_516 = arith.constant 511 : i32
        %and3A_517 = vector.broadcast %and3A_516 : i32 to vector<16xi32>
        %and3A_518 = arith.andi %min3A_512, %and3A_517 : vector<16xi32>
        %mul3A_519 = arith.constant 16 : i32
        %mul3A_520 = arith.muli %add3A_485, %mul3A_519 : i32
        %get3A_521 = arith.constant 0 : i32
        %get3A_522 = arith.index_cast %get3A_521 : i32 to index
        %get3A_523 = arith.index_cast %mul3A_520 : i32 to index
        %get3A_524 = tpu.vector_load %arg8[%get3A_522, %get3A_523] {strides = array<i32>} : memref<8x2048xf32, #tpu.memory_space<vmem>>, vector<16xf32>,
        %broadcast_in_dim3A_525 = arith.constant 0 : i32
        %broadcast_in_dim3A_526 = vector.broadcast %broadcast_in_dim3A_525 : i32 to vector<16xi32>
        tpu.vector_store_idx %arg9[%broadcast_in_dim3A_526, %shift_right_arithmetic3A_515, %and3A_518], %get3A_524 masked %and3A_506 : memref<3x64x512xf32, #tpu.memory_space<vmem>>[vector<16xi32>, vector<16xi32>, vector<16xi32>], vector<16xf32>, vector<16xi1>
        %mul3A_527 = arith.constant 16 : i32
        %mul3A_528 = arith.muli %add3A_485, %mul3A_527 : i32
        %get3A_529 = arith.constant 1 : i32
        %get3A_530 = arith.index_cast %get3A_529 : i32 to index
        %get3A_531 = arith.index_cast %mul3A_528 : i32 to index
        %get3A_532 = tpu.vector_load %arg8[%get3A_530, %get3A_531] {strides = array<i32>} : memref<8x2048xf32, #tpu.memory_space<vmem>>, vector<16xf32>,
        %broadcast_in_dim3A_533 = arith.constant 1 : i32
        %broadcast_in_dim3A_534 = vector.broadcast %broadcast_in_dim3A_533 : i32 to vector<16xi32>
        tpu.vector_store_idx %arg9[%broadcast_in_dim3A_534, %shift_right_arithmetic3A_515, %and3A_518], %get3A_532 masked %and3A_506 : memref<3x64x512xf32, #tpu.memory_space<vmem>>[vector<16xi32>, vector<16xi32>, vector<16xi32>], vector<16xf32>, vector<16xi1>
        %mul3A_535 = arith.constant 16 : i32
        %mul3A_536 = arith.muli %add3A_485, %mul3A_535 : i32
        %get3A_537 = arith.constant 2 : i32
        %get3A_538 = arith.index_cast %get3A_537 : i32 to index
        %get3A_539 = arith.index_cast %mul3A_536 : i32 to index
        %get3A_540 = tpu.vector_load %arg8[%get3A_538, %get3A_539] {strides = array<i32>} : memref<8x2048xf32, #tpu.memory_space<vmem>>, vector<16xf32>,
        %broadcast_in_dim3A_541 = arith.constant 2 : i32
        %broadcast_in_dim3A_542 = vector.broadcast %broadcast_in_dim3A_541 : i32 to vector<16xi32>
        tpu.vector_store_idx %arg9[%broadcast_in_dim3A_542, %shift_right_arithmetic3A_515, %and3A_518], %get3A_540 masked %and3A_506 : memref<3x64x512xf32, #tpu.memory_space<vmem>>[vector<16xi32>, vector<16xi32>, vector<16xi32>], vector<16xf32>, vector<16xi1>
        %mul3A_543 = arith.constant 8 : i32
        %mul3A_544 = arith.muli %scan3A_117, %mul3A_543 : i32
        %add3A_545 = arith.constant 7 : i32
        %add3A_546 = arith.addi %mul3A_544, %add3A_545 : i32
        %mul3A_547 = arith.constant 16 : i32
        %mul3A_548 = arith.muli %add3A_546, %mul3A_547 : i32
        %get3A_549 = arith.index_cast %mul3A_548 : i32 to index
        %get3A_550 = tpu.vector_load %arg7[%get3A_549] {strides = array<i32>} : memref<2064xi32, #tpu.memory_space<vmem>>, vector<16xi32>,
        %mul3A_551 = arith.constant 16 : i32
        %mul3A_552 = arith.muli %add3A_546, %mul3A_551 : i32
        %add3A_553 = arith.constant 1 : i32
        %add3A_554 = arith.addi %mul3A_552, %add3A_553 : i32
        %get3A_555 = arith.index_cast %add3A_554 : i32 to index
        %get3A_556 = tpu.vector_load %arg7[%get3A_555] {strides = array<i32>} : memref<2064xi32, #tpu.memory_space<vmem>>, vector<16xi32>,
        %sub3A_557 = vector.broadcast %mul3A_7 : i32 to vector<16xi32>
        %sub3A_558 = arith.subi %get3A_550, %sub3A_557 : vector<16xi32>
        %ne3A_559 = arith.cmpi ne, %get3A_550, %get3A_556 : vector<16xi32>
        %ge3A_560 = arith.constant 0 : i32
        %ge3A_561 = vector.broadcast %ge3A_560 : i32 to vector<16xi32>
        %ge3A_562 = arith.cmpi sge, %sub3A_558, %ge3A_561 : vector<16xi32>
        %and3A_563 = arith.andi %ne3A_559, %ge3A_562 : vector<16xi1>
        %lt3A_564 = arith.constant 32768 : i32
        %lt3A_565 = vector.broadcast %lt3A_564 : i32 to vector<16xi32>
        %lt3A_566 = arith.cmpi slt, %sub3A_558, %lt3A_565 : vector<16xi32>
        %and3A_567 = arith.andi %and3A_563, %lt3A_566 : vector<16xi1>
        %jit3A_568 = arith.constant 0 : i32
        %jit3A_569 = arith.constant 32767 : i32
        %max3A_570 = vector.broadcast %jit3A_568 : i32 to vector<16xi32>
        %max3A_571 = arith.maxsi %max3A_570, %sub3A_558 : vector<16xi32>
        %min3A_572 = vector.broadcast %jit3A_569 : i32 to vector<16xi32>
        %min3A_573 = arith.minsi %min3A_572, %max3A_571 : vector<16xi32>
        %shift_right_arithmetic3A_574 = arith.constant 9 : i32
        %shift_right_arithmetic3A_575 = vector.broadcast %shift_right_arithmetic3A_574 : i32 to vector<16xi32>
        %shift_right_arithmetic3A_576 = arith.shrsi %min3A_573, %shift_right_arithmetic3A_575 : vector<16xi32>
        %and3A_577 = arith.constant 511 : i32
        %and3A_578 = vector.broadcast %and3A_577 : i32 to vector<16xi32>
        %and3A_579 = arith.andi %min3A_573, %and3A_578 : vector<16xi32>
        %mul3A_580 = arith.constant 16 : i32
        %mul3A_581 = arith.muli %add3A_546, %mul3A_580 : i32
        %get3A_582 = arith.constant 0 : i32
        %get3A_583 = arith.index_cast %get3A_582 : i32 to index
        %get3A_584 = arith.index_cast %mul3A_581 : i32 to index
        %get3A_585 = tpu.vector_load %arg8[%get3A_583, %get3A_584] {strides = array<i32>} : memref<8x2048xf32, #tpu.memory_space<vmem>>, vector<16xf32>,
        %broadcast_in_dim3A_586 = arith.constant 0 : i32
        %broadcast_in_dim3A_587 = vector.broadcast %broadcast_in_dim3A_586 : i32 to vector<16xi32>
        tpu.vector_store_idx %arg9[%broadcast_in_dim3A_587, %shift_right_arithmetic3A_576, %and3A_579], %get3A_585 masked %and3A_567 : memref<3x64x512xf32, #tpu.memory_space<vmem>>[vector<16xi32>, vector<16xi32>, vector<16xi32>], vector<16xf32>, vector<16xi1>
        %mul3A_588 = arith.constant 16 : i32
        %mul3A_589 = arith.muli %add3A_546, %mul3A_588 : i32
        %get3A_590 = arith.constant 1 : i32
        %get3A_591 = arith.index_cast %get3A_590 : i32 to index
        %get3A_592 = arith.index_cast %mul3A_589 : i32 to index
        %get3A_593 = tpu.vector_load %arg8[%get3A_591, %get3A_592] {strides = array<i32>} : memref<8x2048xf32, #tpu.memory_space<vmem>>, vector<16xf32>,
        %broadcast_in_dim3A_594 = arith.constant 1 : i32
        %broadcast_in_dim3A_595 = vector.broadcast %broadcast_in_dim3A_594 : i32 to vector<16xi32>
        tpu.vector_store_idx %arg9[%broadcast_in_dim3A_595, %shift_right_arithmetic3A_576, %and3A_579], %get3A_593 masked %and3A_567 : memref<3x64x512xf32, #tpu.memory_space<vmem>>[vector<16xi32>, vector<16xi32>, vector<16xi32>], vector<16xf32>, vector<16xi1>
        %mul3A_596 = arith.constant 16 : i32
        %mul3A_597 = arith.muli %add3A_546, %mul3A_596 : i32
        %get3A_598 = arith.constant 2 : i32
        %get3A_599 = arith.index_cast %get3A_598 : i32 to index
        %get3A_600 = arith.index_cast %mul3A_597 : i32 to index
        %get3A_601 = tpu.vector_load %arg8[%get3A_599, %get3A_600] {strides = array<i32>} : memref<8x2048xf32, #tpu.memory_space<vmem>>, vector<16xf32>,
        %broadcast_in_dim3A_602 = arith.constant 2 : i32
        %broadcast_in_dim3A_603 = vector.broadcast %broadcast_in_dim3A_602 : i32 to vector<16xi32>
        tpu.vector_store_idx %arg9[%broadcast_in_dim3A_603, %shift_right_arithmetic3A_576, %and3A_579], %get3A_601 masked %and3A_567 : memref<3x64x512xf32, #tpu.memory_space<vmem>>[vector<16xi32>, vector<16xi32>, vector<16xi32>], vector<16xf32>, vector<16xi1>
        %scan3A_604 = arith.constant 0 : i32
        scf.yield %scan3A_604 : i32
      }
      %scan3A_115 = arith.constant 16 : i32
      %while3A_116 = arith.constant 0 : i32
      scf.yield %while3A_116 : i32
    }
    %while3A_56 = arith.constant 1 : i32
    %while3A_57 = scf.for %while3A_63 = %while3A_53 to %while3A_49 step %while3A_56 iter_args(%while3A_64 = %while3A_55) -> (i32)  : i32 {
      %add3A_65 = arith.addi %squeeze3A, %while3A_63 : i32
      %mul3A_66 = arith.constant 2048 : i32
      %mul3A_67 = arith.muli %add3A_65, %mul3A_66 : i32
      %dma_start3A = arith.constant 0 : i32
      %dma_start3A_68 = tpu.memref_slice %arg7[%dma_start3A] : memref<2064xi32, #tpu.memory_space<vmem>> -> memref<2048xi32, #tpu.memory_space<vmem>>
      %dma_start3A_69 = tpu.memref_slice %arg3[%mul3A_67] : memref<524288xi32, #tpu.memory_space<hbm>> -> memref<2048xi32, #tpu.memory_space<hbm>>
      %dma_start3A_70 = arith.constant 0 : i32
      %dma_start3A_71 = tpu.memref_slice %arg7[%dma_start3A_70] : memref<2064xi32, #tpu.memory_space<vmem>> -> memref<2048xi32, #tpu.memory_space<vmem>>
      %dma_start3A_72 = tpu.memref_slice %arg3[%mul3A_67] : memref<524288xi32, #tpu.memory_space<hbm>> -> memref<2048xi32, #tpu.memory_space<hbm>>
      tpu.enqueue_dma source(%dma_start3A_72 : memref<2048xi32, #tpu.memory_space<hbm>>) target(%dma_start3A_71 : memref<2048xi32, #tpu.memory_space<vmem>>) target_semaphore(%arg10 : memref<!tpu.dma_semaphore, #tpu.memory_space<semaphore_mem>>)
      %add3A_73 = arith.constant 1 : i32
      %add3A_74 = arith.addi %add3A_65, %add3A_73 : i32
      %mul3A_75 = arith.constant 2048 : i32
      %mul3A_76 = arith.muli %add3A_74, %mul3A_75 : i32
      %min3A = arith.constant 524272 : i32
      %min3A_77 = arith.minsi %mul3A_76, %min3A : i32
      %dma_start3A_78 = arith.constant 2048 : i32
      %dma_start3A_79 = tpu.memref_slice %arg7[%dma_start3A_78] : memref<2064xi32, #tpu.memory_space<vmem>> -> memref<16xi32, #tpu.memory_space<vmem>>
      %dma_start3A_80 = tpu.memref_slice %arg3[%min3A_77] : memref<524288xi32, #tpu.memory_space<hbm>> -> memref<16xi32, #tpu.memory_space<hbm>>
      %dma_start3A_81 = arith.constant 2048 : i32
      %dma_start3A_82 = tpu.memref_slice %arg7[%dma_start3A_81] : memref<2064xi32, #tpu.memory_space<vmem>> -> memref<16xi32, #tpu.memory_space<vmem>>
      %dma_start3A_83 = tpu.memref_slice %arg3[%min3A_77] : memref<524288xi32, #tpu.memory_space<hbm>> -> memref<16xi32, #tpu.memory_space<hbm>>
      tpu.enqueue_dma source(%dma_start3A_83 : memref<16xi32, #tpu.memory_space<hbm>>) target(%dma_start3A_82 : memref<16xi32, #tpu.memory_space<vmem>>) target_semaphore(%arg10 : memref<!tpu.dma_semaphore, #tpu.memory_space<semaphore_mem>>)
      %mul3A_84 = arith.constant 2048 : i32
      %mul3A_85 = arith.muli %add3A_65, %mul3A_84 : i32
      %multiple_of3A_86 = tpu.assume_multiple %mul3A_85, 2048 : i32
      %dma_start3A_87 = arith.constant 0 : i32
      %dma_start3A_88 = tpu.memref_slice %arg2[%dma_start3A_87, %multiple_of3A_86] : memref<8x524288xf32, #tpu.memory_space<hbm>> -> memref<8x2048xf32, #tpu.memory_space<hbm>>
      %dma_start3A_89 = arith.constant 0 : i32
      %dma_start3A_90 = tpu.memref_slice %arg2[%dma_start3A_89, %multiple_of3A_86] : memref<8x524288xf32, #tpu.memory_space<hbm>> -> memref<8x2048xf32, #tpu.memory_space<hbm>>
      tpu.enqueue_dma source(%dma_start3A_90 : memref<8x2048xf32, #tpu.memory_space<hbm>>) target(%arg8 : memref<8x2048xf32, #tpu.memory_space<vmem>>) target_semaphore(%arg10 : memref<!tpu.dma_semaphore, #tpu.memory_space<semaphore_mem>>)
      %dma_wait3A = arith.constant 0 : i32
      %dma_wait3A_91 = tpu.memref_slice %arg7[%dma_wait3A] : memref<2064xi32, #tpu.memory_space<vmem>> -> memref<2048xi32, #tpu.memory_space<vmem>>
      %dma_wait3A_92 = tpu.memref_slice %arg3[%mul3A_67] : memref<524288xi32, #tpu.memory_space<hbm>> -> memref<2048xi32, #tpu.memory_space<hbm>>
      %dma_wait3A_93 = arith.constant 0 : i32
      %dma_wait3A_94 = tpu.memref_slice %arg7[%dma_wait3A_93] : memref<2064xi32, #tpu.memory_space<vmem>> -> memref<2048xi32, #tpu.memory_space<vmem>>
      %dma_wait3A_95 = tpu.memref_slice %arg3[%mul3A_67] : memref<524288xi32, #tpu.memory_space<hbm>> -> memref<2048xi32, #tpu.memory_space<hbm>>
      tpu.wait_dma2 semaphore(%arg10 : memref<!tpu.dma_semaphore, #tpu.memory_space<semaphore_mem>>) src(%dma_wait3A_95 : memref<2048xi32, #tpu.memory_space<hbm>>) dst(%dma_wait3A_94 : memref<2048xi32, #tpu.memory_space<vmem>>)
      %dma_wait3A_96 = arith.constant 2048 : i32
      %dma_wait3A_97 = tpu.memref_slice %arg7[%dma_wait3A_96] : memref<2064xi32, #tpu.memory_space<vmem>> -> memref<16xi32, #tpu.memory_space<vmem>>
      %dma_wait3A_98 = tpu.memref_slice %arg3[%min3A_77] : memref<524288xi32, #tpu.memory_space<hbm>> -> memref<16xi32, #tpu.memory_space<hbm>>
      %dma_wait3A_99 = arith.constant 2048 : i32
      %dma_wait3A_100 = tpu.memref_slice %arg7[%dma_wait3A_99] : memref<2064xi32, #tpu.memory_space<vmem>> -> memref<16xi32, #tpu.memory_space<vmem>>
      %dma_wait3A_101 = tpu.memref_slice %arg3[%min3A_77] : memref<524288xi32, #tpu.memory_space<hbm>> -> memref<16xi32, #tpu.memory_space<hbm>>
      tpu.wait_dma2 semaphore(%arg10 : memref<!tpu.dma_semaphore, #tpu.memory_space<semaphore_mem>>) src(%dma_wait3A_101 : memref<16xi32, #tpu.memory_space<hbm>>) dst(%dma_wait3A_100 : memref<16xi32, #tpu.memory_space<vmem>>)
      %dma_wait3A_102 = arith.constant 0 : i32
      %dma_wait3A_103 = tpu.memref_slice %arg2[%dma_wait3A_102, %multiple_of3A_86] : memref<8x524288xf32, #tpu.memory_space<hbm>> -> memref<8x2048xf32, #tpu.memory_space<hbm>>
      %dma_wait3A_104 = arith.constant 0 : i32
      %dma_wait3A_105 = tpu.memref_slice %arg2[%dma_wait3A_104, %multiple_of3A_86] : memref<8x524288xf32, #tpu.memory_space<hbm>> -> memref<8x2048xf32, #tpu.memory_space<hbm>>
      tpu.wait_dma2 semaphore(%arg10 : memref<!tpu.dma_semaphore, #tpu.memory_space<semaphore_mem>>) src(%dma_wait3A_105 : memref<8x2048xf32, #tpu.memory_space<hbm>>) dst(%arg8 : memref<8x2048xf32, #tpu.memory_space<vmem>>)
      %eq3A_106 = arith.constant 255 : i32
      %eq3A_107 = arith.cmpi eq, %add3A_65, %eq3A_106 : i32
      %convert_element_type3A = arith.extui %eq3A_107 : i1 to i32
      %cond3A = arith.constant 0 : i32
      %cond3A_108 = arith.cmpi ne, %convert_element_type3A, %cond3A : i32
      scf.if %cond3A_108 {
        %broadcast_in_dim3A_117 = arith.constant -1 : i32
        %broadcast_in_dim3A_118 = vector.broadcast %broadcast_in_dim3A_117 : i32 to vector<16xi32>
        %swap3A = arith.constant 2048 : index
        %swap3A_119 = tpu.vector_load %arg7[%swap3A] {strides = array<i32>} : memref<2064xi32, #tpu.memory_space<vmem>>, vector<16xi32>,
        tpu.vector_store %arg7[%swap3A], %broadcast_in_dim3A_118 {strides = array<i32>} : memref<2064xi32, #tpu.memory_space<vmem>>, vector<16xi32>,
      } else {
      }
      %scan3A_109 = arith.constant 0 : i32
      %scan3A_110 = arith.constant 0 : i32
      %scan3A_111 = arith.constant 16 : i32
      %scan3A_112 = arith.addi %scan3A_110, %scan3A_111 : i32
      %scan3A_113 = arith.constant 1 : i32
      %scan3A_114 = scf.for %scan3A_117 = %scan3A_110 to %scan3A_112 step %scan3A_113 iter_args(%scan3A_118 = %scan3A_109) -> (i32)  : i32 {
        %mul3A_119 = arith.constant 8 : i32
        %mul3A_120 = arith.muli %scan3A_117, %mul3A_119 : i32
        %add3A_121 = arith.constant 0 : i32
        %add3A_122 = arith.addi %mul3A_120, %add3A_121 : i32
        %mul3A_123 = arith.constant 16 : i32
        %mul3A_124 = arith.muli %add3A_122, %mul3A_123 : i32
        %get3A_125 = arith.index_cast %mul3A_124 : i32 to index
        %get3A_126 = tpu.vector_load %arg7[%get3A_125] {strides = array<i32>} : memref<2064xi32, #tpu.memory_space<vmem>>, vector<16xi32>,
        %mul3A_127 = arith.constant 16 : i32
        %mul3A_128 = arith.muli %add3A_122, %mul3A_127 : i32
        %add3A_129 = arith.constant 1 : i32
        %add3A_130 = arith.addi %mul3A_128, %add3A_129 : i32
        %get3A_131 = arith.index_cast %add3A_130 : i32 to index
        %get3A_132 = tpu.vector_load %arg7[%get3A_131] {strides = array<i32>} : memref<2064xi32, #tpu.memory_space<vmem>>, vector<16xi32>,
        %sub3A_133 = vector.broadcast %mul3A_7 : i32 to vector<16xi32>
        %sub3A_134 = arith.subi %get3A_126, %sub3A_133 : vector<16xi32>
        %ne3A_135 = arith.cmpi ne, %get3A_126, %get3A_132 : vector<16xi32>
        %ge3A = arith.constant 0 : i32
        %ge3A_136 = vector.broadcast %ge3A : i32 to vector<16xi32>
        %ge3A_137 = arith.cmpi sge, %sub3A_134, %ge3A_136 : vector<16xi32>
        %and3A_138 = arith.andi %ne3A_135, %ge3A_137 : vector<16xi1>
        %lt3A_139 = arith.constant 32768 : i32
        %lt3A_140 = vector.broadcast %lt3A_139 : i32 to vector<16xi32>
        %lt3A_141 = arith.cmpi slt, %sub3A_134, %lt3A_140 : vector<16xi32>
        %and3A_142 = arith.andi %and3A_138, %lt3A_141 : vector<16xi1>
        %jit3A_143 = arith.constant 0 : i32
        %jit3A_144 = arith.constant 32767 : i32
        %max3A = vector.broadcast %jit3A_143 : i32 to vector<16xi32>
        %max3A_145 = arith.maxsi %max3A, %sub3A_134 : vector<16xi32>
        %min3A_146 = vector.broadcast %jit3A_144 : i32 to vector<16xi32>
        %min3A_147 = arith.minsi %min3A_146, %max3A_145 : vector<16xi32>
        %shift_right_arithmetic3A = arith.constant 9 : i32
        %shift_right_arithmetic3A_148 = vector.broadcast %shift_right_arithmetic3A : i32 to vector<16xi32>
        %shift_right_arithmetic3A_149 = arith.shrsi %min3A_147, %shift_right_arithmetic3A_148 : vector<16xi32>
        %and3A_150 = arith.constant 511 : i32
        %and3A_151 = vector.broadcast %and3A_150 : i32 to vector<16xi32>
        %and3A_152 = arith.andi %min3A_147, %and3A_151 : vector<16xi32>
        %mul3A_153 = arith.constant 16 : i32
        %mul3A_154 = arith.muli %add3A_122, %mul3A_153 : i32
        %get3A_155 = arith.constant 0 : i32
        %get3A_156 = arith.index_cast %get3A_155 : i32 to index
        %get3A_157 = arith.index_cast %mul3A_154 : i32 to index
        %get3A_158 = tpu.vector_load %arg8[%get3A_156, %get3A_157] {strides = array<i32>} : memref<8x2048xf32, #tpu.memory_space<vmem>>, vector<16xf32>,
        %broadcast_in_dim3A_159 = arith.constant 0 : i32
        %broadcast_in_dim3A_160 = vector.broadcast %broadcast_in_dim3A_159 : i32 to vector<16xi32>
        tpu.vector_store_idx %arg9[%broadcast_in_dim3A_160, %shift_right_arithmetic3A_149, %and3A_152], %get3A_158 masked %and3A_142 : memref<3x64x512xf32, #tpu.memory_space<vmem>>[vector<16xi32>, vector<16xi32>, vector<16xi32>], vector<16xf32>, vector<16xi1>
        %mul3A_161 = arith.constant 16 : i32
        %mul3A_162 = arith.muli %add3A_122, %mul3A_161 : i32
        %get3A_163 = arith.constant 1 : i32
        %get3A_164 = arith.index_cast %get3A_163 : i32 to index
        %get3A_165 = arith.index_cast %mul3A_162 : i32 to index
        %get3A_166 = tpu.vector_load %arg8[%get3A_164, %get3A_165] {strides = array<i32>} : memref<8x2048xf32, #tpu.memory_space<vmem>>, vector<16xf32>,
        %broadcast_in_dim3A_167 = arith.constant 1 : i32
        %broadcast_in_dim3A_168 = vector.broadcast %broadcast_in_dim3A_167 : i32 to vector<16xi32>
        tpu.vector_store_idx %arg9[%broadcast_in_dim3A_168, %shift_right_arithmetic3A_149, %and3A_152], %get3A_166 masked %and3A_142 : memref<3x64x512xf32, #tpu.memory_space<vmem>>[vector<16xi32>, vector<16xi32>, vector<16xi32>], vector<16xf32>, vector<16xi1>
        %mul3A_169 = arith.constant 16 : i32
        %mul3A_170 = arith.muli %add3A_122, %mul3A_169 : i32
        %get3A_171 = arith.constant 2 : i32
        %get3A_172 = arith.index_cast %get3A_171 : i32 to index
        %get3A_173 = arith.index_cast %mul3A_170 : i32 to index
        %get3A_174 = tpu.vector_load %arg8[%get3A_172, %get3A_173] {strides = array<i32>} : memref<8x2048xf32, #tpu.memory_space<vmem>>, vector<16xf32>,
        %broadcast_in_dim3A_175 = arith.constant 2 : i32
        %broadcast_in_dim3A_176 = vector.broadcast %broadcast_in_dim3A_175 : i32 to vector<16xi32>
        tpu.vector_store_idx %arg9[%broadcast_in_dim3A_176, %shift_right_arithmetic3A_149, %and3A_152], %get3A_174 masked %and3A_142 : memref<3x64x512xf32, #tpu.memory_space<vmem>>[vector<16xi32>, vector<16xi32>, vector<16xi32>], vector<16xf32>, vector<16xi1>
        %mul3A_177 = arith.constant 8 : i32
        %mul3A_178 = arith.muli %scan3A_117, %mul3A_177 : i32
        %add3A_179 = arith.constant 1 : i32
        %add3A_180 = arith.addi %mul3A_178, %add3A_179 : i32
        %mul3A_181 = arith.constant 16 : i32
        %mul3A_182 = arith.muli %add3A_180, %mul3A_181 : i32
        %get3A_183 = arith.index_cast %mul3A_182 : i32 to index
        %get3A_184 = tpu.vector_load %arg7[%get3A_183] {strides = array<i32>} : memref<2064xi32, #tpu.memory_space<vmem>>, vector<16xi32>,
        %mul3A_185 = arith.constant 16 : i32
        %mul3A_186 = arith.muli %add3A_180, %mul3A_185 : i32
        %add3A_187 = arith.constant 1 : i32
        %add3A_188 = arith.addi %mul3A_186, %add3A_187 : i32
        %get3A_189 = arith.index_cast %add3A_188 : i32 to index
        %get3A_190 = tpu.vector_load %arg7[%get3A_189] {strides = array<i32>} : memref<2064xi32, #tpu.memory_space<vmem>>, vector<16xi32>,
        %sub3A_191 = vector.broadcast %mul3A_7 : i32 to vector<16xi32>
        %sub3A_192 = arith.subi %get3A_184, %sub3A_191 : vector<16xi32>
        %ne3A_193 = arith.cmpi ne, %get3A_184, %get3A_190 : vector<16xi32>
        %ge3A_194 = arith.constant 0 : i32
        %ge3A_195 = vector.broadcast %ge3A_194 : i32 to vector<16xi32>
        %ge3A_196 = arith.cmpi sge, %sub3A_192, %ge3A_195 : vector<16xi32>
        %and3A_197 = arith.andi %ne3A_193, %ge3A_196 : vector<16xi1>
        %lt3A_198 = arith.constant 32768 : i32
        %lt3A_199 = vector.broadcast %lt3A_198 : i32 to vector<16xi32>
        %lt3A_200 = arith.cmpi slt, %sub3A_192, %lt3A_199 : vector<16xi32>
        %and3A_201 = arith.andi %and3A_197, %lt3A_200 : vector<16xi1>
        %jit3A_202 = arith.constant 0 : i32
        %jit3A_203 = arith.constant 32767 : i32
        %max3A_204 = vector.broadcast %jit3A_202 : i32 to vector<16xi32>
        %max3A_205 = arith.maxsi %max3A_204, %sub3A_192 : vector<16xi32>
        %min3A_206 = vector.broadcast %jit3A_203 : i32 to vector<16xi32>
        %min3A_207 = arith.minsi %min3A_206, %max3A_205 : vector<16xi32>
        %shift_right_arithmetic3A_208 = arith.constant 9 : i32
        %shift_right_arithmetic3A_209 = vector.broadcast %shift_right_arithmetic3A_208 : i32 to vector<16xi32>
        %shift_right_arithmetic3A_210 = arith.shrsi %min3A_207, %shift_right_arithmetic3A_209 : vector<16xi32>
        %and3A_211 = arith.constant 511 : i32
        %and3A_212 = vector.broadcast %and3A_211 : i32 to vector<16xi32>
        %and3A_213 = arith.andi %min3A_207, %and3A_212 : vector<16xi32>
        %mul3A_214 = arith.constant 16 : i32
        %mul3A_215 = arith.muli %add3A_180, %mul3A_214 : i32
        %get3A_216 = arith.constant 0 : i32
        %get3A_217 = arith.index_cast %get3A_216 : i32 to index
        %get3A_218 = arith.index_cast %mul3A_215 : i32 to index
        %get3A_219 = tpu.vector_load %arg8[%get3A_217, %get3A_218] {strides = array<i32>} : memref<8x2048xf32, #tpu.memory_space<vmem>>, vector<16xf32>,
        %broadcast_in_dim3A_220 = arith.constant 0 : i32
        %broadcast_in_dim3A_221 = vector.broadcast %broadcast_in_dim3A_220 : i32 to vector<16xi32>
        tpu.vector_store_idx %arg9[%broadcast_in_dim3A_221, %shift_right_arithmetic3A_210, %and3A_213], %get3A_219 masked %and3A_201 : memref<3x64x512xf32, #tpu.memory_space<vmem>>[vector<16xi32>, vector<16xi32>, vector<16xi32>], vector<16xf32>, vector<16xi1>
        %mul3A_222 = arith.constant 16 : i32
        %mul3A_223 = arith.muli %add3A_180, %mul3A_222 : i32
        %get3A_224 = arith.constant 1 : i32
        %get3A_225 = arith.index_cast %get3A_224 : i32 to index
        %get3A_226 = arith.index_cast %mul3A_223 : i32 to index
        %get3A_227 = tpu.vector_load %arg8[%get3A_225, %get3A_226] {strides = array<i32>} : memref<8x2048xf32, #tpu.memory_space<vmem>>, vector<16xf32>,
        %broadcast_in_dim3A_228 = arith.constant 1 : i32
        %broadcast_in_dim3A_229 = vector.broadcast %broadcast_in_dim3A_228 : i32 to vector<16xi32>
        tpu.vector_store_idx %arg9[%broadcast_in_dim3A_229, %shift_right_arithmetic3A_210, %and3A_213], %get3A_227 masked %and3A_201 : memref<3x64x512xf32, #tpu.memory_space<vmem>>[vector<16xi32>, vector<16xi32>, vector<16xi32>], vector<16xf32>, vector<16xi1>
        %mul3A_230 = arith.constant 16 : i32
        %mul3A_231 = arith.muli %add3A_180, %mul3A_230 : i32
        %get3A_232 = arith.constant 2 : i32
        %get3A_233 = arith.index_cast %get3A_232 : i32 to index
        %get3A_234 = arith.index_cast %mul3A_231 : i32 to index
        %get3A_235 = tpu.vector_load %arg8[%get3A_233, %get3A_234] {strides = array<i32>} : memref<8x2048xf32, #tpu.memory_space<vmem>>, vector<16xf32>,
        %broadcast_in_dim3A_236 = arith.constant 2 : i32
        %broadcast_in_dim3A_237 = vector.broadcast %broadcast_in_dim3A_236 : i32 to vector<16xi32>
        tpu.vector_store_idx %arg9[%broadcast_in_dim3A_237, %shift_right_arithmetic3A_210, %and3A_213], %get3A_235 masked %and3A_201 : memref<3x64x512xf32, #tpu.memory_space<vmem>>[vector<16xi32>, vector<16xi32>, vector<16xi32>], vector<16xf32>, vector<16xi1>
        %mul3A_238 = arith.constant 8 : i32
        %mul3A_239 = arith.muli %scan3A_117, %mul3A_238 : i32
        %add3A_240 = arith.constant 2 : i32
        %add3A_241 = arith.addi %mul3A_239, %add3A_240 : i32
        %mul3A_242 = arith.constant 16 : i32
        %mul3A_243 = arith.muli %add3A_241, %mul3A_242 : i32
        %get3A_244 = arith.index_cast %mul3A_243 : i32 to index
        %get3A_245 = tpu.vector_load %arg7[%get3A_244] {strides = array<i32>} : memref<2064xi32, #tpu.memory_space<vmem>>, vector<16xi32>,
        %mul3A_246 = arith.constant 16 : i32
        %mul3A_247 = arith.muli %add3A_241, %mul3A_246 : i32
        %add3A_248 = arith.constant 1 : i32
        %add3A_249 = arith.addi %mul3A_247, %add3A_248 : i32
        %get3A_250 = arith.index_cast %add3A_249 : i32 to index
        %get3A_251 = tpu.vector_load %arg7[%get3A_250] {strides = array<i32>} : memref<2064xi32, #tpu.memory_space<vmem>>, vector<16xi32>,
        %sub3A_252 = vector.broadcast %mul3A_7 : i32 to vector<16xi32>
        %sub3A_253 = arith.subi %get3A_245, %sub3A_252 : vector<16xi32>
        %ne3A_254 = arith.cmpi ne, %get3A_245, %get3A_251 : vector<16xi32>
        %ge3A_255 = arith.constant 0 : i32
        %ge3A_256 = vector.broadcast %ge3A_255 : i32 to vector<16xi32>
        %ge3A_257 = arith.cmpi sge, %sub3A_253, %ge3A_256 : vector<16xi32>
        %and3A_258 = arith.andi %ne3A_254, %ge3A_257 : vector<16xi1>
        %lt3A_259 = arith.constant 32768 : i32
        %lt3A_260 = vector.broadcast %lt3A_259 : i32 to vector<16xi32>
        %lt3A_261 = arith.cmpi slt, %sub3A_253, %lt3A_260 : vector<16xi32>
        %and3A_262 = arith.andi %and3A_258, %lt3A_261 : vector<16xi1>
        %jit3A_263 = arith.constant 0 : i32
        %jit3A_264 = arith.constant 32767 : i32
        %max3A_265 = vector.broadcast %jit3A_263 : i32 to vector<16xi32>
        %max3A_266 = arith.maxsi %max3A_265, %sub3A_253 : vector<16xi32>
        %min3A_267 = vector.broadcast %jit3A_264 : i32 to vector<16xi32>
        %min3A_268 = arith.minsi %min3A_267, %max3A_266 : vector<16xi32>
        %shift_right_arithmetic3A_269 = arith.constant 9 : i32
        %shift_right_arithmetic3A_270 = vector.broadcast %shift_right_arithmetic3A_269 : i32 to vector<16xi32>
        %shift_right_arithmetic3A_271 = arith.shrsi %min3A_268, %shift_right_arithmetic3A_270 : vector<16xi32>
        %and3A_272 = arith.constant 511 : i32
        %and3A_273 = vector.broadcast %and3A_272 : i32 to vector<16xi32>
        %and3A_274 = arith.andi %min3A_268, %and3A_273 : vector<16xi32>
        %mul3A_275 = arith.constant 16 : i32
        %mul3A_276 = arith.muli %add3A_241, %mul3A_275 : i32
        %get3A_277 = arith.constant 0 : i32
        %get3A_278 = arith.index_cast %get3A_277 : i32 to index
        %get3A_279 = arith.index_cast %mul3A_276 : i32 to index
        %get3A_280 = tpu.vector_load %arg8[%get3A_278, %get3A_279] {strides = array<i32>} : memref<8x2048xf32, #tpu.memory_space<vmem>>, vector<16xf32>,
        %broadcast_in_dim3A_281 = arith.constant 0 : i32
        %broadcast_in_dim3A_282 = vector.broadcast %broadcast_in_dim3A_281 : i32 to vector<16xi32>
        tpu.vector_store_idx %arg9[%broadcast_in_dim3A_282, %shift_right_arithmetic3A_271, %and3A_274], %get3A_280 masked %and3A_262 : memref<3x64x512xf32, #tpu.memory_space<vmem>>[vector<16xi32>, vector<16xi32>, vector<16xi32>], vector<16xf32>, vector<16xi1>
        %mul3A_283 = arith.constant 16 : i32
        %mul3A_284 = arith.muli %add3A_241, %mul3A_283 : i32
        %get3A_285 = arith.constant 1 : i32
        %get3A_286 = arith.index_cast %get3A_285 : i32 to index
        %get3A_287 = arith.index_cast %mul3A_284 : i32 to index
        %get3A_288 = tpu.vector_load %arg8[%get3A_286, %get3A_287] {strides = array<i32>} : memref<8x2048xf32, #tpu.memory_space<vmem>>, vector<16xf32>,
        %broadcast_in_dim3A_289 = arith.constant 1 : i32
        %broadcast_in_dim3A_290 = vector.broadcast %broadcast_in_dim3A_289 : i32 to vector<16xi32>
        tpu.vector_store_idx %arg9[%broadcast_in_dim3A_290, %shift_right_arithmetic3A_271, %and3A_274], %get3A_288 masked %and3A_262 : memref<3x64x512xf32, #tpu.memory_space<vmem>>[vector<16xi32>, vector<16xi32>, vector<16xi32>], vector<16xf32>, vector<16xi1>
        %mul3A_291 = arith.constant 16 : i32
        %mul3A_292 = arith.muli %add3A_241, %mul3A_291 : i32
        %get3A_293 = arith.constant 2 : i32
        %get3A_294 = arith.index_cast %get3A_293 : i32 to index
        %get3A_295 = arith.index_cast %mul3A_292 : i32 to index
        %get3A_296 = tpu.vector_load %arg8[%get3A_294, %get3A_295] {strides = array<i32>} : memref<8x2048xf32, #tpu.memory_space<vmem>>, vector<16xf32>,
        %broadcast_in_dim3A_297 = arith.constant 2 : i32
        %broadcast_in_dim3A_298 = vector.broadcast %broadcast_in_dim3A_297 : i32 to vector<16xi32>
        tpu.vector_store_idx %arg9[%broadcast_in_dim3A_298, %shift_right_arithmetic3A_271, %and3A_274], %get3A_296 masked %and3A_262 : memref<3x64x512xf32, #tpu.memory_space<vmem>>[vector<16xi32>, vector<16xi32>, vector<16xi32>], vector<16xf32>, vector<16xi1>
        %mul3A_299 = arith.constant 8 : i32
        %mul3A_300 = arith.muli %scan3A_117, %mul3A_299 : i32
        %add3A_301 = arith.constant 3 : i32
        %add3A_302 = arith.addi %mul3A_300, %add3A_301 : i32
        %mul3A_303 = arith.constant 16 : i32
        %mul3A_304 = arith.muli %add3A_302, %mul3A_303 : i32
        %get3A_305 = arith.index_cast %mul3A_304 : i32 to index
        %get3A_306 = tpu.vector_load %arg7[%get3A_305] {strides = array<i32>} : memref<2064xi32, #tpu.memory_space<vmem>>, vector<16xi32>,
        %mul3A_307 = arith.constant 16 : i32
        %mul3A_308 = arith.muli %add3A_302, %mul3A_307 : i32
        %add3A_309 = arith.constant 1 : i32
        %add3A_310 = arith.addi %mul3A_308, %add3A_309 : i32
        %get3A_311 = arith.index_cast %add3A_310 : i32 to index
        %get3A_312 = tpu.vector_load %arg7[%get3A_311] {strides = array<i32>} : memref<2064xi32, #tpu.memory_space<vmem>>, vector<16xi32>,
        %sub3A_313 = vector.broadcast %mul3A_7 : i32 to vector<16xi32>
        %sub3A_314 = arith.subi %get3A_306, %sub3A_313 : vector<16xi32>
        %ne3A_315 = arith.cmpi ne, %get3A_306, %get3A_312 : vector<16xi32>
        %ge3A_316 = arith.constant 0 : i32
        %ge3A_317 = vector.broadcast %ge3A_316 : i32 to vector<16xi32>
        %ge3A_318 = arith.cmpi sge, %sub3A_314, %ge3A_317 : vector<16xi32>
        %and3A_319 = arith.andi %ne3A_315, %ge3A_318 : vector<16xi1>
        %lt3A_320 = arith.constant 32768 : i32
        %lt3A_321 = vector.broadcast %lt3A_320 : i32 to vector<16xi32>
        %lt3A_322 = arith.cmpi slt, %sub3A_314, %lt3A_321 : vector<16xi32>
        %and3A_323 = arith.andi %and3A_319, %lt3A_322 : vector<16xi1>
        %jit3A_324 = arith.constant 0 : i32
        %jit3A_325 = arith.constant 32767 : i32
        %max3A_326 = vector.broadcast %jit3A_324 : i32 to vector<16xi32>
        %max3A_327 = arith.maxsi %max3A_326, %sub3A_314 : vector<16xi32>
        %min3A_328 = vector.broadcast %jit3A_325 : i32 to vector<16xi32>
        %min3A_329 = arith.minsi %min3A_328, %max3A_327 : vector<16xi32>
        %shift_right_arithmetic3A_330 = arith.constant 9 : i32
        %shift_right_arithmetic3A_331 = vector.broadcast %shift_right_arithmetic3A_330 : i32 to vector<16xi32>
        %shift_right_arithmetic3A_332 = arith.shrsi %min3A_329, %shift_right_arithmetic3A_331 : vector<16xi32>
        %and3A_333 = arith.constant 511 : i32
        %and3A_334 = vector.broadcast %and3A_333 : i32 to vector<16xi32>
        %and3A_335 = arith.andi %min3A_329, %and3A_334 : vector<16xi32>
        %mul3A_336 = arith.constant 16 : i32
        %mul3A_337 = arith.muli %add3A_302, %mul3A_336 : i32
        %get3A_338 = arith.constant 0 : i32
        %get3A_339 = arith.index_cast %get3A_338 : i32 to index
        %get3A_340 = arith.index_cast %mul3A_337 : i32 to index
        %get3A_341 = tpu.vector_load %arg8[%get3A_339, %get3A_340] {strides = array<i32>} : memref<8x2048xf32, #tpu.memory_space<vmem>>, vector<16xf32>,
        %broadcast_in_dim3A_342 = arith.constant 0 : i32
        %broadcast_in_dim3A_343 = vector.broadcast %broadcast_in_dim3A_342 : i32 to vector<16xi32>
        tpu.vector_store_idx %arg9[%broadcast_in_dim3A_343, %shift_right_arithmetic3A_332, %and3A_335], %get3A_341 masked %and3A_323 : memref<3x64x512xf32, #tpu.memory_space<vmem>>[vector<16xi32>, vector<16xi32>, vector<16xi32>], vector<16xf32>, vector<16xi1>
        %mul3A_344 = arith.constant 16 : i32
        %mul3A_345 = arith.muli %add3A_302, %mul3A_344 : i32
        %get3A_346 = arith.constant 1 : i32
        %get3A_347 = arith.index_cast %get3A_346 : i32 to index
        %get3A_348 = arith.index_cast %mul3A_345 : i32 to index
        %get3A_349 = tpu.vector_load %arg8[%get3A_347, %get3A_348] {strides = array<i32>} : memref<8x2048xf32, #tpu.memory_space<vmem>>, vector<16xf32>,
        %broadcast_in_dim3A_350 = arith.constant 1 : i32
        %broadcast_in_dim3A_351 = vector.broadcast %broadcast_in_dim3A_350 : i32 to vector<16xi32>
        tpu.vector_store_idx %arg9[%broadcast_in_dim3A_351, %shift_right_arithmetic3A_332, %and3A_335], %get3A_349 masked %and3A_323 : memref<3x64x512xf32, #tpu.memory_space<vmem>>[vector<16xi32>, vector<16xi32>, vector<16xi32>], vector<16xf32>, vector<16xi1>
        %mul3A_352 = arith.constant 16 : i32
        %mul3A_353 = arith.muli %add3A_302, %mul3A_352 : i32
        %get3A_354 = arith.constant 2 : i32
        %get3A_355 = arith.index_cast %get3A_354 : i32 to index
        %get3A_356 = arith.index_cast %mul3A_353 : i32 to index
        %get3A_357 = tpu.vector_load %arg8[%get3A_355, %get3A_356] {strides = array<i32>} : memref<8x2048xf32, #tpu.memory_space<vmem>>, vector<16xf32>,
        %broadcast_in_dim3A_358 = arith.constant 2 : i32
        %broadcast_in_dim3A_359 = vector.broadcast %broadcast_in_dim3A_358 : i32 to vector<16xi32>
        tpu.vector_store_idx %arg9[%broadcast_in_dim3A_359, %shift_right_arithmetic3A_332, %and3A_335], %get3A_357 masked %and3A_323 : memref<3x64x512xf32, #tpu.memory_space<vmem>>[vector<16xi32>, vector<16xi32>, vector<16xi32>], vector<16xf32>, vector<16xi1>
        %mul3A_360 = arith.constant 8 : i32
        %mul3A_361 = arith.muli %scan3A_117, %mul3A_360 : i32
        %add3A_362 = arith.constant 4 : i32
        %add3A_363 = arith.addi %mul3A_361, %add3A_362 : i32
        %mul3A_364 = arith.constant 16 : i32
        %mul3A_365 = arith.muli %add3A_363, %mul3A_364 : i32
        %get3A_366 = arith.index_cast %mul3A_365 : i32 to index
        %get3A_367 = tpu.vector_load %arg7[%get3A_366] {strides = array<i32>} : memref<2064xi32, #tpu.memory_space<vmem>>, vector<16xi32>,
        %mul3A_368 = arith.constant 16 : i32
        %mul3A_369 = arith.muli %add3A_363, %mul3A_368 : i32
        %add3A_370 = arith.constant 1 : i32
        %add3A_371 = arith.addi %mul3A_369, %add3A_370 : i32
        %get3A_372 = arith.index_cast %add3A_371 : i32 to index
        %get3A_373 = tpu.vector_load %arg7[%get3A_372] {strides = array<i32>} : memref<2064xi32, #tpu.memory_space<vmem>>, vector<16xi32>,
        %sub3A_374 = vector.broadcast %mul3A_7 : i32 to vector<16xi32>
        %sub3A_375 = arith.subi %get3A_367, %sub3A_374 : vector<16xi32>
        %ne3A_376 = arith.cmpi ne, %get3A_367, %get3A_373 : vector<16xi32>
        %ge3A_377 = arith.constant 0 : i32
        %ge3A_378 = vector.broadcast %ge3A_377 : i32 to vector<16xi32>
        %ge3A_379 = arith.cmpi sge, %sub3A_375, %ge3A_378 : vector<16xi32>
        %and3A_380 = arith.andi %ne3A_376, %ge3A_379 : vector<16xi1>
        %lt3A_381 = arith.constant 32768 : i32
        %lt3A_382 = vector.broadcast %lt3A_381 : i32 to vector<16xi32>
        %lt3A_383 = arith.cmpi slt, %sub3A_375, %lt3A_382 : vector<16xi32>
        %and3A_384 = arith.andi %and3A_380, %lt3A_383 : vector<16xi1>
        %jit3A_385 = arith.constant 0 : i32
        %jit3A_386 = arith.constant 32767 : i32
        %max3A_387 = vector.broadcast %jit3A_385 : i32 to vector<16xi32>
        %max3A_388 = arith.maxsi %max3A_387, %sub3A_375 : vector<16xi32>
        %min3A_389 = vector.broadcast %jit3A_386 : i32 to vector<16xi32>
        %min3A_390 = arith.minsi %min3A_389, %max3A_388 : vector<16xi32>
        %shift_right_arithmetic3A_391 = arith.constant 9 : i32
        %shift_right_arithmetic3A_392 = vector.broadcast %shift_right_arithmetic3A_391 : i32 to vector<16xi32>
        %shift_right_arithmetic3A_393 = arith.shrsi %min3A_390, %shift_right_arithmetic3A_392 : vector<16xi32>
        %and3A_394 = arith.constant 511 : i32
        %and3A_395 = vector.broadcast %and3A_394 : i32 to vector<16xi32>
        %and3A_396 = arith.andi %min3A_390, %and3A_395 : vector<16xi32>
        %mul3A_397 = arith.constant 16 : i32
        %mul3A_398 = arith.muli %add3A_363, %mul3A_397 : i32
        %get3A_399 = arith.constant 0 : i32
        %get3A_400 = arith.index_cast %get3A_399 : i32 to index
        %get3A_401 = arith.index_cast %mul3A_398 : i32 to index
        %get3A_402 = tpu.vector_load %arg8[%get3A_400, %get3A_401] {strides = array<i32>} : memref<8x2048xf32, #tpu.memory_space<vmem>>, vector<16xf32>,
        %broadcast_in_dim3A_403 = arith.constant 0 : i32
        %broadcast_in_dim3A_404 = vector.broadcast %broadcast_in_dim3A_403 : i32 to vector<16xi32>
        tpu.vector_store_idx %arg9[%broadcast_in_dim3A_404, %shift_right_arithmetic3A_393, %and3A_396], %get3A_402 masked %and3A_384 : memref<3x64x512xf32, #tpu.memory_space<vmem>>[vector<16xi32>, vector<16xi32>, vector<16xi32>], vector<16xf32>, vector<16xi1>
        %mul3A_405 = arith.constant 16 : i32
        %mul3A_406 = arith.muli %add3A_363, %mul3A_405 : i32
        %get3A_407 = arith.constant 1 : i32
        %get3A_408 = arith.index_cast %get3A_407 : i32 to index
        %get3A_409 = arith.index_cast %mul3A_406 : i32 to index
        %get3A_410 = tpu.vector_load %arg8[%get3A_408, %get3A_409] {strides = array<i32>} : memref<8x2048xf32, #tpu.memory_space<vmem>>, vector<16xf32>,
        %broadcast_in_dim3A_411 = arith.constant 1 : i32
        %broadcast_in_dim3A_412 = vector.broadcast %broadcast_in_dim3A_411 : i32 to vector<16xi32>
        tpu.vector_store_idx %arg9[%broadcast_in_dim3A_412, %shift_right_arithmetic3A_393, %and3A_396], %get3A_410 masked %and3A_384 : memref<3x64x512xf32, #tpu.memory_space<vmem>>[vector<16xi32>, vector<16xi32>, vector<16xi32>], vector<16xf32>, vector<16xi1>
        %mul3A_413 = arith.constant 16 : i32
        %mul3A_414 = arith.muli %add3A_363, %mul3A_413 : i32
        %get3A_415 = arith.constant 2 : i32
        %get3A_416 = arith.index_cast %get3A_415 : i32 to index
        %get3A_417 = arith.index_cast %mul3A_414 : i32 to index
        %get3A_418 = tpu.vector_load %arg8[%get3A_416, %get3A_417] {strides = array<i32>} : memref<8x2048xf32, #tpu.memory_space<vmem>>, vector<16xf32>,
        %broadcast_in_dim3A_419 = arith.constant 2 : i32
        %broadcast_in_dim3A_420 = vector.broadcast %broadcast_in_dim3A_419 : i32 to vector<16xi32>
        tpu.vector_store_idx %arg9[%broadcast_in_dim3A_420, %shift_right_arithmetic3A_393, %and3A_396], %get3A_418 masked %and3A_384 : memref<3x64x512xf32, #tpu.memory_space<vmem>>[vector<16xi32>, vector<16xi32>, vector<16xi32>], vector<16xf32>, vector<16xi1>
        %mul3A_421 = arith.constant 8 : i32
        %mul3A_422 = arith.muli %scan3A_117, %mul3A_421 : i32
        %add3A_423 = arith.constant 5 : i32
        %add3A_424 = arith.addi %mul3A_422, %add3A_423 : i32
        %mul3A_425 = arith.constant 16 : i32
        %mul3A_426 = arith.muli %add3A_424, %mul3A_425 : i32
        %get3A_427 = arith.index_cast %mul3A_426 : i32 to index
        %get3A_428 = tpu.vector_load %arg7[%get3A_427] {strides = array<i32>} : memref<2064xi32, #tpu.memory_space<vmem>>, vector<16xi32>,
        %mul3A_429 = arith.constant 16 : i32
        %mul3A_430 = arith.muli %add3A_424, %mul3A_429 : i32
        %add3A_431 = arith.constant 1 : i32
        %add3A_432 = arith.addi %mul3A_430, %add3A_431 : i32
        %get3A_433 = arith.index_cast %add3A_432 : i32 to index
        %get3A_434 = tpu.vector_load %arg7[%get3A_433] {strides = array<i32>} : memref<2064xi32, #tpu.memory_space<vmem>>, vector<16xi32>,
        %sub3A_435 = vector.broadcast %mul3A_7 : i32 to vector<16xi32>
        %sub3A_436 = arith.subi %get3A_428, %sub3A_435 : vector<16xi32>
        %ne3A_437 = arith.cmpi ne, %get3A_428, %get3A_434 : vector<16xi32>
        %ge3A_438 = arith.constant 0 : i32
        %ge3A_439 = vector.broadcast %ge3A_438 : i32 to vector<16xi32>
        %ge3A_440 = arith.cmpi sge, %sub3A_436, %ge3A_439 : vector<16xi32>
        %and3A_441 = arith.andi %ne3A_437, %ge3A_440 : vector<16xi1>
        %lt3A_442 = arith.constant 32768 : i32
        %lt3A_443 = vector.broadcast %lt3A_442 : i32 to vector<16xi32>
        %lt3A_444 = arith.cmpi slt, %sub3A_436, %lt3A_443 : vector<16xi32>
        %and3A_445 = arith.andi %and3A_441, %lt3A_444 : vector<16xi1>
        %jit3A_446 = arith.constant 0 : i32
        %jit3A_447 = arith.constant 32767 : i32
        %max3A_448 = vector.broadcast %jit3A_446 : i32 to vector<16xi32>
        %max3A_449 = arith.maxsi %max3A_448, %sub3A_436 : vector<16xi32>
        %min3A_450 = vector.broadcast %jit3A_447 : i32 to vector<16xi32>
        %min3A_451 = arith.minsi %min3A_450, %max3A_449 : vector<16xi32>
        %shift_right_arithmetic3A_452 = arith.constant 9 : i32
        %shift_right_arithmetic3A_453 = vector.broadcast %shift_right_arithmetic3A_452 : i32 to vector<16xi32>
        %shift_right_arithmetic3A_454 = arith.shrsi %min3A_451, %shift_right_arithmetic3A_453 : vector<16xi32>
        %and3A_455 = arith.constant 511 : i32
        %and3A_456 = vector.broadcast %and3A_455 : i32 to vector<16xi32>
        %and3A_457 = arith.andi %min3A_451, %and3A_456 : vector<16xi32>
        %mul3A_458 = arith.constant 16 : i32
        %mul3A_459 = arith.muli %add3A_424, %mul3A_458 : i32
        %get3A_460 = arith.constant 0 : i32
        %get3A_461 = arith.index_cast %get3A_460 : i32 to index
        %get3A_462 = arith.index_cast %mul3A_459 : i32 to index
        %get3A_463 = tpu.vector_load %arg8[%get3A_461, %get3A_462] {strides = array<i32>} : memref<8x2048xf32, #tpu.memory_space<vmem>>, vector<16xf32>,
        %broadcast_in_dim3A_464 = arith.constant 0 : i32
        %broadcast_in_dim3A_465 = vector.broadcast %broadcast_in_dim3A_464 : i32 to vector<16xi32>
        tpu.vector_store_idx %arg9[%broadcast_in_dim3A_465, %shift_right_arithmetic3A_454, %and3A_457], %get3A_463 masked %and3A_445 : memref<3x64x512xf32, #tpu.memory_space<vmem>>[vector<16xi32>, vector<16xi32>, vector<16xi32>], vector<16xf32>, vector<16xi1>
        %mul3A_466 = arith.constant 16 : i32
        %mul3A_467 = arith.muli %add3A_424, %mul3A_466 : i32
        %get3A_468 = arith.constant 1 : i32
        %get3A_469 = arith.index_cast %get3A_468 : i32 to index
        %get3A_470 = arith.index_cast %mul3A_467 : i32 to index
        %get3A_471 = tpu.vector_load %arg8[%get3A_469, %get3A_470] {strides = array<i32>} : memref<8x2048xf32, #tpu.memory_space<vmem>>, vector<16xf32>,
        %broadcast_in_dim3A_472 = arith.constant 1 : i32
        %broadcast_in_dim3A_473 = vector.broadcast %broadcast_in_dim3A_472 : i32 to vector<16xi32>
        tpu.vector_store_idx %arg9[%broadcast_in_dim3A_473, %shift_right_arithmetic3A_454, %and3A_457], %get3A_471 masked %and3A_445 : memref<3x64x512xf32, #tpu.memory_space<vmem>>[vector<16xi32>, vector<16xi32>, vector<16xi32>], vector<16xf32>, vector<16xi1>
        %mul3A_474 = arith.constant 16 : i32
        %mul3A_475 = arith.muli %add3A_424, %mul3A_474 : i32
        %get3A_476 = arith.constant 2 : i32
        %get3A_477 = arith.index_cast %get3A_476 : i32 to index
        %get3A_478 = arith.index_cast %mul3A_475 : i32 to index
        %get3A_479 = tpu.vector_load %arg8[%get3A_477, %get3A_478] {strides = array<i32>} : memref<8x2048xf32, #tpu.memory_space<vmem>>, vector<16xf32>,
        %broadcast_in_dim3A_480 = arith.constant 2 : i32
        %broadcast_in_dim3A_481 = vector.broadcast %broadcast_in_dim3A_480 : i32 to vector<16xi32>
        tpu.vector_store_idx %arg9[%broadcast_in_dim3A_481, %shift_right_arithmetic3A_454, %and3A_457], %get3A_479 masked %and3A_445 : memref<3x64x512xf32, #tpu.memory_space<vmem>>[vector<16xi32>, vector<16xi32>, vector<16xi32>], vector<16xf32>, vector<16xi1>
        %mul3A_482 = arith.constant 8 : i32
        %mul3A_483 = arith.muli %scan3A_117, %mul3A_482 : i32
        %add3A_484 = arith.constant 6 : i32
        %add3A_485 = arith.addi %mul3A_483, %add3A_484 : i32
        %mul3A_486 = arith.constant 16 : i32
        %mul3A_487 = arith.muli %add3A_485, %mul3A_486 : i32
        %get3A_488 = arith.index_cast %mul3A_487 : i32 to index
        %get3A_489 = tpu.vector_load %arg7[%get3A_488] {strides = array<i32>} : memref<2064xi32, #tpu.memory_space<vmem>>, vector<16xi32>,
        %mul3A_490 = arith.constant 16 : i32
        %mul3A_491 = arith.muli %add3A_485, %mul3A_490 : i32
        %add3A_492 = arith.constant 1 : i32
        %add3A_493 = arith.addi %mul3A_491, %add3A_492 : i32
        %get3A_494 = arith.index_cast %add3A_493 : i32 to index
        %get3A_495 = tpu.vector_load %arg7[%get3A_494] {strides = array<i32>} : memref<2064xi32, #tpu.memory_space<vmem>>, vector<16xi32>,
        %sub3A_496 = vector.broadcast %mul3A_7 : i32 to vector<16xi32>
        %sub3A_497 = arith.subi %get3A_489, %sub3A_496 : vector<16xi32>
        %ne3A_498 = arith.cmpi ne, %get3A_489, %get3A_495 : vector<16xi32>
        %ge3A_499 = arith.constant 0 : i32
        %ge3A_500 = vector.broadcast %ge3A_499 : i32 to vector<16xi32>
        %ge3A_501 = arith.cmpi sge, %sub3A_497, %ge3A_500 : vector<16xi32>
        %and3A_502 = arith.andi %ne3A_498, %ge3A_501 : vector<16xi1>
        %lt3A_503 = arith.constant 32768 : i32
        %lt3A_504 = vector.broadcast %lt3A_503 : i32 to vector<16xi32>
        %lt3A_505 = arith.cmpi slt, %sub3A_497, %lt3A_504 : vector<16xi32>
        %and3A_506 = arith.andi %and3A_502, %lt3A_505 : vector<16xi1>
        %jit3A_507 = arith.constant 0 : i32
        %jit3A_508 = arith.constant 32767 : i32
        %max3A_509 = vector.broadcast %jit3A_507 : i32 to vector<16xi32>
        %max3A_510 = arith.maxsi %max3A_509, %sub3A_497 : vector<16xi32>
        %min3A_511 = vector.broadcast %jit3A_508 : i32 to vector<16xi32>
        %min3A_512 = arith.minsi %min3A_511, %max3A_510 : vector<16xi32>
        %shift_right_arithmetic3A_513 = arith.constant 9 : i32
        %shift_right_arithmetic3A_514 = vector.broadcast %shift_right_arithmetic3A_513 : i32 to vector<16xi32>
        %shift_right_arithmetic3A_515 = arith.shrsi %min3A_512, %shift_right_arithmetic3A_514 : vector<16xi32>
        %and3A_516 = arith.constant 511 : i32
        %and3A_517 = vector.broadcast %and3A_516 : i32 to vector<16xi32>
        %and3A_518 = arith.andi %min3A_512, %and3A_517 : vector<16xi32>
        %mul3A_519 = arith.constant 16 : i32
        %mul3A_520 = arith.muli %add3A_485, %mul3A_519 : i32
        %get3A_521 = arith.constant 0 : i32
        %get3A_522 = arith.index_cast %get3A_521 : i32 to index
        %get3A_523 = arith.index_cast %mul3A_520 : i32 to index
        %get3A_524 = tpu.vector_load %arg8[%get3A_522, %get3A_523] {strides = array<i32>} : memref<8x2048xf32, #tpu.memory_space<vmem>>, vector<16xf32>,
        %broadcast_in_dim3A_525 = arith.constant 0 : i32
        %broadcast_in_dim3A_526 = vector.broadcast %broadcast_in_dim3A_525 : i32 to vector<16xi32>
        tpu.vector_store_idx %arg9[%broadcast_in_dim3A_526, %shift_right_arithmetic3A_515, %and3A_518], %get3A_524 masked %and3A_506 : memref<3x64x512xf32, #tpu.memory_space<vmem>>[vector<16xi32>, vector<16xi32>, vector<16xi32>], vector<16xf32>, vector<16xi1>
        %mul3A_527 = arith.constant 16 : i32
        %mul3A_528 = arith.muli %add3A_485, %mul3A_527 : i32
        %get3A_529 = arith.constant 1 : i32
        %get3A_530 = arith.index_cast %get3A_529 : i32 to index
        %get3A_531 = arith.index_cast %mul3A_528 : i32 to index
        %get3A_532 = tpu.vector_load %arg8[%get3A_530, %get3A_531] {strides = array<i32>} : memref<8x2048xf32, #tpu.memory_space<vmem>>, vector<16xf32>,
        %broadcast_in_dim3A_533 = arith.constant 1 : i32
        %broadcast_in_dim3A_534 = vector.broadcast %broadcast_in_dim3A_533 : i32 to vector<16xi32>
        tpu.vector_store_idx %arg9[%broadcast_in_dim3A_534, %shift_right_arithmetic3A_515, %and3A_518], %get3A_532 masked %and3A_506 : memref<3x64x512xf32, #tpu.memory_space<vmem>>[vector<16xi32>, vector<16xi32>, vector<16xi32>], vector<16xf32>, vector<16xi1>
        %mul3A_535 = arith.constant 16 : i32
        %mul3A_536 = arith.muli %add3A_485, %mul3A_535 : i32
        %get3A_537 = arith.constant 2 : i32
        %get3A_538 = arith.index_cast %get3A_537 : i32 to index
        %get3A_539 = arith.index_cast %mul3A_536 : i32 to index
        %get3A_540 = tpu.vector_load %arg8[%get3A_538, %get3A_539] {strides = array<i32>} : memref<8x2048xf32, #tpu.memory_space<vmem>>, vector<16xf32>,
        %broadcast_in_dim3A_541 = arith.constant 2 : i32
        %broadcast_in_dim3A_542 = vector.broadcast %broadcast_in_dim3A_541 : i32 to vector<16xi32>
        tpu.vector_store_idx %arg9[%broadcast_in_dim3A_542, %shift_right_arithmetic3A_515, %and3A_518], %get3A_540 masked %and3A_506 : memref<3x64x512xf32, #tpu.memory_space<vmem>>[vector<16xi32>, vector<16xi32>, vector<16xi32>], vector<16xf32>, vector<16xi1>
        %mul3A_543 = arith.constant 8 : i32
        %mul3A_544 = arith.muli %scan3A_117, %mul3A_543 : i32
        %add3A_545 = arith.constant 7 : i32
        %add3A_546 = arith.addi %mul3A_544, %add3A_545 : i32
        %mul3A_547 = arith.constant 16 : i32
        %mul3A_548 = arith.muli %add3A_546, %mul3A_547 : i32
        %get3A_549 = arith.index_cast %mul3A_548 : i32 to index
        %get3A_550 = tpu.vector_load %arg7[%get3A_549] {strides = array<i32>} : memref<2064xi32, #tpu.memory_space<vmem>>, vector<16xi32>,
        %mul3A_551 = arith.constant 16 : i32
        %mul3A_552 = arith.muli %add3A_546, %mul3A_551 : i32
        %add3A_553 = arith.constant 1 : i32
        %add3A_554 = arith.addi %mul3A_552, %add3A_553 : i32
        %get3A_555 = arith.index_cast %add3A_554 : i32 to index
        %get3A_556 = tpu.vector_load %arg7[%get3A_555] {strides = array<i32>} : memref<2064xi32, #tpu.memory_space<vmem>>, vector<16xi32>,
        %sub3A_557 = vector.broadcast %mul3A_7 : i32 to vector<16xi32>
        %sub3A_558 = arith.subi %get3A_550, %sub3A_557 : vector<16xi32>
        %ne3A_559 = arith.cmpi ne, %get3A_550, %get3A_556 : vector<16xi32>
        %ge3A_560 = arith.constant 0 : i32
        %ge3A_561 = vector.broadcast %ge3A_560 : i32 to vector<16xi32>
        %ge3A_562 = arith.cmpi sge, %sub3A_558, %ge3A_561 : vector<16xi32>
        %and3A_563 = arith.andi %ne3A_559, %ge3A_562 : vector<16xi1>
        %lt3A_564 = arith.constant 32768 : i32
        %lt3A_565 = vector.broadcast %lt3A_564 : i32 to vector<16xi32>
        %lt3A_566 = arith.cmpi slt, %sub3A_558, %lt3A_565 : vector<16xi32>
        %and3A_567 = arith.andi %and3A_563, %lt3A_566 : vector<16xi1>
        %jit3A_568 = arith.constant 0 : i32
        %jit3A_569 = arith.constant 32767 : i32
        %max3A_570 = vector.broadcast %jit3A_568 : i32 to vector<16xi32>
        %max3A_571 = arith.maxsi %max3A_570, %sub3A_558 : vector<16xi32>
        %min3A_572 = vector.broadcast %jit3A_569 : i32 to vector<16xi32>
        %min3A_573 = arith.minsi %min3A_572, %max3A_571 : vector<16xi32>
        %shift_right_arithmetic3A_574 = arith.constant 9 : i32
        %shift_right_arithmetic3A_575 = vector.broadcast %shift_right_arithmetic3A_574 : i32 to vector<16xi32>
        %shift_right_arithmetic3A_576 = arith.shrsi %min3A_573, %shift_right_arithmetic3A_575 : vector<16xi32>
        %and3A_577 = arith.constant 511 : i32
        %and3A_578 = vector.broadcast %and3A_577 : i32 to vector<16xi32>
        %and3A_579 = arith.andi %min3A_573, %and3A_578 : vector<16xi32>
        %mul3A_580 = arith.constant 16 : i32
        %mul3A_581 = arith.muli %add3A_546, %mul3A_580 : i32
        %get3A_582 = arith.constant 0 : i32
        %get3A_583 = arith.index_cast %get3A_582 : i32 to index
        %get3A_584 = arith.index_cast %mul3A_581 : i32 to index
        %get3A_585 = tpu.vector_load %arg8[%get3A_583, %get3A_584] {strides = array<i32>} : memref<8x2048xf32, #tpu.memory_space<vmem>>, vector<16xf32>,
        %broadcast_in_dim3A_586 = arith.constant 0 : i32
        %broadcast_in_dim3A_587 = vector.broadcast %broadcast_in_dim3A_586 : i32 to vector<16xi32>
        tpu.vector_store_idx %arg9[%broadcast_in_dim3A_587, %shift_right_arithmetic3A_576, %and3A_579], %get3A_585 masked %and3A_567 : memref<3x64x512xf32, #tpu.memory_space<vmem>>[vector<16xi32>, vector<16xi32>, vector<16xi32>], vector<16xf32>, vector<16xi1>
        %mul3A_588 = arith.constant 16 : i32
        %mul3A_589 = arith.muli %add3A_546, %mul3A_588 : i32
        %get3A_590 = arith.constant 1 : i32
        %get3A_591 = arith.index_cast %get3A_590 : i32 to index
        %get3A_592 = arith.index_cast %mul3A_589 : i32 to index
        %get3A_593 = tpu.vector_load %arg8[%get3A_591, %get3A_592] {strides = array<i32>} : memref<8x2048xf32, #tpu.memory_space<vmem>>, vector<16xf32>,
        %broadcast_in_dim3A_594 = arith.constant 1 : i32
        %broadcast_in_dim3A_595 = vector.broadcast %broadcast_in_dim3A_594 : i32 to vector<16xi32>
        tpu.vector_store_idx %arg9[%broadcast_in_dim3A_595, %shift_right_arithmetic3A_576, %and3A_579], %get3A_593 masked %and3A_567 : memref<3x64x512xf32, #tpu.memory_space<vmem>>[vector<16xi32>, vector<16xi32>, vector<16xi32>], vector<16xf32>, vector<16xi1>
        %mul3A_596 = arith.constant 16 : i32
        %mul3A_597 = arith.muli %add3A_546, %mul3A_596 : i32
        %get3A_598 = arith.constant 2 : i32
        %get3A_599 = arith.index_cast %get3A_598 : i32 to index
        %get3A_600 = arith.index_cast %mul3A_597 : i32 to index
        %get3A_601 = tpu.vector_load %arg8[%get3A_599, %get3A_600] {strides = array<i32>} : memref<8x2048xf32, #tpu.memory_space<vmem>>, vector<16xf32>,
        %broadcast_in_dim3A_602 = arith.constant 2 : i32
        %broadcast_in_dim3A_603 = vector.broadcast %broadcast_in_dim3A_602 : i32 to vector<16xi32>
        tpu.vector_store_idx %arg9[%broadcast_in_dim3A_603, %shift_right_arithmetic3A_576, %and3A_579], %get3A_601 masked %and3A_567 : memref<3x64x512xf32, #tpu.memory_space<vmem>>[vector<16xi32>, vector<16xi32>, vector<16xi32>], vector<16xf32>, vector<16xi1>
        %scan3A_604 = arith.constant 0 : i32
        scf.yield %scan3A_604 : i32
      }
      %scan3A_115 = arith.constant 16 : i32
      %while3A_116 = arith.constant 0 : i32
      scf.yield %while3A_116 : i32
    }
    %run_scoped3A = arith.constant 0 : i32
    %run_scoped3A_58 = arith.constant 0 : i32
    "tpu.region"() ({
      %run_scoped3A_63 = tpu.sem_alloc : memref<!tpu.dma_semaphore, #tpu.memory_space<semaphore_mem>>
      %dma_start3A = arith.constant 0 : i32
      %dma_start3A_64 = arith.constant 0 : i32
      %dma_start3A_65 = tpu.memref_slice %arg9[%run_scoped3A, %dma_start3A, %dma_start3A_64] : memref<3x64x512xf32, #tpu.memory_space<vmem>> -> memref<1x64x512xf32, #tpu.memory_space<vmem>>
      %dma_start3A_66 = tpu.memref_squeeze %dma_start3A_65 : memref<1x64x512xf32, #tpu.memory_space<vmem>> -> memref<64x512xf32, #tpu.memory_space<vmem>>
      %dma_start3A_67 = arith.constant 0 : i32
      %dma_start3A_68 = tpu.memref_slice %arg5[%select_n3A, %run_scoped3A_58, %multiple_of3A, %dma_start3A_67] : memref<4x3x512x512xf32, #tpu.memory_space<hbm>> -> memref<1x1x64x512xf32, #tpu.memory_space<hbm>>
      %dma_start3A_69 = tpu.memref_squeeze %dma_start3A_68 : memref<1x1x64x512xf32, #tpu.memory_space<hbm>> -> memref<64x512xf32, #tpu.memory_space<hbm>>
      %dma_start3A_70 = arith.constant 0 : i32
      %dma_start3A_71 = tpu.memref_slice %arg5[%select_n3A, %run_scoped3A_58, %multiple_of3A, %dma_start3A_70] : memref<4x3x512x512xf32, #tpu.memory_space<hbm>> -> memref<1x1x64x512xf32, #tpu.memory_space<hbm>>
      %dma_start3A_72 = tpu.memref_squeeze %dma_start3A_71 : memref<1x1x64x512xf32, #tpu.memory_space<hbm>> -> memref<64x512xf32, #tpu.memory_space<hbm>>
      %dma_start3A_73 = arith.constant 0 : i32
      %dma_start3A_74 = arith.constant 0 : i32
      %dma_start3A_75 = tpu.memref_slice %arg9[%run_scoped3A, %dma_start3A_73, %dma_start3A_74] : memref<3x64x512xf32, #tpu.memory_space<vmem>> -> memref<1x64x512xf32, #tpu.memory_space<vmem>>
      %dma_start3A_76 = tpu.memref_squeeze %dma_start3A_75 : memref<1x64x512xf32, #tpu.memory_space<vmem>> -> memref<64x512xf32, #tpu.memory_space<vmem>>
      tpu.enqueue_dma source(%dma_start3A_76 : memref<64x512xf32, #tpu.memory_space<vmem>>) target(%dma_start3A_72 : memref<64x512xf32, #tpu.memory_space<hbm>>) target_semaphore(%run_scoped3A_63 : memref<!tpu.dma_semaphore, #tpu.memory_space<semaphore_mem>>)
      %dma_wait3A = arith.constant 0 : i32
      %dma_wait3A_77 = arith.constant 0 : i32
      %dma_wait3A_78 = tpu.memref_slice %arg9[%run_scoped3A, %dma_wait3A, %dma_wait3A_77] : memref<3x64x512xf32, #tpu.memory_space<vmem>> -> memref<1x64x512xf32, #tpu.memory_space<vmem>>
      %dma_wait3A_79 = tpu.memref_squeeze %dma_wait3A_78 : memref<1x64x512xf32, #tpu.memory_space<vmem>> -> memref<64x512xf32, #tpu.memory_space<vmem>>
      %dma_wait3A_80 = arith.constant 0 : i32
      %dma_wait3A_81 = tpu.memref_slice %arg5[%select_n3A, %run_scoped3A_58, %multiple_of3A, %dma_wait3A_80] : memref<4x3x512x512xf32, #tpu.memory_space<hbm>> -> memref<1x1x64x512xf32, #tpu.memory_space<hbm>>
      %dma_wait3A_82 = tpu.memref_squeeze %dma_wait3A_81 : memref<1x1x64x512xf32, #tpu.memory_space<hbm>> -> memref<64x512xf32, #tpu.memory_space<hbm>>
      %dma_wait3A_83 = arith.constant 0 : i32
      %dma_wait3A_84 = tpu.memref_slice %arg5[%select_n3A, %run_scoped3A_58, %multiple_of3A, %dma_wait3A_83] : memref<4x3x512x512xf32, #tpu.memory_space<hbm>> -> memref<1x1x64x512xf32, #tpu.memory_space<hbm>>
      %dma_wait3A_85 = tpu.memref_squeeze %dma_wait3A_84 : memref<1x1x64x512xf32, #tpu.memory_space<hbm>> -> memref<64x512xf32, #tpu.memory_space<hbm>>
      %dma_wait3A_86 = arith.constant 0 : i32
      %dma_wait3A_87 = arith.constant 0 : i32
      %dma_wait3A_88 = tpu.memref_slice %arg9[%run_scoped3A, %dma_wait3A_86, %dma_wait3A_87] : memref<3x64x512xf32, #tpu.memory_space<vmem>> -> memref<1x64x512xf32, #tpu.memory_space<vmem>>
      %dma_wait3A_89 = tpu.memref_squeeze %dma_wait3A_88 : memref<1x64x512xf32, #tpu.memory_space<vmem>> -> memref<64x512xf32, #tpu.memory_space<vmem>>
      tpu.wait_dma2 semaphore(%run_scoped3A_63 : memref<!tpu.dma_semaphore, #tpu.memory_space<semaphore_mem>>) src(%dma_wait3A_89 : memref<64x512xf32, #tpu.memory_space<vmem>>) dst(%dma_wait3A_85 : memref<64x512xf32, #tpu.memory_space<hbm>>)
      tpu.yield
    }) : () -> ()
    %run_scoped3A_59 = arith.constant 1 : i32
    %run_scoped3A_60 = arith.constant 1 : i32
    "tpu.region"() ({
      %run_scoped3A_63 = tpu.sem_alloc : memref<!tpu.dma_semaphore, #tpu.memory_space<semaphore_mem>>
      %dma_start3A = arith.constant 0 : i32
      %dma_start3A_64 = arith.constant 0 : i32
      %dma_start3A_65 = tpu.memref_slice %arg9[%run_scoped3A_59, %dma_start3A, %dma_start3A_64] : memref<3x64x512xf32, #tpu.memory_space<vmem>> -> memref<1x64x512xf32, #tpu.memory_space<vmem>>
      %dma_start3A_66 = tpu.memref_squeeze %dma_start3A_65 : memref<1x64x512xf32, #tpu.memory_space<vmem>> -> memref<64x512xf32, #tpu.memory_space<vmem>>
      %dma_start3A_67 = arith.constant 0 : i32
      %dma_start3A_68 = tpu.memref_slice %arg5[%select_n3A, %run_scoped3A_60, %multiple_of3A, %dma_start3A_67] : memref<4x3x512x512xf32, #tpu.memory_space<hbm>> -> memref<1x1x64x512xf32, #tpu.memory_space<hbm>>
      %dma_start3A_69 = tpu.memref_squeeze %dma_start3A_68 : memref<1x1x64x512xf32, #tpu.memory_space<hbm>> -> memref<64x512xf32, #tpu.memory_space<hbm>>
      %dma_start3A_70 = arith.constant 0 : i32
      %dma_start3A_71 = tpu.memref_slice %arg5[%select_n3A, %run_scoped3A_60, %multiple_of3A, %dma_start3A_70] : memref<4x3x512x512xf32, #tpu.memory_space<hbm>> -> memref<1x1x64x512xf32, #tpu.memory_space<hbm>>
      %dma_start3A_72 = tpu.memref_squeeze %dma_start3A_71 : memref<1x1x64x512xf32, #tpu.memory_space<hbm>> -> memref<64x512xf32, #tpu.memory_space<hbm>>
      %dma_start3A_73 = arith.constant 0 : i32
      %dma_start3A_74 = arith.constant 0 : i32
      %dma_start3A_75 = tpu.memref_slice %arg9[%run_scoped3A_59, %dma_start3A_73, %dma_start3A_74] : memref<3x64x512xf32, #tpu.memory_space<vmem>> -> memref<1x64x512xf32, #tpu.memory_space<vmem>>
      %dma_start3A_76 = tpu.memref_squeeze %dma_start3A_75 : memref<1x64x512xf32, #tpu.memory_space<vmem>> -> memref<64x512xf32, #tpu.memory_space<vmem>>
      tpu.enqueue_dma source(%dma_start3A_76 : memref<64x512xf32, #tpu.memory_space<vmem>>) target(%dma_start3A_72 : memref<64x512xf32, #tpu.memory_space<hbm>>) target_semaphore(%run_scoped3A_63 : memref<!tpu.dma_semaphore, #tpu.memory_space<semaphore_mem>>)
      %dma_wait3A = arith.constant 0 : i32
      %dma_wait3A_77 = arith.constant 0 : i32
      %dma_wait3A_78 = tpu.memref_slice %arg9[%run_scoped3A_59, %dma_wait3A, %dma_wait3A_77] : memref<3x64x512xf32, #tpu.memory_space<vmem>> -> memref<1x64x512xf32, #tpu.memory_space<vmem>>
      %dma_wait3A_79 = tpu.memref_squeeze %dma_wait3A_78 : memref<1x64x512xf32, #tpu.memory_space<vmem>> -> memref<64x512xf32, #tpu.memory_space<vmem>>
      %dma_wait3A_80 = arith.constant 0 : i32
      %dma_wait3A_81 = tpu.memref_slice %arg5[%select_n3A, %run_scoped3A_60, %multiple_of3A, %dma_wait3A_80] : memref<4x3x512x512xf32, #tpu.memory_space<hbm>> -> memref<1x1x64x512xf32, #tpu.memory_space<hbm>>
      %dma_wait3A_82 = tpu.memref_squeeze %dma_wait3A_81 : memref<1x1x64x512xf32, #tpu.memory_space<hbm>> -> memref<64x512xf32, #tpu.memory_space<hbm>>
      %dma_wait3A_83 = arith.constant 0 : i32
      %dma_wait3A_84 = tpu.memref_slice %arg5[%select_n3A, %run_scoped3A_60, %multiple_of3A, %dma_wait3A_83] : memref<4x3x512x512xf32, #tpu.memory_space<hbm>> -> memref<1x1x64x512xf32, #tpu.memory_space<hbm>>
      %dma_wait3A_85 = tpu.memref_squeeze %dma_wait3A_84 : memref<1x1x64x512xf32, #tpu.memory_space<hbm>> -> memref<64x512xf32, #tpu.memory_space<hbm>>
      %dma_wait3A_86 = arith.constant 0 : i32
      %dma_wait3A_87 = arith.constant 0 : i32
      %dma_wait3A_88 = tpu.memref_slice %arg9[%run_scoped3A_59, %dma_wait3A_86, %dma_wait3A_87] : memref<3x64x512xf32, #tpu.memory_space<vmem>> -> memref<1x64x512xf32, #tpu.memory_space<vmem>>
      %dma_wait3A_89 = tpu.memref_squeeze %dma_wait3A_88 : memref<1x64x512xf32, #tpu.memory_space<vmem>> -> memref<64x512xf32, #tpu.memory_space<vmem>>
      tpu.wait_dma2 semaphore(%run_scoped3A_63 : memref<!tpu.dma_semaphore, #tpu.memory_space<semaphore_mem>>) src(%dma_wait3A_89 : memref<64x512xf32, #tpu.memory_space<vmem>>) dst(%dma_wait3A_85 : memref<64x512xf32, #tpu.memory_space<hbm>>)
      tpu.yield
    }) : () -> ()
    %run_scoped3A_61 = arith.constant 2 : i32
    %run_scoped3A_62 = arith.constant 2 : i32
    "tpu.region"() ({
      %run_scoped3A_63 = tpu.sem_alloc : memref<!tpu.dma_semaphore, #tpu.memory_space<semaphore_mem>>
      %dma_start3A = arith.constant 0 : i32
      %dma_start3A_64 = arith.constant 0 : i32
      %dma_start3A_65 = tpu.memref_slice %arg9[%run_scoped3A_61, %dma_start3A, %dma_start3A_64] : memref<3x64x512xf32, #tpu.memory_space<vmem>> -> memref<1x64x512xf32, #tpu.memory_space<vmem>>
      %dma_start3A_66 = tpu.memref_squeeze %dma_start3A_65 : memref<1x64x512xf32, #tpu.memory_space<vmem>> -> memref<64x512xf32, #tpu.memory_space<vmem>>
      %dma_start3A_67 = arith.constant 0 : i32
      %dma_start3A_68 = tpu.memref_slice %arg5[%select_n3A, %run_scoped3A_62, %multiple_of3A, %dma_start3A_67] : memref<4x3x512x512xf32, #tpu.memory_space<hbm>> -> memref<1x1x64x512xf32, #tpu.memory_space<hbm>>
      %dma_start3A_69 = tpu.memref_squeeze %dma_start3A_68 : memref<1x1x64x512xf32, #tpu.memory_space<hbm>> -> memref<64x512xf32, #tpu.memory_space<hbm>>
      %dma_start3A_70 = arith.constant 0 : i32
      %dma_start3A_71 = tpu.memref_slice %arg5[%select_n3A, %run_scoped3A_62, %multiple_of3A, %dma_start3A_70] : memref<4x3x512x512xf32, #tpu.memory_space<hbm>> -> memref<1x1x64x512xf32, #tpu.memory_space<hbm>>
      %dma_start3A_72 = tpu.memref_squeeze %dma_start3A_71 : memref<1x1x64x512xf32, #tpu.memory_space<hbm>> -> memref<64x512xf32, #tpu.memory_space<hbm>>
      %dma_start3A_73 = arith.constant 0 : i32
      %dma_start3A_74 = arith.constant 0 : i32
      %dma_start3A_75 = tpu.memref_slice %arg9[%run_scoped3A_61, %dma_start3A_73, %dma_start3A_74] : memref<3x64x512xf32, #tpu.memory_space<vmem>> -> memref<1x64x512xf32, #tpu.memory_space<vmem>>
      %dma_start3A_76 = tpu.memref_squeeze %dma_start3A_75 : memref<1x64x512xf32, #tpu.memory_space<vmem>> -> memref<64x512xf32, #tpu.memory_space<vmem>>
      tpu.enqueue_dma source(%dma_start3A_76 : memref<64x512xf32, #tpu.memory_space<vmem>>) target(%dma_start3A_72 : memref<64x512xf32, #tpu.memory_space<hbm>>) target_semaphore(%run_scoped3A_63 : memref<!tpu.dma_semaphore, #tpu.memory_space<semaphore_mem>>)
      %dma_wait3A = arith.constant 0 : i32
      %dma_wait3A_77 = arith.constant 0 : i32
      %dma_wait3A_78 = tpu.memref_slice %arg9[%run_scoped3A_61, %dma_wait3A, %dma_wait3A_77] : memref<3x64x512xf32, #tpu.memory_space<vmem>> -> memref<1x64x512xf32, #tpu.memory_space<vmem>>
      %dma_wait3A_79 = tpu.memref_squeeze %dma_wait3A_78 : memref<1x64x512xf32, #tpu.memory_space<vmem>> -> memref<64x512xf32, #tpu.memory_space<vmem>>
      %dma_wait3A_80 = arith.constant 0 : i32
      %dma_wait3A_81 = tpu.memref_slice %arg5[%select_n3A, %run_scoped3A_62, %multiple_of3A, %dma_wait3A_80] : memref<4x3x512x512xf32, #tpu.memory_space<hbm>> -> memref<1x1x64x512xf32, #tpu.memory_space<hbm>>
      %dma_wait3A_82 = tpu.memref_squeeze %dma_wait3A_81 : memref<1x1x64x512xf32, #tpu.memory_space<hbm>> -> memref<64x512xf32, #tpu.memory_space<hbm>>
      %dma_wait3A_83 = arith.constant 0 : i32
      %dma_wait3A_84 = tpu.memref_slice %arg5[%select_n3A, %run_scoped3A_62, %multiple_of3A, %dma_wait3A_83] : memref<4x3x512x512xf32, #tpu.memory_space<hbm>> -> memref<1x1x64x512xf32, #tpu.memory_space<hbm>>
      %dma_wait3A_85 = tpu.memref_squeeze %dma_wait3A_84 : memref<1x1x64x512xf32, #tpu.memory_space<hbm>> -> memref<64x512xf32, #tpu.memory_space<hbm>>
      %dma_wait3A_86 = arith.constant 0 : i32
      %dma_wait3A_87 = arith.constant 0 : i32
      %dma_wait3A_88 = tpu.memref_slice %arg9[%run_scoped3A_61, %dma_wait3A_86, %dma_wait3A_87] : memref<3x64x512xf32, #tpu.memory_space<vmem>> -> memref<1x64x512xf32, #tpu.memory_space<vmem>>
      %dma_wait3A_89 = tpu.memref_squeeze %dma_wait3A_88 : memref<1x64x512xf32, #tpu.memory_space<vmem>> -> memref<64x512xf32, #tpu.memory_space<vmem>>
      tpu.wait_dma2 semaphore(%run_scoped3A_63 : memref<!tpu.dma_semaphore, #tpu.memory_space<semaphore_mem>>) src(%dma_wait3A_89 : memref<64x512xf32, #tpu.memory_space<vmem>>) dst(%dma_wait3A_85 : memref<64x512xf32, #tpu.memory_space<hbm>>)
      tpu.yield
    }) : () -> ()
    return
  }
}

module attributes {stable_mosaic.version = 14 : i64} {
  func.func @_proj_body(%arg0: i32, %arg1: memref<64x16384xf32, #tpu.memory_space<vmem>>, %arg2: memref<64x3xf32, #tpu.memory_space<vmem>>, %arg3: memref<8x16384xf32, #tpu.memory_space<vmem>>) attributes {dimension_semantics = [#tpu.dimension_semantics<arbitrary>], iteration_bounds = array<i64: 32>, scalar_prefetch = 0 : i64, scratch_operands = 0 : i64, tpu.core_type = #tpu.core_type<tc>, window_params = [{transform_indices = @transform_0, window_bounds = array<i64: 64, 16384>}, {pipeline_mode = #tpu.pipeline_mode<synchronous>, transform_indices = @transform_1, window_bounds = array<i64: 64, 3>}, {transform_indices = @transform_2, window_bounds = array<i64: 8, 16384>}]} {
    %get3A = arith.constant 0 : index
    %get3A_0 = arith.constant 0 : index
    %get3A_1 = vector.load %arg2[%get3A, %get3A_0] : memref<64x3xf32, #tpu.memory_space<vmem>>, vector<64x3xf32>
    %get3A_2 = arith.constant 0 : index
    %get3A_3 = arith.constant 0 : index
    %get3A_4 = vector.load %arg1[%get3A_2, %get3A_3] : memref<64x16384xf32, #tpu.memory_space<vmem>>, vector<64x16384xf32>
    %dot_general3A = arith.constant dense<0.000000e+00> : vector<3x16384xf32>
    %dot_general3A_5 = tpu.matmul %get3A_1, %get3A_4, %dot_general3A {dimension_numbers = #tpu.dot_dimension_numbers<[0], [0], [1], [1], [0, 1, 1, 1], [], []>, transpose_lhs_hint = false} : vector<64x3xf32>, vector<64x16384xf32>, vector<3x16384xf32> -> vector<3x16384xf32>
    %broadcast_in_dim3A = arith.constant 0.000000e+00 : f32
    %broadcast_in_dim3A_6 = vector.broadcast %broadcast_in_dim3A : f32 to vector<5x16384xf32>
    %concatenate3A = tpu.concatenate %dot_general3A_5, %broadcast_in_dim3A_6 in 0 : vector<3x16384xf32>, vector<5x16384xf32> -> vector<8x16384xf32>
    %swap3A = arith.constant 0 : index
    %swap3A_7 = arith.constant 0 : index
    %swap3A_8 = vector.load %arg3[%swap3A, %swap3A_7] : memref<8x16384xf32, #tpu.memory_space<vmem>>, vector<8x16384xf32>
    tpu.vector_store %arg3[%swap3A, %swap3A_7], %concatenate3A {strides = array<i32>} : memref<8x16384xf32, #tpu.memory_space<vmem>>, vector<8x16384xf32>,
    return
  }
  func.func @transform_0(%arg0: i32) -> (i32, i32) {
    %c0_i32 = arith.constant 0 : i32
    %c0_i32_0 = arith.constant 0 : i32
    return %c0_i32, %arg0 : i32, i32
  }
  func.func @transform_1(%arg0: i32) -> (i32, i32) {
    %c0_i32 = arith.constant 0 : i32
    %c0_i32_0 = arith.constant 0 : i32
    %c0_i32_1 = arith.constant 0 : i32
    return %c0_i32, %c0_i32_0 : i32, i32
  }
  func.func @transform_2(%arg0: i32) -> (i32, i32) {
    %c0_i32 = arith.constant 0 : i32
    %c0_i32_0 = arith.constant 0 : i32
    return %c0_i32, %arg0 : i32, i32
  }
}

</mosaic_0001>

<sc_bundles>
// kernel: kernel.4.cloned.1.call-start
scs
__scs_entry_jumppad:
0x0: {  	(pc) =	sbr.rel $0x88, $3  }
0x1: {  	(tag) =	ssettag $0x0;
	lr =	simm.s32 $0x1  }
0x2: {  	[smem:$0x3F9E] =	sst lr;
	_ =	strace $0xD0000000  }
0x3: {  	_ = 	snop  }
0x4: {  	_ = 	snop  }
0x5: {  	_ = 	snop  }
0x6: {  	_ = 	snop  }
0x7: {  	_ = 	snop  }
__scs_overlays_trampoline_lowered:
0x8: {  	[smem:$0x3FAD] =	sst s0  }
0x9: {  	[smem:$0x3FAE] =	sst s1  }
0xa: {  	[smem:$0x3FAF] =	sst s2  }
0xb: {  	[smem:$0x3FB0] =	sst s3  }
0xc: {  	[smem:$0x3FB1] =	sst s4  }
0xd: {  	[smem:$0x3FB2] =	sst s5  }
0xe: {  	[smem:$0x3FB3] =	sst s6  }
0xf: {  	[smem:$0x3FB4] =	sst s7  }
0x10: {  	[smem:$0x3FB5] =	sst s8  }
0x11: {  	[smem:$0x3FB6] =	sst s9;
	s0 =	simm.s32 @!p0 $0x0  }
0x12: {  	s1 =	sld [smem:$0x3F9C];
	s0 =	simm.s32 @p0 $0x1  }
0x13: {  	[smem:$0x3FB7] =	sst s0;
	s0 =	simm.s32 @!p1 $0x0  }
0x14: {  	s2 =	sld [smem:$0x3F9B];
	s0 =	simm.s32 @p1 $0x1  }
0x15: {  	[smem:$0x3FB8] =	sst s0;
	s0 =	simm.s32 @!p2 $0x0  }
0x16: {  	s3 =	sld [smem:$0x3FDB];
	s0 =	simm.s32 @p2 $0x1  }
0x17: {  	s4 =	simm.s32 $0x1BF5;
	[smem:$0x3FBA] =	sst s0  }
0x18: {  	s0 =	sld [smem:$0x3F9D];
	_ =	swait.ge [sflag:s4], $0x0  }
0x19: {  	s7 =	sld [smem:$0x3F9E]  }
0x1a: {  	s8 =	sadd.s32 $0xFFFFE003, lr  }
0x1b: {  	s9 =	sadd.s32 $0xFFFFFEF7, lr;
	s5 =	simm.s32 $0xFFFFFFFF;
	p2 =	slt.u32 s8, $0xFFFFF086  }
0x1c: {  	p1 =	slt.u32 s9, $0xF7A;
	s5 =	simm.s32 @!p2 $0x0  }
0x1d: {  	s5 =	simm.s32 @p1 $0x1;
	p0 =	seq.s32 s7, s2  }
0x1e: {  	s7 =	smul.u32 @!p0 $0xF7A, s2;
	p2 =	seq.s32 @!p0 s5, $0x0  }
0x1f: {  	s9 =	smul.u32 $0xF7A, s1;
	s8 =	simm.s32 @!p0 $0x1BF5;
	p2 =	por !p2, p0  }
0x20: {  	[sflag:s8] =	ssyncset.s32 @!p0 $0xFFFFF086;
	s6 =	sadd.s32 @!p0 s3, s7;
	s7 =	simm.s32 @!p0 $0x108  }
0x21: {  	s3 =	sadd.s32 s3, s9;
	s6 =	sadd.s32 @!p0 $0x88, s6;
	s7 =	simm.s32 @p2 $0x1082  }
0x22: {  	[simem:s7], [sflag:s8] =	dma.local @!p0 [hbm:s6], $0xF7A  }
0x23: {  	s9 =	sor.u32 $0xD0000000, s2;
	s6 =	simm.s32 $0x108;
	_ =	swait.ge @!p0 [sflag:s8], $0x0  }
0x24: {  	s3 =	sadd.s32 $0x88, s3;
	s6 =	simm.s32 @!p1 $0x1082;
	[sflag:s4] =	ssyncset.s32 $0xFFFFF086  }
0x25: {  	[simem:s6], [sflag:s4] =	dma.local [hbm:s3], $0xF7A  }
0x26: {  	[smem:$0x3F9E] =	sst s1;
	(tag) =	ssettag s2;
	_ =	strace s9  }
0x27: {  	s1 =	sld [smem:$0x3FAE]  }
0x28: {  	s2 =	sld [smem:$0x3FAF]  }
0x29: {  	s4 =	sld [smem:$0x3FB1]  }
0x2a: {  	p0 =	seq.s32 s5, $0x0;
	s5 =	sld [smem:$0x3FB2]  }
0x2b: {  	s6 =	sld [smem:$0x3FB3]  }
0x2c: {  	s7 =	sld [smem:$0x3FB4]  }
0x2d: {  	s3 =	simm.s32 $0x108;
	s8 =	sld [smem:$0x3FB5]  }
0x2e: {  	s3 =	simm.s32 @!p0 $0x1082;
	s9 =	sld [smem:$0x3FB6]  }
0x2f: {  	lr =	sadd.s32 s0, s3;
	s0 =	sld [smem:$0x3FAD]  }
0x30: {  	s3 =	sld [smem:$0x3FB0]  }
0x31: {  	[smem:$0x3FB9] =	sst s10  }
0x32: {  	s10 =	sld [smem:$0x3FB7];
	_ =	sdelay $0x3  }
0x33: {  	p0 =	seq.s32 s10, $0x1;
	s10 =	sld [smem:$0x3FB9];
	_ =	sdelay $0x3  }
0x34: {  	[smem:$0x3FB9] =	sst s10  }
0x35: {  	s10 =	sld [smem:$0x3FB8];
	_ =	sdelay $0x3  }
0x36: {  	p1 =	seq.s32 s10, $0x1;
	s10 =	sld [smem:$0x3FB9];
	_ =	sdelay $0x3  }
0x37: {  	[smem:$0x3FB9] =	sst s10  }
0x38: {  	s10 =	sld [smem:$0x3FBA]  }
0x39: {  	_ = 	snop;
	(pc) =	sbr.ind lr, $3  }
0x3a: {  	_ = 	snop  }
0x3b: {  	_ = 	snop  }
0x3c: {  	p2 =	seq.s32 s10, $0x1;
	s10 =	sld [smem:$0x3FB9]  }
0x3d: {  	_ =	shalt  }
0x3e: {  	_ =	shalt  }
0x3f: {  	_ =	shalt  }
0x40: {  	_ =	shalt  }
0x41: {  	_ =	shalt  }
0x42: {  	_ =	shalt  }
0x43: {  	_ =	shalt  }
0x44: {  	_ =	shalt  }
0x45: {  	_ =	shalt  }
0x46: {  	_ =	shalt  }
0x47: {  	_ =	shalt  }
0x48: {  	_ =	shalt  }
0x49: {  	_ =	shalt  }
0x4a: {  	_ =	shalt  }
0x4b: {  	_ =	shalt  }
0x4c: {  	_ =	shalt  }
0x4d: {  	_ =	shalt  }
0x4e: {  	_ =	shalt  }
0x4f: {  	_ =	shalt  }
0x50: {  	_ =	shalt  }
0x51: {  	_ =	shalt  }
0x52: {  	_ =	shalt  }
0x53: {  	_ =	shalt  }
0x54: {  	_ =	shalt  }
0x55: {  	_ =	shalt  }
0x56: {  	_ =	shalt  }
0x57: {  	_ =	shalt  }
0x58: {  	_ =	shalt  }
0x59: {  	_ =	shalt  }
0x5a: {  	_ =	shalt  }
0x5b: {  	_ =	shalt  }
0x5c: {  	_ =	shalt  }
0x5d: {  	_ =	shalt  }
0x5e: {  	_ =	shalt  }
0x5f: {  	_ =	shalt  }
0x60: {  	_ =	shalt  }
0x61: {  	_ =	shalt  }
0x62: {  	_ =	shalt  }
0x63: {  	_ =	shalt  }
0x64: {  	_ =	shalt  }
0x65: {  	_ =	shalt  }
0x66: {  	_ =	shalt  }
0x67: {  	_ =	shalt  }
0x68: {  	_ =	shalt  }
0x69: {  	_ =	shalt  }
0x6a: {  	_ =	shalt  }
0x6b: {  	_ =	shalt  }
0x6c: {  	_ =	shalt  }
0x6d: {  	_ =	shalt  }
0x6e: {  	_ =	shalt  }
0x6f: {  	_ =	shalt  }
0x70: {  	_ =	shalt  }
0x71: {  	_ =	shalt  }
0x72: {  	_ =	shalt  }
0x73: {  	_ =	shalt  }
0x74: {  	_ =	shalt  }
0x75: {  	_ =	shalt  }
0x76: {  	_ =	shalt  }
0x77: {  	_ =	shalt  }
0x78: {  	_ =	shalt  }
0x79: {  	_ =	shalt  }
0x7a: {  	_ =	shalt  }
0x7b: {  	_ =	shalt  }
0x7c: {  	_ =	shalt  }
0x7d: {  	_ =	shalt  }
0x7e: {  	_ =	shalt  }
0x7f: {  	_ =	shalt  }
0x80: {  	_ =	shalt  }
0x81: {  	_ =	shalt  }
0x82: {  	_ =	shalt  }
0x83: {  	_ =	shalt  }
0x84: {  	_ =	shalt  }
0x85: {  	_ =	shalt  }
0x86: {  	_ =	shalt  }
0x87: {  	_ =	shalt  }
.Lfunc_end0:
.L_simem_size_0:
called_computation_lowered:
.L_overlay_start_0:
0x88: {  	s2 =	sld [smem:$0x3FD9]  }
0x89: {  	s3 =	sld [smem:$0x3FFE];
	_ =	sdelay $0x1  }
0x8a: {  	s1 =	srdreg.scid  }
0x8b: {  	s0 =	sand.u32 $0x1, s1  }
0x8c: {  	s17 =	sshll.u32 s0, $0xA;
	s2 =	sadd.s32 s3, s2  }
0x8d: {  	s2 =	sadd.s32 s2, s17  }
0x8e: {  	[smem:$0x3FC5] =	sst s2  }
0x8f: {  	_ = 	snop  }
0x90: {  	s2 =	sld [smem:$0x3FC8]  }
0x91: {  	s18 =	sld [smem:$0x3FD0];
	(tm) =	ssettm $0x1  }
0x92: {  	s4 =	sld [smem:$0x3FFB];
	_ =	sdelay $0x3  }
0x93: {  	_ =	strace s4  }
0x94: {  	s4 =	sld [smem:$0x3FFC];
	_ =	sdelay $0x3  }
0x95: {  	_ =	strace s4  }
0x96: {  	s4 =	sld [smem:$0x3FFD];
	_ =	sdelay $0x3  }
0x97: {  	_ =	strace s4  }
0x98: {  	_ =	strace $0x8FFFFFFF  }
0x99: {  	s19 =	sld [smem:$0x3FDB];
	_ =	sdelay $0x1  }
0x9a: {  	s5 =	simm.s32 $_scs_section_size  }
0x9b: {  	s6 =	simm.s32 $_size__tile_overlayer_lowered;
	s7 =	simm.s32 $_tile_overlayer_lowered  }
0x9c: {  	s22 =	simm.s32 $0x1BFF;
	s21 =	sshll.u32 s7, $0x1;
	s4 =	sadd.s32 s5, s19  }
0x9d: {  	s8 =	simm.s32 $0x0;
	s20 =	sshll.u32 s6, $0x1;
	s6 =	sadd.s32 s21, s4  }
0x9e: {  	[timem:s8], [sflag:s22] =	dma.local [hbm:s6], s20  }
0x9f: {  	_ =	swait.ge [sflag:s22], s20  }
0xa0: {  	s5 =	ssub.s32 $0x0, s20;
	[sflag:s22] =	ssyncset.done $0x0  }
0xa1: {  	[sflag:s22] =	ssyncadd.s32 s5;
	_ =	sdelay $0x1  }
0xa2: {  	s23 =	simm.s32 $0x1B8B  }
0xa3: {  	_ =	swait.ge [sflag:s23], $0x1  }
0xa4: {  	[sflag:s23] =	ssyncset.done $0x0  }
0xa5: {  	s25 =	simm.s32 $0x1B8E;
	s24 =	sld [smem:$0x3FFE];
	[sflag:s23] =	ssyncadd.s32 $0xFFFFFFFF  }
0xa6: {  	s26 =	simm.s32 $execute0_lowered;
	[smem:$0x3FD2] =	sst s25  }
0xa7: {  	s6 =	sshll.u32 s26, $0x1;
	_ =	strace $0x80000046;
	[dreg:$0x1] =	wrdreg $0xFFFFFFFF  }
0xa8: {  	s28 =	simm.s32 $_size_execute0_lowered;
	s4 =	sadd.s32 s4, s6;
	[dreg:$0x0] =	wrdreg $0x0  }
0xa9: {  	s6 =	sshll.u32 s28, $0x1;
	[dreg:$0x2] =	wrdreg s4  }
0xaa: {  	[dreg:$0x3] =	wrdreg s6  }
0xab: {  	[dreg:$0x4] =	wrdreg $0xC0  }
0xac: {  	_ =	task [dreg:s8], $0x5FFFF  }
0xad: {  	[dreg:$0x1] =	wrdreg $0xFFFFFFFF  }
0xae: {  	[dreg:$0x0] =	wrdreg $0x60  }
0xaf: {  	[dreg:$0x2] =	wrdreg s24  }
0xb0: {  	[dreg:$0x3] =	wrdreg s2  }
0xb1: {  	[dreg:$0x4] =	wrdreg s18  }
0xb2: {  	[dreg:$0x5] =	wrdreg $0x9  }
0xb3: {  	_ =	task.clear_ibuf [dreg:s8], $0x6FFFF;
	_ =	strace $0x90000046  }
0xb4: {  	s29 =	simm.s32 $0x9;
	_ =	strace $0x80000048  }
0xb5: {  	_ =	swait.ge [sflag:s29], $0x1  }
0xb6: {  	[sflag:s29] =	ssyncadd.s32 $0xFFFFFFFF  }
0xb7: {  	_ =	strace $0x90000048  }
0xb8: {  	_ =	sfence  }
0xb9: {  	s30 =	sld [smem:$0x0];
	_ =	sdelay $0x2  }
0xba: {  	s31 =	sshll.u32 s1, $0xD;
	s1 =	sshrl.u32 s1, $0x2  }
0xbb: {  	s3 =	sand.u32 $0x4000, s31;
	s1 =	sadd.s32 s1, s30  }
0xbc: {  	s0 =	sor.u32 s3, s0;
	s1 =	sshll.u32 s1, $0x11  }
0xbd: {  	s0 =	sor.u32 s1, s0  }
0xbe: {  	s0 =	sadd.s32 $0x8F2B, s0  }
0xbf: {  	[sflag:s0] =	ssyncadd.remote.s32 $0x1  }
0xc0: {  	_ =	sfence.sel $0xFFFF  }
0xc1: {  	[dreg:$0x0] =	wrdreg $0xFFFFFFFF;
	(pc) =	sbr.abs _section_cstart, $3  }
0xc2: {  	[dreg:$0x1] =	wrdreg $0xFFFFFFFF  }
0xc3: {  	_ =	task.clear_ibuf [dreg:s8], $0x2FFFF;
	_ =	strace $0x9FFFFFFF  }
0xc4: {  	(tm) =	ssettm $0x7FFFFFFF  }
0xc5: {  	_ =	shalt  }
tec
execute0_lowered:
.L_overlay_start_1:
0x0: {  	(tag) =	ssettag $0x1  }
0x1: {  	s5 =	rddreg [dreg:$0x0]  }
0x2: {  	s2 =	rddreg [dreg:$0x1]  }
0x3: {  	s6 =	rddreg [dreg:$0x2];
	s3 =	srdreg.scid  }
0x4: {  	s1 =	stileid.u32;
	s0 =	rddreg [dreg:$0x3]  }
0x5: {  	s11 =	simm.s32 $0x80;
	s12 =	simm.s32 $0x880;
	s13 =	simm.s32 $0x900  }
0x6: {  	s14 =	simm.s32 $0x1;
	s15 =	simm.s32 $0x4900;
	s17 =	simm.s32 $0x14900  }
0x7: {  	s18 =	simm.s32 $0x0;
	s7 =	sand.u32 $0x1, s3;
	s4 =	sshll.u32 s1, $0x1  }
0x8: {  	s3 =	simm.s32 $0x0;
	s29 =	sshrl.u32 s1, $0x2;
	s8 =	sor.u32 s7, s4  }
0x9: {  	[smem:$0x7FF] =	sst s3;
	s9 =	smul.u32 $0xC0000, s29;
	s4 =	sadd.s32 $0xE00, s5  }
0xa: {  	s7 =	ssub.s32 $0x2, s7;
	s16 =	sshll.u32 s8, $0xF;
	_ =	strace $0x80000047  }
.Ltmp0:
0xb: {  	s8 =	sshll.u32 s8, $0x1;
	s10 =	sand.u32 $0x38000, s16;
	(pc) =	sbr.rel .LBB2_1-.Ltmp0, $4  }
0xc: {  	s30 =	sshrl.u32 s7, $0x1;
	s5 =	sadd.s32 s8, s5;
	s9 =	sor.u32 s9, s10  }
0xd: {  	s31 =	ssub.s32 s7, s30;
	v0 =	vmov s16;
	s16 =	simm.s32 $0xC900;
	s9 =	sshrl.u32 s9, $0x3  }
0xe: {  	s5 =	sadd.s32 $0xC00, s5;
	s10 =	simm.s32 $0x2;
	s6 =	sadd.s32 s6, s9  }
0xf: {  	v1 =	vimm.f32 $0.0e+00;
	s9 =	smax.u32 s31, $0x1;
	s7 =	sadd.s32 $0x8000, s6;
	s8 =	sadd.s32 $0x10000, s6  }
.LBB2_7:
0x10: {  	[hbm4b:s6+s3] =	stream.linear.scatter [tilespmem:s15], [sflag:$0x2], $0x8000, $0x38;
	[tilespmem:$0x1C900] =	vst v63  }
0x11: {  	_ =	swait.ge [sflag:s10], $0x8000  }
0x12: {  	[sflag:s10] =	ssyncset.done $0x0  }
0x13: {  	[sflag:s10] =	ssyncadd.s32 $0xFFFF8000  }
0x14: {  	[hbm4b:s7+s3] =	stream.linear.scatter [tilespmem:s16], [sflag:$0x2], $0x8000, $0x38;
	[tilespmem:$0x1C900] =	vst v63  }
0x15: {  	s18 =	sadd.s32 $0x1, s18;
	_ =	swait.ge [sflag:s10], $0x8000  }
0x16: {  	p0 =	sne.s32 s18, s9;
	[sflag:s10] =	ssyncset.done $0x0  }
.Ltmp1:
0x17: {  	[sflag:s10] =	ssyncadd.s32 $0xFFFF8000;
	(pc) =	sbr.rel @!p0 .LBB2_8-.Ltmp1, $4  }
0x18: {  	[hbm4b:s8+s3] =	stream.linear.scatter [tilespmem:s17], [sflag:$0x2], $0x8000, $0x38;
	[tilespmem:$0x1C900] =	vst v63  }
0x19: {  	_ =	swait.ge [sflag:s10], $0x8000  }
0x1a: {  	[sflag:s10] =	ssyncset.done $0x0  }
0x1b: {  	[sflag:s10] =	ssyncadd.s32 $0xFFFF8000  }
.LBB2_1:
0x1c: {  	[tilespmem:s3], [sflag:$0x2] =	stream.linear.gather [hbm4b:s5+s3], $0x10, $0x38;
	[tilespmem:$0x1C900] =	vst v63  }
0x1d: {  	_ =	swait.ge [sflag:s10], $0x10  }
0x1e: {  	s19 =	sand.u32 $0x7000, s3;
	s20 =	sand.u32 $0x380, s3;
	[sflag:s10] =	ssyncset.done $0x0  }
0x1f: {  	s19 =	sor.u32 s20, s19;
	[sflag:s10] =	ssyncadd.s32 $0xFFFFFFF0  }
0x20: {  	v2 =	vld [tilespmem:$0x0];
	[tilespmem:s19+$0x15570] =	vst v1  }
0x21: {  	[tilespmem:s19+$0x4900] =	vst v1  }
0x22: {  	[tilespmem:s19+$0x4910] =	vst v1  }
0x23: {  	[tilespmem:s19+$0x4920] =	vst v1  }
0x24: {  	[tilespmem:s19+$0x4930] =	vst v1  }
0x25: {  	[tilespmem:s19+$0x4940] =	vst v1  }
0x26: {  	[tilespmem:s19+$0x4950] =	vst v1  }
0x27: {  	[tilespmem:s19+$0x4960] =	vst v1  }
0x28: {  	[tilespmem:s19+$0x4970] =	vst v1  }
0x29: {  	[tilespmem:s19+$0x4D00] =	vst v1  }
0x2a: {  	[tilespmem:s19+$0x4D10] =	vst v1  }
0x2b: {  	[tilespmem:s19+$0x4D20] =	vst v1  }
0x2c: {  	[tilespmem:s19+$0x4D30] =	vst v1  }
0x2d: {  	[tilespmem:s19+$0x4D40] =	vst v1  }
0x2e: {  	[tilespmem:s19+$0x4D50] =	vst v1  }
0x2f: {  	[tilespmem:s19+$0x4D60] =	vst v1  }
0x30: {  	[tilespmem:s19+$0x4D70] =	vst v1  }
0x31: {  	[tilespmem:s19+$0x5100] =	vst v1  }
0x32: {  	[tilespmem:s19+$0x5110] =	vst v1  }
0x33: {  	[tilespmem:s19+$0x5120] =	vst v1  }
0x34: {  	[tilespmem:s19+$0x5130] =	vst v1  }
0x35: {  	[tilespmem:s19+$0x5140] =	vst v1  }
0x36: {  	[tilespmem:s19+$0x5150] =	vst v1  }
0x37: {  	[tilespmem:s19+$0x5160] =	vst v1  }
0x38: {  	[tilespmem:s19+$0x5170] =	vst v1  }
0x39: {  	[tilespmem:s19+$0x5500] =	vst v1  }
0x3a: {  	[tilespmem:s19+$0x5510] =	vst v1  }
0x3b: {  	[tilespmem:s19+$0x5520] =	vst v1  }
0x3c: {  	[tilespmem:s19+$0x5530] =	vst v1  }
0x3d: {  	[tilespmem:s19+$0x5540] =	vst v1  }
0x3e: {  	[tilespmem:s19+$0x5550] =	vst v1  }
0x3f: {  	[tilespmem:s19+$0x5560] =	vst v1  }
0x40: {  	[tilespmem:s19+$0x5570] =	vst v1  }
0x41: {  	[tilespmem:s19+$0xC900] =	vst v1  }
0x42: {  	[tilespmem:s19+$0xC910] =	vst v1  }
0x43: {  	[tilespmem:s19+$0xC920] =	vst v1  }
0x44: {  	[tilespmem:s19+$0xC930] =	vst v1  }
0x45: {  	[tilespmem:s19+$0xC940] =	vst v1  }
0x46: {  	[tilespmem:s19+$0xC950] =	vst v1  }
0x47: {  	[tilespmem:s19+$0xC960] =	vst v1  }
0x48: {  	[tilespmem:s19+$0xC970] =	vst v1  }
0x49: {  	[tilespmem:s19+$0xCD00] =	vst v1  }
0x4a: {  	[tilespmem:s19+$0xCD10] =	vst v1  }
0x4b: {  	[tilespmem:s19+$0xCD20] =	vst v1  }
0x4c: {  	[tilespmem:s19+$0xCD30] =	vst v1  }
0x4d: {  	[tilespmem:s19+$0xCD40] =	vst v1  }
0x4e: {  	[tilespmem:s19+$0xCD50] =	vst v1  }
0x4f: {  	[tilespmem:s19+$0xCD60] =	vst v1  }
0x50: {  	[tilespmem:s19+$0xCD70] =	vst v1  }
0x51: {  	[tilespmem:s19+$0xD100] =	vst v1  }
0x52: {  	[tilespmem:s19+$0xD110] =	vst v1  }
0x53: {  	[tilespmem:s19+$0xD120] =	vst v1  }
0x54: {  	[tilespmem:s19+$0xD130] =	vst v1  }
0x55: {  	[tilespmem:s19+$0xD140] =	vst v1  }
0x56: {  	[tilespmem:s19+$0xD150] =	vst v1  }
0x57: {  	[tilespmem:s19+$0xD160] =	vst v1  }
0x58: {  	[tilespmem:s19+$0xD170] =	vst v1  }
0x59: {  	[tilespmem:s19+$0xD500] =	vst v1  }
0x5a: {  	[tilespmem:s19+$0xD510] =	vst v1  }
0x5b: {  	[tilespmem:s19+$0xD520] =	vst v1  }
0x5c: {  	[tilespmem:s19+$0xD530] =	vst v1  }
0x5d: {  	[tilespmem:s19+$0xD540] =	vst v1  }
0x5e: {  	[tilespmem:s19+$0xD550] =	vst v1  }
0x5f: {  	[tilespmem:s19+$0xD560] =	vst v1  }
0x60: {  	[tilespmem:s19+$0xD570] =	vst v1  }
0x61: {  	[tilespmem:s19+$0x14900] =	vst v1  }
0x62: {  	[tilespmem:s19+$0x14910] =	vst v1  }
0x63: {  	[tilespmem:s19+$0x14920] =	vst v1  }
0x64: {  	[tilespmem:s19+$0x14930] =	vst v1  }
0x65: {  	[tilespmem:s19+$0x14940] =	vst v1  }
0x66: {  	[tilespmem:s19+$0x14950] =	vst v1  }
0x67: {  	[tilespmem:s19+$0x14960] =	vst v1  }
0x68: {  	[tilespmem:s19+$0x14970] =	vst v1  }
0x69: {  	[tilespmem:s19+$0x14D00] =	vst v1  }
0x6a: {  	[tilespmem:s19+$0x14D10] =	vst v1  }
0x6b: {  	[tilespmem:s19+$0x14D20] =	vst v1  }
0x6c: {  	[tilespmem:s19+$0x14D30] =	vst v1  }
0x6d: {  	[tilespmem:s19+$0x14D40] =	vst v1  }
0x6e: {  	[tilespmem:s19+$0x14D50] =	vst v1  }
0x6f: {  	[tilespmem:s19+$0x14D60] =	vst v1  }
0x70: {  	[tilespmem:s19+$0x14D70] =	vst v1  }
0x71: {  	[tilespmem:s19+$0x15100] =	vst v1  }
0x72: {  	[tilespmem:s19+$0x15110] =	vst v1  }
0x73: {  	[tilespmem:s19+$0x15120] =	vst v1  }
0x74: {  	[tilespmem:s19+$0x15130] =	vst v1  }
0x75: {  	[tilespmem:s19+$0x15140] =	vst v1  }
0x76: {  	[tilespmem:s19+$0x15150] =	vst v1  }
0x77: {  	[tilespmem:s19+$0x15160] =	vst v1  }
0x78: {  	[tilespmem:s19+$0x15170] =	vst v1  }
0x79: {  	[tilespmem:s19+$0x15500] =	vst v1  }
0x7a: {  	[tilespmem:s19+$0x15510] =	vst v1  }
0x7b: {  	[tilespmem:s19+$0x15520] =	vst v1  }
0x7c: {  	[tilespmem:s19+$0x15530] =	vst v1  }
0x7d: {  	s21 =	simm.s32 $0x200;
	s20 =	simm.s32 $0x80;
	[tilespmem:s19+$0x15540] =	vst v1  }
0x7e: {  	s22 =	sand.u32 $0x7000, s21;
	s21 =	simm.s32 $0x400;
	s23 =	sand.u32 $0x380, s20;
	[tilespmem:s19+$0x15550] =	vst v1  }
.LBB2_2:
0x7f: {  	p0 =	seq.s32 s21, $0x7E00;
	[tilespmem:s19+$0x15560] =	vst v1;
	s19 =	sor.u32 s23, s22  }
0x80: {  	[tilespmem:s19+$0x15570] =	vst v1  }
0x81: {  	[tilespmem:s19+$0x4900] =	vst v1  }
0x82: {  	[tilespmem:s19+$0x4910] =	vst v1  }
0x83: {  	[tilespmem:s19+$0x4920] =	vst v1  }
0x84: {  	[tilespmem:s19+$0x4930] =	vst v1  }
0x85: {  	[tilespmem:s19+$0x4940] =	vst v1  }
0x86: {  	[tilespmem:s19+$0x4950] =	vst v1  }
0x87: {  	[tilespmem:s19+$0x4960] =	vst v1  }
0x88: {  	[tilespmem:s19+$0x4970] =	vst v1  }
0x89: {  	[tilespmem:s19+$0x4D00] =	vst v1  }
0x8a: {  	[tilespmem:s19+$0x4D10] =	vst v1  }
0x8b: {  	[tilespmem:s19+$0x4D20] =	vst v1  }
0x8c: {  	[tilespmem:s19+$0x4D30] =	vst v1  }
0x8d: {  	[tilespmem:s19+$0x4D40] =	vst v1  }
0x8e: {  	[tilespmem:s19+$0x4D50] =	vst v1  }
0x8f: {  	[tilespmem:s19+$0x4D60] =	vst v1  }
0x90: {  	[tilespmem:s19+$0x4D70] =	vst v1  }
0x91: {  	[tilespmem:s19+$0x5100] =	vst v1  }
0x92: {  	[tilespmem:s19+$0x5110] =	vst v1  }
0x93: {  	[tilespmem:s19+$0x5120] =	vst v1  }
0x94: {  	[tilespmem:s19+$0x5130] =	vst v1  }
0x95: {  	[tilespmem:s19+$0x5140] =	vst v1  }
0x96: {  	[tilespmem:s19+$0x5150] =	vst v1  }
0x97: {  	[tilespmem:s19+$0x5160] =	vst v1  }
0x98: {  	[tilespmem:s19+$0x5170] =	vst v1  }
0x99: {  	[tilespmem:s19+$0x5500] =	vst v1  }
0x9a: {  	[tilespmem:s19+$0x5510] =	vst v1  }
0x9b: {  	[tilespmem:s19+$0x5520] =	vst v1  }
0x9c: {  	[tilespmem:s19+$0x5530] =	vst v1  }
0x9d: {  	[tilespmem:s19+$0x5540] =	vst v1  }
0x9e: {  	[tilespmem:s19+$0x5550] =	vst v1  }
0x9f: {  	[tilespmem:s19+$0x5560] =	vst v1  }
0xa0: {  	[tilespmem:s19+$0x5570] =	vst v1  }
0xa1: {  	[tilespmem:s19+$0xC900] =	vst v1  }
0xa2: {  	[tilespmem:s19+$0xC910] =	vst v1  }
0xa3: {  	[tilespmem:s19+$0xC920] =	vst v1  }
0xa4: {  	[tilespmem:s19+$0xC930] =	vst v1  }
0xa5: {  	[tilespmem:s19+$0xC940] =	vst v1  }
0xa6: {  	[tilespmem:s19+$0xC950] =	vst v1  }
0xa7: {  	[tilespmem:s19+$0xC960] =	vst v1  }
0xa8: {  	[tilespmem:s19+$0xC970] =	vst v1  }
0xa9: {  	[tilespmem:s19+$0xCD00] =	vst v1  }
0xaa: {  	[tilespmem:s19+$0xCD10] =	vst v1  }
0xab: {  	[tilespmem:s19+$0xCD20] =	vst v1  }
0xac: {  	[tilespmem:s19+$0xCD30] =	vst v1  }
0xad: {  	[tilespmem:s19+$0xCD40] =	vst v1  }
0xae: {  	[tilespmem:s19+$0xCD50] =	vst v1  }
0xaf: {  	[tilespmem:s19+$0xCD60] =	vst v1  }
0xb0: {  	[tilespmem:s19+$0xCD70] =	vst v1  }
0xb1: {  	[tilespmem:s19+$0xD100] =	vst v1  }
0xb2: {  	[tilespmem:s19+$0xD110] =	vst v1  }
0xb3: {  	[tilespmem:s19+$0xD120] =	vst v1  }
0xb4: {  	[tilespmem:s19+$0xD130] =	vst v1  }
0xb5: {  	[tilespmem:s19+$0xD140] =	vst v1  }
0xb6: {  	[tilespmem:s19+$0xD150] =	vst v1  }
0xb7: {  	[tilespmem:s19+$0xD160] =	vst v1  }
0xb8: {  	[tilespmem:s19+$0xD170] =	vst v1  }
0xb9: {  	[tilespmem:s19+$0xD500] =	vst v1  }
0xba: {  	[tilespmem:s19+$0xD510] =	vst v1  }
0xbb: {  	[tilespmem:s19+$0xD520] =	vst v1  }
0xbc: {  	[tilespmem:s19+$0xD530] =	vst v1  }
0xbd: {  	[tilespmem:s19+$0xD540] =	vst v1  }
0xbe: {  	[tilespmem:s19+$0xD550] =	vst v1  }
0xbf: {  	[tilespmem:s19+$0xD560] =	vst v1  }
0xc0: {  	[tilespmem:s19+$0xD570] =	vst v1  }
0xc1: {  	[tilespmem:s19+$0x14900] =	vst v1  }
0xc2: {  	[tilespmem:s19+$0x14910] =	vst v1  }
0xc3: {  	[tilespmem:s19+$0x14920] =	vst v1  }
0xc4: {  	[tilespmem:s19+$0x14930] =	vst v1  }
0xc5: {  	[tilespmem:s19+$0x14940] =	vst v1  }
0xc6: {  	[tilespmem:s19+$0x14950] =	vst v1  }
0xc7: {  	[tilespmem:s19+$0x14960] =	vst v1  }
0xc8: {  	[tilespmem:s19+$0x14970] =	vst v1  }
0xc9: {  	[tilespmem:s19+$0x14D00] =	vst v1  }
0xca: {  	[tilespmem:s19+$0x14D10] =	vst v1  }
0xcb: {  	[tilespmem:s19+$0x14D20] =	vst v1  }
0xcc: {  	[tilespmem:s19+$0x14D30] =	vst v1  }
0xcd: {  	[tilespmem:s19+$0x14D40] =	vst v1  }
0xce: {  	[tilespmem:s19+$0x14D50] =	vst v1  }
0xcf: {  	[tilespmem:s19+$0x14D60] =	vst v1  }
0xd0: {  	[tilespmem:s19+$0x14D70] =	vst v1  }
0xd1: {  	[tilespmem:s19+$0x15100] =	vst v1  }
0xd2: {  	[tilespmem:s19+$0x15110] =	vst v1  }
0xd3: {  	[tilespmem:s19+$0x15120] =	vst v1  }
0xd4: {  	[tilespmem:s19+$0x15130] =	vst v1  }
0xd5: {  	[tilespmem:s19+$0x15140] =	vst v1  }
0xd6: {  	[tilespmem:s19+$0x15150] =	vst v1  }
0xd7: {  	[tilespmem:s19+$0x15160] =	vst v1  }
0xd8: {  	[tilespmem:s19+$0x15170] =	vst v1  }
0xd9: {  	[tilespmem:s19+$0x15500] =	vst v1  }
.Ltmp2:
0xda: {  	[tilespmem:s19+$0x15510] =	vst v1;
	(pc) =	sbr.rel @!p0 .LBB2_2-.Ltmp2, $4  }
0xdb: {  	[tilespmem:s19+$0x15520] =	vst v1  }
0xdc: {  	[tilespmem:s19+$0x15530] =	vst v1  }
0xdd: {  	s20 =	sadd.s32 $0x80, s20;
	[tilespmem:s19+$0x15540] =	vst v1  }
0xde: {  	s22 =	sand.u32 $0x7000, s21;
	s21 =	sadd.s32 $0x200, s21;
	s23 =	sand.u32 $0x380, s20;
	[tilespmem:s19+$0x15550] =	vst v1  }
0xdf: {  	s20 =	sor.u32 s23, s22;
	[tilespmem:s19+$0x15560] =	vst v1  }
0xe0: {  	[tilespmem:s20+$0x15570] =	vst v1  }
0xe1: {  	[tilespmem:s20+$0x4900] =	vst v1  }
0xe2: {  	[tilespmem:s20+$0x4910] =	vst v1  }
0xe3: {  	[tilespmem:s20+$0x4920] =	vst v1  }
0xe4: {  	[tilespmem:s20+$0x4930] =	vst v1  }
0xe5: {  	[tilespmem:s20+$0x4940] =	vst v1  }
0xe6: {  	[tilespmem:s20+$0x4950] =	vst v1  }
0xe7: {  	[tilespmem:s20+$0x4960] =	vst v1  }
0xe8: {  	[tilespmem:s20+$0x4970] =	vst v1  }
0xe9: {  	[tilespmem:s20+$0x4D00] =	vst v1  }
0xea: {  	[tilespmem:s20+$0x4D10] =	vst v1  }
0xeb: {  	[tilespmem:s20+$0x4D20] =	vst v1  }
0xec: {  	[tilespmem:s20+$0x4D30] =	vst v1  }
0xed: {  	[tilespmem:s20+$0x4D40] =	vst v1  }
0xee: {  	[tilespmem:s20+$0x4D50] =	vst v1  }
0xef: {  	[tilespmem:s20+$0x4D60] =	vst v1  }
0xf0: {  	[tilespmem:s20+$0x4D70] =	vst v1  }
0xf1: {  	[tilespmem:s20+$0x5100] =	vst v1  }
0xf2: {  	[tilespmem:s20+$0x5110] =	vst v1  }
0xf3: {  	[tilespmem:s20+$0x5120] =	vst v1  }
0xf4: {  	[tilespmem:s20+$0x5130] =	vst v1  }
0xf5: {  	[tilespmem:s20+$0x5140] =	vst v1  }
0xf6: {  	[tilespmem:s20+$0x5150] =	vst v1  }
0xf7: {  	[tilespmem:s20+$0x5160] =	vst v1  }
0xf8: {  	[tilespmem:s20+$0x5170] =	vst v1  }
0xf9: {  	[tilespmem:s20+$0x5500] =	vst v1  }
0xfa: {  	[tilespmem:s20+$0x5510] =	vst v1  }
0xfb: {  	[tilespmem:s20+$0x5520] =	vst v1  }
0xfc: {  	[tilespmem:s20+$0x5530] =	vst v1  }
0xfd: {  	[tilespmem:s20+$0x5540] =	vst v1  }
0xfe: {  	[tilespmem:s20+$0x5550] =	vst v1  }
0xff: {  	[tilespmem:s20+$0x5560] =	vst v1  }
0x100: {  	[tilespmem:s20+$0x5570] =	vst v1  }
0x101: {  	[tilespmem:s20+$0xC900] =	vst v1  }
0x102: {  	[tilespmem:s20+$0xC910] =	vst v1  }
0x103: {  	[tilespmem:s20+$0xC920] =	vst v1  }
0x104: {  	[tilespmem:s20+$0xC930] =	vst v1  }
0x105: {  	[tilespmem:s20+$0xC940] =	vst v1  }
0x106: {  	[tilespmem:s20+$0xC950] =	vst v1  }
0x107: {  	[tilespmem:s20+$0xC960] =	vst v1  }
0x108: {  	[tilespmem:s20+$0xC970] =	vst v1  }
0x109: {  	[tilespmem:s20+$0xCD00] =	vst v1  }
0x10a: {  	[tilespmem:s20+$0xCD10] =	vst v1  }
0x10b: {  	[tilespmem:s20+$0xCD20] =	vst v1  }
0x10c: {  	[tilespmem:s20+$0xCD30] =	vst v1  }
0x10d: {  	[tilespmem:s20+$0xCD40] =	vst v1  }
0x10e: {  	[tilespmem:s20+$0xCD50] =	vst v1  }
0x10f: {  	[tilespmem:s20+$0xCD60] =	vst v1  }
0x110: {  	[tilespmem:s20+$0xCD70] =	vst v1  }
0x111: {  	[tilespmem:s20+$0xD100] =	vst v1  }
0x112: {  	[tilespmem:s20+$0xD110] =	vst v1  }
0x113: {  	[tilespmem:s20+$0xD120] =	vst v1  }
0x114: {  	[tilespmem:s20+$0xD130] =	vst v1  }
0x115: {  	[tilespmem:s20+$0xD140] =	vst v1  }
0x116: {  	[tilespmem:s20+$0xD150] =	vst v1  }
0x117: {  	[tilespmem:s20+$0xD160] =	vst v1  }
0x118: {  	[tilespmem:s20+$0xD170] =	vst v1  }
0x119: {  	[tilespmem:s20+$0xD500] =	vst v1  }
0x11a: {  	[tilespmem:s20+$0xD510] =	vst v1  }
0x11b: {  	[tilespmem:s20+$0xD520] =	vst v1  }
0x11c: {  	[tilespmem:s20+$0xD530] =	vst v1  }
0x11d: {  	[tilespmem:s20+$0xD540] =	vst v1  }
0x11e: {  	[tilespmem:s20+$0xD550] =	vst v1  }
0x11f: {  	[tilespmem:s20+$0xD560] =	vst v1  }
0x120: {  	[tilespmem:s20+$0xD570] =	vst v1  }
0x121: {  	[tilespmem:s20+$0x14900] =	vst v1  }
0x122: {  	[tilespmem:s20+$0x14910] =	vst v1  }
0x123: {  	[tilespmem:s20+$0x14920] =	vst v1  }
0x124: {  	[tilespmem:s20+$0x14930] =	vst v1  }
0x125: {  	[tilespmem:s20+$0x14940] =	vst v1  }
0x126: {  	[tilespmem:s20+$0x14950] =	vst v1  }
0x127: {  	[tilespmem:s20+$0x14960] =	vst v1  }
0x128: {  	[tilespmem:s20+$0x14970] =	vst v1  }
0x129: {  	[tilespmem:s20+$0x14D00] =	vst v1  }
0x12a: {  	[tilespmem:s20+$0x14D10] =	vst v1  }
0x12b: {  	[tilespmem:s20+$0x14D20] =	vst v1  }
0x12c: {  	[tilespmem:s20+$0x14D30] =	vst v1  }
0x12d: {  	[tilespmem:s20+$0x14D40] =	vst v1  }
0x12e: {  	[tilespmem:s20+$0x14D50] =	vst v1  }
0x12f: {  	(v2sf) =	vpush v2, $0x0;
	[tilespmem:s20+$0x14D60] =	vst v1  }
0x130: {  	[tilespmem:s20+$0x14D70] =	vst v1;
	(v2sf) =	vpush v2, $0x1  }
0x131: {  	[tilespmem:s20+$0x15100] =	vst v1  }
0x132: {  	[tilespmem:s20+$0x15110] =	vst v1  }
0x133: {  	[tilespmem:s20+$0x15120] =	vst v1  }
0x134: {  	[tilespmem:s20+$0x15130] =	vst v1  }
0x135: {  	[tilespmem:s20+$0x15140] =	vst v1  }
0x136: {  	[tilespmem:s20+$0x15150] =	vst v1  }
0x137: {  	[tilespmem:s20+$0x15160] =	vst v1  }
0x138: {  	[tilespmem:s20+$0x15170] =	vst v1  }
0x139: {  	[tilespmem:s20+$0x15500] =	vst v1  }
0x13a: {  	[tilespmem:s20+$0x15510] =	vst v1  }
0x13b: {  	[tilespmem:s20+$0x15520] =	vst v1  }
0x13c: {  	[tilespmem:s20+$0x15530] =	vst v1  }
0x13d: {  	[tilespmem:s20+$0x15540] =	vst v1  }
0x13e: {  	[tilespmem:s20+$0x15550] =	vst v1;
	s19 =	spop (v2sf)  }
0x13f: {  	[tilespmem:s20+$0x15560] =	vst v1;
	s20 =	spop (v2sf)  }
0x140: {  	p0 =	sgt.s32 s20, $0x0  }
.Ltmp3:
0x141: {  	_ = 	snop;
	(pc) =	sbr.rel @!p0 .LBB2_7-.Ltmp3, $2  }
0x142: {  	_ =	sdelay $0x2  }
0x143: {  	s21 =	simm.s32 $0x0  }
.LBB2_4:
0x144: {  	s22 =	sadd.s32 s19, s21  }
0x145: {  	s23 =	sshll.u32 s22, $0x8;
	s31 =	sshll.u32 s22, $0xB  }
0x146: {  	s23 =	sand.u32 $0x1FFFFF00, s23;
	s24 =	sadd.s32 $0x800, s31  }
0x147: {  	s23 =	sadd.s32 s2, s23;
	p0 =	slt.s32 s24, $0x7FFF0  }
0x148: {  	[tilespmem:s11], [sflag:$0x1] =	stream.linear.gather [hbm4b:s23+s3], $0x800, $0x38;
	[tilespmem:$0x1C900] =	vst v63  }
0x149: {  	s24 =	simm.s32 @!p0 $0x7FFF0  }
0x14a: {  	s24 =	sshrl.u32 s24, $0x3  }
0x14b: {  	s23 =	sand.u32 $0x1FFFF800, s31;
	s24 =	sadd.s32 s2, s24  }
0x14c: {  	[tilespmem:s12], [sflag:$0x1] =	stream.linear.gather [hbm4b:s24+s3], $0x10, $0x38;
	[tilespmem:$0x1C900] =	vst v63  }
0x14d: {  	s23 =	sadd.s32 s4, s23  }
0x14e: {  	[tilespmem:s13], [sflag:$0x1] =	stream.linear.gather [hbm4b:s23+s3], $0x4000, $0x38;
	[tilespmem:$0x1C900] =	vst v63  }
0x14f: {  	_ =	swait.ge [sflag:s14], $0x800  }
0x150: {  	[sflag:s14] =	ssyncset.done $0x0  }
0x151: {  	[sflag:s14] =	ssyncadd.s32 $0xFFFFF800  }
0x152: {  	_ =	swait.ge [sflag:s14], $0x10  }
0x153: {  	[sflag:s14] =	ssyncset.done $0x0  }
0x154: {  	[sflag:s14] =	ssyncadd.s32 $0xFFFFFFF0  }
0x155: {  	_ =	swait.ge [sflag:s14], $0x4000  }
0x156: {  	p0 =	sne.s32 s22, $0xFF;
	[sflag:s14] =	ssyncset.done $0x0  }
0x157: {  	v2 =	vimm.s32 @!p0 $0xFFFFFFFF;
	[sflag:s14] =	ssyncadd.s32 $0xFFFFC000  }
0x158: {  	s22 =	simm.s32 $0x9C0;
	s23 =	simm.s32 $0x0;
	[tilespmem:$0x880] =	vst @!p0 v2  }
.LBB2_5:
0x159: {  	s24 =	sshra.s32 s23, $0x2  }
0x15a: {  	v2 =	vld [tilespmem:s24+$0x80];
	_ =	sdelay $0x3  }
0x15b: {  	v3 =	vld [tilespmem:s24+$0x81]  }
0x15c: {  	v4 =	vsub.s32 v2, v0  }
0x15d: {  	vm0 =	vgt.s32 v4, $0x0  }
0x15e: {  	v5 =	vnsel vm0, $0x0, v4  }
0x15f: {  	v5 =	vmin.u32 v5, $0x7FFF  }
0x160: {  	vm6 =	vne.s32 v2, v3;
	vm1 =	vlt.u32 v4, $0x8000;
	v2 =	vshll.u32 v5, $0x3  }
0x161: {  	v3 =	vshrl.u32 v5, $0x2;
	v26 =	vand.u32 $0x707F, v5;
	v2 =	vand.u32 $0xC00, v2  }
0x162: {  	vm0 =	vmand vm6, vm1;
	v3 =	vand.u32 $0x380, v3;
	v2 =	vor.u32 v2, v26  }
0x163: {  	v27 =	vld [tilespmem:s22+$0xFFFFFF40];
	v2 =	vor.u32 v3, v2;
	_ =	sdelay $0x4  }
0x164: {  	[tilespmem:v2+s15+$0x0] =	vst.idx.msk vm0, v27  }
0x165: {  	v28 =	vor.u32 $0x8000, v2;
	v3 =	vld [tilespmem:s22+$0xFFFFFFC0];
	_ =	sdelay $0x4  }
0x166: {  	[tilespmem:v28+s15+$0x0] =	vst.idx.msk vm0, v3  }
0x167: {  	v2 =	vor.u32 $0x10000, v2;
	v3 =	vld [tilespmem:s22+$0x40];
	_ =	sdelay $0x4  }
0x168: {  	[tilespmem:v2+s15+$0x0] =	vst.idx.msk vm0, v3  }
0x169: {  	v2 =	vld [tilespmem:s24+$0x90];
	_ =	sdelay $0x3  }
0x16a: {  	v3 =	vld [tilespmem:s24+$0x91]  }
0x16b: {  	v29 =	vsub.s32 v2, v0  }
0x16c: {  	vm7 =	vgt.s32 v29, $0x0  }
0x16d: {  	v30 =	vnsel vm7, $0x0, v29  }
0x16e: {  	v5 =	vmin.u32 v30, $0x7FFF  }
0x16f: {  	vm8 =	vne.s32 v2, v3;
	vm9 =	vlt.u32 v29, $0x8000;
	v2 =	vshll.u32 v5, $0x3  }
0x170: {  	v3 =	vshrl.u32 v5, $0x2;
	v31 =	vand.u32 $0x707F, v5;
	v2 =	vand.u32 $0xC00, v2  }
0x171: {  	vm0 =	vmand vm8, vm9;
	v3 =	vand.u32 $0x380, v3;
	v2 =	vor.u32 v2, v31  }
0x172: {  	v32 =	vld [tilespmem:s22+$0xFFFFFF50];
	v2 =	vor.u32 v3, v2;
	_ =	sdelay $0x4  }
0x173: {  	[tilespmem:v2+s15+$0x0] =	vst.idx.msk vm0, v32  }
0x174: {  	v33 =	vor.u32 $0x8000, v2;
	v3 =	vld [tilespmem:s22+$0xFFFFFFD0];
	_ =	sdelay $0x4  }
0x175: {  	[tilespmem:v33+s15+$0x0] =	vst.idx.msk vm0, v3  }
0x176: {  	v2 =	vor.u32 $0x10000, v2;
	v3 =	vld [tilespmem:s22+$0x50];
	_ =	sdelay $0x4  }
0x177: {  	[tilespmem:v2+s15+$0x0] =	vst.idx.msk vm0, v3  }
0x178: {  	v2 =	vld [tilespmem:s24+$0xA0];
	_ =	sdelay $0x3  }
0x179: {  	v3 =	vld [tilespmem:s24+$0xA1]  }
0x17a: {  	v34 =	vsub.s32 v2, v0  }
0x17b: {  	vm10 =	vgt.s32 v34, $0x0  }
0x17c: {  	v35 =	vnsel vm10, $0x0, v34  }
0x17d: {  	v5 =	vmin.u32 v35, $0x7FFF  }
0x17e: {  	vm11 =	vne.s32 v2, v3;
	vm12 =	vlt.u32 v34, $0x8000;
	v2 =	vshll.u32 v5, $0x3  }
0x17f: {  	v3 =	vshrl.u32 v5, $0x2;
	v36 =	vand.u32 $0x707F, v5;
	v2 =	vand.u32 $0xC00, v2  }
0x180: {  	vm0 =	vmand vm11, vm12;
	v3 =	vand.u32 $0x380, v3;
	v2 =	vor.u32 v2, v36  }
0x181: {  	v37 =	vld [tilespmem:s22+$0xFFFFFF60];
	v2 =	vor.u32 v3, v2;
	_ =	sdelay $0x4  }
0x182: {  	[tilespmem:v2+s15+$0x0] =	vst.idx.msk vm0, v37  }
0x183: {  	v38 =	vor.u32 $0x8000, v2;
	v3 =	vld [tilespmem:s22+$0xFFFFFFE0];
	_ =	sdelay $0x4  }
0x184: {  	[tilespmem:v38+s15+$0x0] =	vst.idx.msk vm0, v3  }
0x185: {  	v2 =	vor.u32 $0x10000, v2;
	v3 =	vld [tilespmem:s22+$0x60];
	_ =	sdelay $0x4  }
0x186: {  	[tilespmem:v2+s15+$0x0] =	vst.idx.msk vm0, v3  }
0x187: {  	v2 =	vld [tilespmem:s24+$0xB0];
	_ =	sdelay $0x3  }
0x188: {  	v3 =	vld [tilespmem:s24+$0xB1]  }
0x189: {  	v39 =	vsub.s32 v2, v0  }
0x18a: {  	vm13 =	vgt.s32 v39, $0x0  }
0x18b: {  	v40 =	vnsel vm13, $0x0, v39  }
0x18c: {  	v5 =	vmin.u32 v40, $0x7FFF  }
0x18d: {  	vm14 =	vne.s32 v2, v3;
	vm15 =	vlt.u32 v39, $0x8000;
	v2 =	vshll.u32 v5, $0x3  }
0x18e: {  	v3 =	vshrl.u32 v5, $0x2;
	v41 =	vand.u32 $0x707F, v5;
	v2 =	vand.u32 $0xC00, v2  }
0x18f: {  	vm0 =	vmand vm14, vm15;
	v3 =	vand.u32 $0x380, v3;
	v2 =	vor.u32 v2, v41  }
0x190: {  	v42 =	vld [tilespmem:s22+$0xFFFFFF70];
	v2 =	vor.u32 v3, v2;
	_ =	sdelay $0x4  }
0x191: {  	[tilespmem:v2+s15+$0x0] =	vst.idx.msk vm0, v42  }
0x192: {  	v43 =	vor.u32 $0x8000, v2;
	v3 =	vld [tilespmem:s22+$0xFFFFFFF0];
	_ =	sdelay $0x4  }
0x193: {  	[tilespmem:v43+s15+$0x0] =	vst.idx.msk vm0, v3  }
0x194: {  	v2 =	vor.u32 $0x10000, v2;
	v3 =	vld [tilespmem:s22+$0x70];
	_ =	sdelay $0x4  }
0x195: {  	[tilespmem:v2+s15+$0x0] =	vst.idx.msk vm0, v3  }
0x196: {  	v2 =	vld [tilespmem:s24+$0xC0];
	_ =	sdelay $0x3  }
0x197: {  	v3 =	vld [tilespmem:s24+$0xC1]  }
0x198: {  	v44 =	vsub.s32 v2, v0  }
0x199: {  	vm4 =	vgt.s32 v44, $0x0  }
0x19a: {  	v45 =	vnsel vm4, $0x0, v44  }
0x19b: {  	v5 =	vmin.u32 v45, $0x7FFF  }
0x19c: {  	vm5 =	vne.s32 v2, v3;
	vm6 =	vlt.u32 v44, $0x8000;
	v2 =	vshll.u32 v5, $0x3  }
0x19d: {  	v3 =	vshrl.u32 v5, $0x2;
	v46 =	vand.u32 $0x707F, v5;
	v2 =	vand.u32 $0xC00, v2  }
0x19e: {  	vm0 =	vmand vm5, vm6;
	v3 =	vand.u32 $0x380, v3;
	v2 =	vor.u32 v2, v46  }
0x19f: {  	v47 =	vld [tilespmem:s22+$0xFFFFFF80];
	v2 =	vor.u32 v3, v2;
	_ =	sdelay $0x4  }
0x1a0: {  	[tilespmem:v2+s15+$0x0] =	vst.idx.msk vm0, v47  }
0x1a1: {  	v48 =	vor.u32 $0x8000, v2;
	v3 =	vld [tilespmem:s22+$0x0];
	_ =	sdelay $0x4  }
0x1a2: {  	[tilespmem:v48+s15+$0x0] =	vst.idx.msk vm0, v3  }
0x1a3: {  	v2 =	vor.u32 $0x10000, v2;
	v3 =	vld [tilespmem:s22+$0x80];
	_ =	sdelay $0x4  }
0x1a4: {  	[tilespmem:v2+s15+$0x0] =	vst.idx.msk vm0, v3  }
0x1a5: {  	v2 =	vld [tilespmem:s24+$0xD0];
	_ =	sdelay $0x3  }
0x1a6: {  	v3 =	vld [tilespmem:s24+$0xD1]  }
0x1a7: {  	v49 =	vsub.s32 v2, v0  }
0x1a8: {  	vm7 =	vgt.s32 v49, $0x0  }
0x1a9: {  	v50 =	vnsel vm7, $0x0, v49  }
0x1aa: {  	v5 =	vmin.u32 v50, $0x7FFF  }
0x1ab: {  	vm8 =	vne.s32 v2, v3;
	vm9 =	vlt.u32 v49, $0x8000;
	v2 =	vshll.u32 v5, $0x3  }
0x1ac: {  	v3 =	vshrl.u32 v5, $0x2;
	v51 =	vand.u32 $0x707F, v5;
	v2 =	vand.u32 $0xC00, v2  }
0x1ad: {  	vm0 =	vmand vm8, vm9;
	v3 =	vand.u32 $0x380, v3;
	v2 =	vor.u32 v2, v51  }
0x1ae: {  	v52 =	vld [tilespmem:s22+$0xFFFFFF90];
	v2 =	vor.u32 v3, v2;
	_ =	sdelay $0x4  }
0x1af: {  	[tilespmem:v2+s15+$0x0] =	vst.idx.msk vm0, v52  }
0x1b0: {  	v53 =	vor.u32 $0x8000, v2;
	v3 =	vld [tilespmem:s22+$0x10];
	_ =	sdelay $0x4  }
0x1b1: {  	[tilespmem:v53+s15+$0x0] =	vst.idx.msk vm0, v3  }
0x1b2: {  	v2 =	vor.u32 $0x10000, v2;
	v3 =	vld [tilespmem:s22+$0x90];
	_ =	sdelay $0x4  }
0x1b3: {  	[tilespmem:v2+s15+$0x0] =	vst.idx.msk vm0, v3  }
0x1b4: {  	v2 =	vld [tilespmem:s24+$0xE0];
	_ =	sdelay $0x3  }
0x1b5: {  	v3 =	vld [tilespmem:s24+$0xE1]  }
0x1b6: {  	v54 =	vsub.s32 v2, v0  }
0x1b7: {  	vm10 =	vgt.s32 v54, $0x0  }
0x1b8: {  	v55 =	vnsel vm10, $0x0, v54  }
0x1b9: {  	v5 =	vmin.u32 v55, $0x7FFF  }
0x1ba: {  	vm11 =	vne.s32 v2, v3;
	vm12 =	vlt.u32 v54, $0x8000;
	v2 =	vshll.u32 v5, $0x3  }
0x1bb: {  	v3 =	vshrl.u32 v5, $0x2;
	v56 =	vand.u32 $0x707F, v5;
	v2 =	vand.u32 $0xC00, v2  }
0x1bc: {  	vm0 =	vmand vm11, vm12;
	v3 =	vand.u32 $0x380, v3;
	v2 =	vor.u32 v2, v56  }
0x1bd: {  	v57 =	vld [tilespmem:s22+$0xFFFFFFA0];
	v2 =	vor.u32 v3, v2;
	_ =	sdelay $0x4  }
0x1be: {  	[tilespmem:v2+s15+$0x0] =	vst.idx.msk vm0, v57  }
0x1bf: {  	v58 =	vor.u32 $0x8000, v2;
	v3 =	vld [tilespmem:s22+$0x20];
	_ =	sdelay $0x4  }
0x1c0: {  	[tilespmem:v58+s15+$0x0] =	vst.idx.msk vm0, v3  }
0x1c1: {  	v2 =	vor.u32 $0x10000, v2;
	v3 =	vld [tilespmem:s22+$0xA0];
	_ =	sdelay $0x4  }
0x1c2: {  	[tilespmem:v2+s15+$0x0] =	vst.idx.msk vm0, v3  }
0x1c3: {  	v2 =	vld [tilespmem:s24+$0xF0];
	_ =	sdelay $0x3  }
0x1c4: {  	v3 =	vld [tilespmem:s24+$0xF1]  }
0x1c5: {  	v59 =	vsub.s32 v2, v0  }
0x1c6: {  	vm13 =	vgt.s32 v59, $0x0  }
0x1c7: {  	v60 =	vnsel vm13, $0x0, v59  }
0x1c8: {  	v5 =	vmin.u32 v60, $0x7FFF  }
0x1c9: {  	vm14 =	vne.s32 v2, v3;
	vm15 =	vlt.u32 v59, $0x8000;
	v2 =	vshll.u32 v5, $0x3  }
0x1ca: {  	v3 =	vshrl.u32 v5, $0x2;
	v61 =	vand.u32 $0x707F, v5;
	v2 =	vand.u32 $0xC00, v2  }
0x1cb: {  	vm0 =	vmand vm14, vm15;
	v3 =	vand.u32 $0x380, v3;
	v2 =	vor.u32 v2, v61  }
0x1cc: {  	v62 =	vld [tilespmem:s22+$0xFFFFFFB0];
	v2 =	vor.u32 v3, v2;
	_ =	sdelay $0x4  }
0x1cd: {  	[tilespmem:v2+s15+$0x0] =	vst.idx.msk vm0, v62  }
0x1ce: {  	v63 =	vor.u32 $0x8000, v2;
	v3 =	vld [tilespmem:s22+$0x30];
	_ =	sdelay $0x4  }
0x1cf: {  	[tilespmem:v63+s15+$0x0] =	vst.idx.msk vm0, v3  }
0x1d0: {  	p0 =	sne.s32 s23, $0x1E00;
	v2 =	vor.u32 $0x10000, v2;
	v3 =	vld [tilespmem:s22+$0xB0]  }
.Ltmp4:
0x1d1: {  	_ = 	snop;
	(pc) =	sbr.rel @p0 .LBB2_5-.Ltmp4, $2  }
0x1d2: {  	_ =	sdelay $0x2  }
0x1d3: {  	s23 =	sadd.s32 $0x200, s23;
	s22 =	sadd.s32 $0x400, s22;
	[tilespmem:v2+s15+$0x0] =	vst.idx.msk vm0, v3  }
0x1d4: {  	s21 =	sadd.s32 $0x1, s21  }
0x1d5: {  	p0 =	sne.s32 s21, s20  }
.Ltmp5:
0x1d6: {  	_ = 	snop;
	(pc) =	sbr.rel @p0 .LBB2_4-.Ltmp5, $4  }
.Ltmp6:
0x1d7: {  	_ = 	snop;
	(pc) =	sbr.rel @!p0 .LBB2_7-.Ltmp6, $4  }
0x1d8: {  	_ = 	snop  }
0x1d9: {  	_ = 	snop  }
0x1da: {  	_ = 	snop  }
0x1db: {  	_ = 	snop  }
.LBB2_8:
0x1dc: {  	_ =	sfence.sel $0x180000  }
0x1dd: {  	[bflag:$0x0] =	sbarrier.arrive $0xFFFF  }
0x1de: {  	p0 =	sne.s32 s1, $0x0;
	_ =	strace $0x90000047  }
0x1df: {  	s0 =	sadd.s32 @!p0 $0x100000, s0;
	[bflag:$0x2] =	sbarrier.arrive $0xFFFF  }
0x1e0: {  	[sflag:s0] =	ssyncadd.tile.s32 @!p0 $0x1;
	_ =	shalt  }
.Lfunc_end2:
_tile_overlayer_lowered:
.L_overlay_start_2:
0x1e1: {  	(tag) =	ssettag $0x2  }
0x1e2: {  	s0 =	rddreg [dreg:$0x0];
	s2 =	stileid.u32  }
0x1e3: {  	s1 =	rddreg [dreg:$0x1];
	p0 =	sne.s32 s2, $0x0  }
0x1e4: {  	s3 =	rddreg [dreg:$0x2];
	[bflag:$0x3] =	sbarrier.arrive $0xFFFF;
	s2 =	simm.s32 @!p0 $0x1C02  }
0x1e5: {  	[timem:s3], [sflag:s2] =	dma.local @!p0 [hbm:s0], s1  }
0x1e6: {  	s0 =	simm.s32 @!p0 $0x2  }
0x1e7: {  	_ =	swait.ge @!p0 [sflag:s0], s1  }
0x1e8: {  	s1 =	ssub.s32 @!p0 $0x0, s1;
	[sflag:s0] =	ssyncset.done @!p0 $0x0  }
0x1e9: {  	[sflag:s0] =	ssyncadd.s32 @!p0 s1  }
0x1ea: {  	[bflag:$0x3] =	sbarrier.arrive $0xFFFF  }
0x1eb: {  	_ =	shalt  }

</sc_bundles>
